<compile_context>
chip_gen: v7x
topology: tpu7x:2x2x1
jax: 0.10.2.dev20260603
libtpu: 0.0.44.dev20260713+nightly
codegen_flags: <defaults>
</compile_context>

<pallas_src>
import functools
import math

import jax
import jax.numpy as jnp
from jax import lax
from jax.experimental import pallas as pl
from jax.experimental.pallas import tpu as pltpu
from jax.experimental.pallas import tpu_sc as plsc

ROWS = 4096
SEQ = 50
D = 128
SCALE = math.sqrt(D)

NC = 2
NS = 16
NW = NC * NS
LANES = 16

R_PER_W = ROWS // NW
RCHUNK = 4
N_CHUNKS = R_PER_W // RCHUNK
NBUF = 2


def _body(tok_hbm, table_hbm, out_hbm, idx_v, in_v, out_v, gsem, wsem):
    wid = lax.axis_index("s") * NC + lax.axis_index("c")
    base = wid * R_PER_W

    pltpu.sync_copy(tok_hbm.at[pl.ds(base, R_PER_W)], idx_v)

    def gather_start(c, b):
        for r in range(RCHUNK):
            pltpu.async_copy(table_hbm.at[idx_v.at[c * RCHUNK + r]],
                             in_v[b].at[r], gsem[b])

    def gather_wait(c, b):
        for r in range(RCHUNK):
            pltpu.make_async_copy(table_hbm.at[idx_v.at[c * RCHUNK + r]],
                                  in_v[b].at[r], gsem[b]).wait()

    def write_start(c, b):
        pltpu.async_copy(
            out_v[b], out_hbm.at[pl.ds(base + c * RCHUNK, RCHUNK)], wsem[b])

    def write_wait(c, b):
        pltpu.make_async_copy(
            out_v[b], out_hbm.at[pl.ds(base + c * RCHUNK, RCHUNK)],
            wsem[b]).wait()

    def scale(b):
        @pl.loop(0, SEQ, unroll=2)
        def _tok(t):
            for r in range(RCHUNK):
                for k in range(D // LANES):
                    sl = pl.ds(k * LANES, LANES)
                    out_v[b][r, t, sl] = in_v[b][r, t, sl] * SCALE

    for b in range(NBUF):
        gather_start(b, b)

    @pl.loop(0, N_CHUNKS, step=NBUF)
    def _grp(j):
        for b in range(NBUF):
            c = j + b
            gather_wait(c, b)

            @pl.when(c >= NBUF)
            def _():
                write_wait(c - NBUF, b)

            scale(b)

            @pl.when(c + NBUF < N_CHUNKS)
            def _():
                gather_start(c + NBUF, b)

            write_start(c, b)

    for b in range(NBUF):
        write_wait(N_CHUNKS - NBUF + b, b)


@jax.jit
def _embed(tokens, table):
    mesh = plsc.VectorSubcoreMesh(
        core_axis_name="c", subcore_axis_name="s",
        num_cores=NC, num_subcores=NS,
    )
    kern = pl.kernel(
        _body,
        out_type=jax.ShapeDtypeStruct((ROWS, SEQ, D), jnp.float32),
        mesh=mesh,
        scratch_types=[
            pltpu.VMEM((R_PER_W, SEQ), jnp.int32),
            [pltpu.VMEM((RCHUNK, SEQ, D), jnp.float32) for _ in range(NBUF)],
            [pltpu.VMEM((RCHUNK, SEQ, D), jnp.float32) for _ in range(NBUF)],
            [pltpu.SemaphoreType.DMA for _ in range(NBUF)],
            [pltpu.SemaphoreType.DMA for _ in range(NBUF)],
        ],
    )
    return kern(tokens, table)


def kernel(tokens, table):
    return _embed(tokens.astype(jnp.int32), table)

# --- scband reference (transcript-rebuilt; emitter-appended) ---
"""Pipeline reference for scband-token-embedding-32212254720462 (READ-ONLY COPY).

The authoritative reference and input builder live on the scoring server;
editing this copy changes nothing except your own understanding.
"""

import jax, jax.numpy as jnp
import numpy as np
import math

VOCAB = 100000
EMB = 128

def setup_inputs(seed: int = 0) -> dict:
    key = jax.random.key(seed)
    k1, k2 = jax.random.split(key)
    tokens = jax.random.randint(k1, (4096, 50), 0, VOCAB, dtype=jnp.int64) if jax.config.jax_enable_x64 else jax.random.randint(k1, (4096, 50), 0, VOCAB, dtype=jnp.int32)
    table = jax.random.normal(k2, (VOCAB, EMB), dtype=jnp.float32)
    return {"tokens": tokens, "table": table}

def reference(tokens, table):
    # TokenEmbedding.forward: embedding(tokens.long()) * sqrt(emb_size)
    emb = jnp.take(table, tokens, axis=0)
    return emb * math.sqrt(EMB)

if __name__ == "__main__":
    import jax
    _d = setup_inputs()
    print(jax.jit(kernel)(*tuple(_d.values())))

</pallas_src>

<mosaic_0001>
#map = affine_map<(d0, d1) -> (0, 0)>
#map1 = affine_map<(d0, d1) -> (0, 0, 0)>
module attributes {stable_mosaic.version = 14 : i64} {
  func.func @_body(%arg0: i32, %arg1: i32, %arg2: memref<4096x50xi32, #tpu.memory_space<hbm>>, %arg3: memref<100000x128xf32, #tpu.memory_space<hbm>>, %arg4: memref<4096x50x128xf32, #tpu.memory_space<hbm>>, %arg5: memref<128x50xi32, #tpu.memory_space<vmem>>, %arg6: memref<4x50x128xf32, #tpu.memory_space<vmem>>, %arg7: memref<4x50x128xf32, #tpu.memory_space<vmem>>, %arg8: memref<4x50x128xf32, #tpu.memory_space<vmem>>, %arg9: memref<4x50x128xf32, #tpu.memory_space<vmem>>, %arg10: memref<!tpu.dma_semaphore, #tpu.memory_space<semaphore_mem>>, %arg11: memref<!tpu.dma_semaphore, #tpu.memory_space<semaphore_mem>>, %arg12: memref<!tpu.dma_semaphore, #tpu.memory_space<semaphore_mem>>, %arg13: memref<!tpu.dma_semaphore, #tpu.memory_space<semaphore_mem>>) attributes {dimension_semantics = [#tpu.dimension_semantics<core_parallel>, #tpu.dimension_semantics<subcore_parallel>], iteration_bounds = array<i64: 2, 16>, scalar_prefetch = 0 : i64, scratch_operands = 9 : i64, tpu.core_type = #tpu.core_type<sc_vector_subcore>, window_params = [{transform_indices = #map}, {transform_indices = #map}, {transform_indices = #map1}]} {
    %mul3A = arith.constant 2 : i32
    %mul3A_0 = arith.muli %arg1, %mul3A : i32
    %add3A = arith.addi %mul3A_0, %arg0 : i32
    %mul3A_1 = arith.constant 128 : i32
    %mul3A_2 = arith.muli %add3A, %mul3A_1 : i32
    "tpu.region"() ({
      %run_scoped3A = tpu.sem_alloc : memref<!tpu.dma_semaphore, #tpu.memory_space<semaphore_mem>>
      %dma_start3A_117 = arith.constant 0 : i32
      %dma_start3A_118 = tpu.memref_slice %arg2[%mul3A_2, %dma_start3A_117] : memref<4096x50xi32, #tpu.memory_space<hbm>> -> memref<128x50xi32, #tpu.memory_space<hbm>>
      %dma_start3A_119 = arith.constant 0 : i32
      %dma_start3A_120 = tpu.memref_slice %arg2[%mul3A_2, %dma_start3A_119] : memref<4096x50xi32, #tpu.memory_space<hbm>> -> memref<128x50xi32, #tpu.memory_space<hbm>>
      tpu.enqueue_dma source(%dma_start3A_120 : memref<128x50xi32, #tpu.memory_space<hbm>>) target(%arg5 : memref<128x50xi32, #tpu.memory_space<vmem>>) target_semaphore(%run_scoped3A : memref<!tpu.dma_semaphore, #tpu.memory_space<semaphore_mem>>)
      %dma_wait3A_121 = arith.constant 0 : i32
      %dma_wait3A_122 = tpu.memref_slice %arg2[%mul3A_2, %dma_wait3A_121] : memref<4096x50xi32, #tpu.memory_space<hbm>> -> memref<128x50xi32, #tpu.memory_space<hbm>>
      %dma_wait3A_123 = arith.constant 0 : i32
      %dma_wait3A_124 = tpu.memref_slice %arg2[%mul3A_2, %dma_wait3A_123] : memref<4096x50xi32, #tpu.memory_space<hbm>> -> memref<128x50xi32, #tpu.memory_space<hbm>>
      tpu.wait_dma2 semaphore(%run_scoped3A : memref<!tpu.dma_semaphore, #tpu.memory_space<semaphore_mem>>) src(%dma_wait3A_124 : memref<128x50xi32, #tpu.memory_space<hbm>>) dst(%arg5 : memref<128x50xi32, #tpu.memory_space<vmem>>)
      tpu.yield
    }) : () -> ()
    %dma_start3A = arith.constant 0 : i32
    %dma_start3A_3 = arith.constant 0 : i32
    %dma_start3A_4 = arith.constant 0 : i32
    %dma_start3A_5 = arith.constant 0 : i32
    %dma_start3A_6 = tpu.memref_slice %arg6[%dma_start3A_3, %dma_start3A_4, %dma_start3A_5] : memref<4x50x128xf32, #tpu.memory_space<vmem>> -> memref<1x50x128xf32, #tpu.memory_space<vmem>>
    %dma_start3A_7 = tpu.memref_squeeze %dma_start3A_6 : memref<1x50x128xf32, #tpu.memory_space<vmem>> -> memref<50x128xf32, #tpu.memory_space<vmem>>
    %dma_start3A_8 = arith.constant 0 : i32
    %dma_start3A_9 = tpu.memref_slice %arg5[%dma_start3A, %dma_start3A_8] : memref<128x50xi32, #tpu.memory_space<vmem>> -> memref<1x50xi32, #tpu.memory_space<vmem>>
    %dma_start3A_10 = tpu.memref_squeeze %dma_start3A_9 : memref<1x50xi32, #tpu.memory_space<vmem>> -> memref<50xi32, #tpu.memory_space<vmem>>
    %dma_start3A_11 = arith.constant 0 : i32
    %dma_start3A_12 = arith.constant 0 : i32
    %dma_start3A_13 = tpu.memref_slice %arg3[%dma_start3A_11, %dma_start3A_12] : memref<100000x128xf32, #tpu.memory_space<hbm>> -> memref<100000x128xf32, #tpu.memory_space<hbm>>
    tpu.enqueue_indirect_dma source(%dma_start3A_13 : memref<100000x128xf32, #tpu.memory_space<hbm>>) target(%dma_start3A_7 : memref<50x128xf32, #tpu.memory_space<vmem>>) offsets(%dma_start3A_10 : memref<50xi32, #tpu.memory_space<vmem>>) semaphore(%arg10 : memref<!tpu.dma_semaphore, #tpu.memory_space<semaphore_mem>>)
    %dma_start3A_14 = arith.constant 1 : i32
    %dma_start3A_15 = arith.constant 1 : i32
    %dma_start3A_16 = arith.constant 0 : i32
    %dma_start3A_17 = arith.constant 0 : i32
    %dma_start3A_18 = tpu.memref_slice %arg6[%dma_start3A_15, %dma_start3A_16, %dma_start3A_17] : memref<4x50x128xf32, #tpu.memory_space<vmem>> -> memref<1x50x128xf32, #tpu.memory_space<vmem>>
    %dma_start3A_19 = tpu.memref_squeeze %dma_start3A_18 : memref<1x50x128xf32, #tpu.memory_space<vmem>> -> memref<50x128xf32, #tpu.memory_space<vmem>>
    %dma_start3A_20 = arith.constant 0 : i32
    %dma_start3A_21 = tpu.memref_slice %arg5[%dma_start3A_14, %dma_start3A_20] : memref<128x50xi32, #tpu.memory_space<vmem>> -> memref<1x50xi32, #tpu.memory_space<vmem>>
    %dma_start3A_22 = tpu.memref_squeeze %dma_start3A_21 : memref<1x50xi32, #tpu.memory_space<vmem>> -> memref<50xi32, #tpu.memory_space<vmem>>
    %dma_start3A_23 = arith.constant 0 : i32
    %dma_start3A_24 = arith.constant 0 : i32
    %dma_start3A_25 = tpu.memref_slice %arg3[%dma_start3A_23, %dma_start3A_24] : memref<100000x128xf32, #tpu.memory_space<hbm>> -> memref<100000x128xf32, #tpu.memory_space<hbm>>
    tpu.enqueue_indirect_dma source(%dma_start3A_25 : memref<100000x128xf32, #tpu.memory_space<hbm>>) target(%dma_start3A_19 : memref<50x128xf32, #tpu.memory_space<vmem>>) offsets(%dma_start3A_22 : memref<50xi32, #tpu.memory_space<vmem>>) semaphore(%arg10 : memref<!tpu.dma_semaphore, #tpu.memory_space<semaphore_mem>>)
    %dma_start3A_26 = arith.constant 2 : i32
    %dma_start3A_27 = arith.constant 2 : i32
    %dma_start3A_28 = arith.constant 0 : i32
    %dma_start3A_29 = arith.constant 0 : i32
    %dma_start3A_30 = tpu.memref_slice %arg6[%dma_start3A_27, %dma_start3A_28, %dma_start3A_29] : memref<4x50x128xf32, #tpu.memory_space<vmem>> -> memref<1x50x128xf32, #tpu.memory_space<vmem>>
    %dma_start3A_31 = tpu.memref_squeeze %dma_start3A_30 : memref<1x50x128xf32, #tpu.memory_space<vmem>> -> memref<50x128xf32, #tpu.memory_space<vmem>>
    %dma_start3A_32 = arith.constant 0 : i32
    %dma_start3A_33 = tpu.memref_slice %arg5[%dma_start3A_26, %dma_start3A_32] : memref<128x50xi32, #tpu.memory_space<vmem>> -> memref<1x50xi32, #tpu.memory_space<vmem>>
    %dma_start3A_34 = tpu.memref_squeeze %dma_start3A_33 : memref<1x50xi32, #tpu.memory_space<vmem>> -> memref<50xi32, #tpu.memory_space<vmem>>
    %dma_start3A_35 = arith.constant 0 : i32
    %dma_start3A_36 = arith.constant 0 : i32
    %dma_start3A_37 = tpu.memref_slice %arg3[%dma_start3A_35, %dma_start3A_36] : memref<100000x128xf32, #tpu.memory_space<hbm>> -> memref<100000x128xf32, #tpu.memory_space<hbm>>
    tpu.enqueue_indirect_dma source(%dma_start3A_37 : memref<100000x128xf32, #tpu.memory_space<hbm>>) target(%dma_start3A_31 : memref<50x128xf32, #tpu.memory_space<vmem>>) offsets(%dma_start3A_34 : memref<50xi32, #tpu.memory_space<vmem>>) semaphore(%arg10 : memref<!tpu.dma_semaphore, #tpu.memory_space<semaphore_mem>>)
    %dma_start3A_38 = arith.constant 3 : i32
    %dma_start3A_39 = arith.constant 3 : i32
    %dma_start3A_40 = arith.constant 0 : i32
    %dma_start3A_41 = arith.constant 0 : i32
    %dma_start3A_42 = tpu.memref_slice %arg6[%dma_start3A_39, %dma_start3A_40, %dma_start3A_41] : memref<4x50x128xf32, #tpu.memory_space<vmem>> -> memref<1x50x128xf32, #tpu.memory_space<vmem>>
    %dma_start3A_43 = tpu.memref_squeeze %dma_start3A_42 : memref<1x50x128xf32, #tpu.memory_space<vmem>> -> memref<50x128xf32, #tpu.memory_space<vmem>>
    %dma_start3A_44 = arith.constant 0 : i32
    %dma_start3A_45 = tpu.memref_slice %arg5[%dma_start3A_38, %dma_start3A_44] : memref<128x50xi32, #tpu.memory_space<vmem>> -> memref<1x50xi32, #tpu.memory_space<vmem>>
    %dma_start3A_46 = tpu.memref_squeeze %dma_start3A_45 : memref<1x50xi32, #tpu.memory_space<vmem>> -> memref<50xi32, #tpu.memory_space<vmem>>
    %dma_start3A_47 = arith.constant 0 : i32
    %dma_start3A_48 = arith.constant 0 : i32
    %dma_start3A_49 = tpu.memref_slice %arg3[%dma_start3A_47, %dma_start3A_48] : memref<100000x128xf32, #tpu.memory_space<hbm>> -> memref<100000x128xf32, #tpu.memory_space<hbm>>
    tpu.enqueue_indirect_dma source(%dma_start3A_49 : memref<100000x128xf32, #tpu.memory_space<hbm>>) target(%dma_start3A_43 : memref<50x128xf32, #tpu.memory_space<vmem>>) offsets(%dma_start3A_46 : memref<50xi32, #tpu.memory_space<vmem>>) semaphore(%arg10 : memref<!tpu.dma_semaphore, #tpu.memory_space<semaphore_mem>>)
    %dma_start3A_50 = arith.constant 4 : i32
    %dma_start3A_51 = arith.constant 0 : i32
    %dma_start3A_52 = arith.constant 0 : i32
    %dma_start3A_53 = arith.constant 0 : i32
    %dma_start3A_54 = tpu.memref_slice %arg7[%dma_start3A_51, %dma_start3A_52, %dma_start3A_53] : memref<4x50x128xf32, #tpu.memory_space<vmem>> -> memref<1x50x128xf32, #tpu.memory_space<vmem>>
    %dma_start3A_55 = tpu.memref_squeeze %dma_start3A_54 : memref<1x50x128xf32, #tpu.memory_space<vmem>> -> memref<50x128xf32, #tpu.memory_space<vmem>>
    %dma_start3A_56 = arith.constant 0 : i32
    %dma_start3A_57 = tpu.memref_slice %arg5[%dma_start3A_50, %dma_start3A_56] : memref<128x50xi32, #tpu.memory_space<vmem>> -> memref<1x50xi32, #tpu.memory_space<vmem>>
    %dma_start3A_58 = tpu.memref_squeeze %dma_start3A_57 : memref<1x50xi32, #tpu.memory_space<vmem>> -> memref<50xi32, #tpu.memory_space<vmem>>
    %dma_start3A_59 = arith.constant 0 : i32
    %dma_start3A_60 = arith.constant 0 : i32
    %dma_start3A_61 = tpu.memref_slice %arg3[%dma_start3A_59, %dma_start3A_60] : memref<100000x128xf32, #tpu.memory_space<hbm>> -> memref<100000x128xf32, #tpu.memory_space<hbm>>
    tpu.enqueue_indirect_dma source(%dma_start3A_61 : memref<100000x128xf32, #tpu.memory_space<hbm>>) target(%dma_start3A_55 : memref<50x128xf32, #tpu.memory_space<vmem>>) offsets(%dma_start3A_58 : memref<50xi32, #tpu.memory_space<vmem>>) semaphore(%arg11 : memref<!tpu.dma_semaphore, #tpu.memory_space<semaphore_mem>>)
    %dma_start3A_62 = arith.constant 5 : i32
    %dma_start3A_63 = arith.constant 1 : i32
    %dma_start3A_64 = arith.constant 0 : i32
    %dma_start3A_65 = arith.constant 0 : i32
    %dma_start3A_66 = tpu.memref_slice %arg7[%dma_start3A_63, %dma_start3A_64, %dma_start3A_65] : memref<4x50x128xf32, #tpu.memory_space<vmem>> -> memref<1x50x128xf32, #tpu.memory_space<vmem>>
    %dma_start3A_67 = tpu.memref_squeeze %dma_start3A_66 : memref<1x50x128xf32, #tpu.memory_space<vmem>> -> memref<50x128xf32, #tpu.memory_space<vmem>>
    %dma_start3A_68 = arith.constant 0 : i32
    %dma_start3A_69 = tpu.memref_slice %arg5[%dma_start3A_62, %dma_start3A_68] : memref<128x50xi32, #tpu.memory_space<vmem>> -> memref<1x50xi32, #tpu.memory_space<vmem>>
    %dma_start3A_70 = tpu.memref_squeeze %dma_start3A_69 : memref<1x50xi32, #tpu.memory_space<vmem>> -> memref<50xi32, #tpu.memory_space<vmem>>
    %dma_start3A_71 = arith.constant 0 : i32
    %dma_start3A_72 = arith.constant 0 : i32
    %dma_start3A_73 = tpu.memref_slice %arg3[%dma_start3A_71, %dma_start3A_72] : memref<100000x128xf32, #tpu.memory_space<hbm>> -> memref<100000x128xf32, #tpu.memory_space<hbm>>
    tpu.enqueue_indirect_dma source(%dma_start3A_73 : memref<100000x128xf32, #tpu.memory_space<hbm>>) target(%dma_start3A_67 : memref<50x128xf32, #tpu.memory_space<vmem>>) offsets(%dma_start3A_70 : memref<50xi32, #tpu.memory_space<vmem>>) semaphore(%arg11 : memref<!tpu.dma_semaphore, #tpu.memory_space<semaphore_mem>>)
    %dma_start3A_74 = arith.constant 6 : i32
    %dma_start3A_75 = arith.constant 2 : i32
    %dma_start3A_76 = arith.constant 0 : i32
    %dma_start3A_77 = arith.constant 0 : i32
    %dma_start3A_78 = tpu.memref_slice %arg7[%dma_start3A_75, %dma_start3A_76, %dma_start3A_77] : memref<4x50x128xf32, #tpu.memory_space<vmem>> -> memref<1x50x128xf32, #tpu.memory_space<vmem>>
    %dma_start3A_79 = tpu.memref_squeeze %dma_start3A_78 : memref<1x50x128xf32, #tpu.memory_space<vmem>> -> memref<50x128xf32, #tpu.memory_space<vmem>>
    %dma_start3A_80 = arith.constant 0 : i32
    %dma_start3A_81 = tpu.memref_slice %arg5[%dma_start3A_74, %dma_start3A_80] : memref<128x50xi32, #tpu.memory_space<vmem>> -> memref<1x50xi32, #tpu.memory_space<vmem>>
    %dma_start3A_82 = tpu.memref_squeeze %dma_start3A_81 : memref<1x50xi32, #tpu.memory_space<vmem>> -> memref<50xi32, #tpu.memory_space<vmem>>
    %dma_start3A_83 = arith.constant 0 : i32
    %dma_start3A_84 = arith.constant 0 : i32
    %dma_start3A_85 = tpu.memref_slice %arg3[%dma_start3A_83, %dma_start3A_84] : memref<100000x128xf32, #tpu.memory_space<hbm>> -> memref<100000x128xf32, #tpu.memory_space<hbm>>
    tpu.enqueue_indirect_dma source(%dma_start3A_85 : memref<100000x128xf32, #tpu.memory_space<hbm>>) target(%dma_start3A_79 : memref<50x128xf32, #tpu.memory_space<vmem>>) offsets(%dma_start3A_82 : memref<50xi32, #tpu.memory_space<vmem>>) semaphore(%arg11 : memref<!tpu.dma_semaphore, #tpu.memory_space<semaphore_mem>>)
    %dma_start3A_86 = arith.constant 7 : i32
    %dma_start3A_87 = arith.constant 3 : i32
    %dma_start3A_88 = arith.constant 0 : i32
    %dma_start3A_89 = arith.constant 0 : i32
    %dma_start3A_90 = tpu.memref_slice %arg7[%dma_start3A_87, %dma_start3A_88, %dma_start3A_89] : memref<4x50x128xf32, #tpu.memory_space<vmem>> -> memref<1x50x128xf32, #tpu.memory_space<vmem>>
    %dma_start3A_91 = tpu.memref_squeeze %dma_start3A_90 : memref<1x50x128xf32, #tpu.memory_space<vmem>> -> memref<50x128xf32, #tpu.memory_space<vmem>>
    %dma_start3A_92 = arith.constant 0 : i32
    %dma_start3A_93 = tpu.memref_slice %arg5[%dma_start3A_86, %dma_start3A_92] : memref<128x50xi32, #tpu.memory_space<vmem>> -> memref<1x50xi32, #tpu.memory_space<vmem>>
    %dma_start3A_94 = tpu.memref_squeeze %dma_start3A_93 : memref<1x50xi32, #tpu.memory_space<vmem>> -> memref<50xi32, #tpu.memory_space<vmem>>
    %dma_start3A_95 = arith.constant 0 : i32
    %dma_start3A_96 = arith.constant 0 : i32
    %dma_start3A_97 = tpu.memref_slice %arg3[%dma_start3A_95, %dma_start3A_96] : memref<100000x128xf32, #tpu.memory_space<hbm>> -> memref<100000x128xf32, #tpu.memory_space<hbm>>
    tpu.enqueue_indirect_dma source(%dma_start3A_97 : memref<100000x128xf32, #tpu.memory_space<hbm>>) target(%dma_start3A_91 : memref<50x128xf32, #tpu.memory_space<vmem>>) offsets(%dma_start3A_94 : memref<50xi32, #tpu.memory_space<vmem>>) semaphore(%arg11 : memref<!tpu.dma_semaphore, #tpu.memory_space<semaphore_mem>>)
    %scan3A = arith.constant 0 : i32
    %scan3A_98 = arith.constant 16 : i32
    %scan3A_99 = arith.addi %scan3A, %scan3A_98 : i32
    %scan3A_100 = arith.constant 1 : i32
    scf.for %scan3A_117 = %scan3A to %scan3A_99 step %scan3A_100  : i32 {
      %mul3A_118 = arith.constant 2 : i32
      %mul3A_119 = arith.muli %scan3A_117, %mul3A_118 : i32
      %add3A_120 = arith.constant 0 : i32
      %add3A_121 = arith.addi %add3A_120, %mul3A_119 : i32
      %add3A_122 = arith.constant 0 : i32
      %add3A_123 = arith.addi %add3A_121, %add3A_122 : i32
      %mul3A_124 = arith.constant 4 : i32
      %mul3A_125 = arith.muli %add3A_123, %mul3A_124 : i32
      %add3A_126 = arith.constant 0 : i32
      %add3A_127 = arith.addi %mul3A_125, %add3A_126 : i32
      %dma_wait3A_128 = arith.constant 0 : i32
      %dma_wait3A_129 = arith.constant 0 : i32
      %dma_wait3A_130 = arith.constant 0 : i32
      %dma_wait3A_131 = tpu.memref_slice %arg6[%dma_wait3A_128, %dma_wait3A_129, %dma_wait3A_130] : memref<4x50x128xf32, #tpu.memory_space<vmem>> -> memref<1x50x128xf32, #tpu.memory_space<vmem>>
      %dma_wait3A_132 = tpu.memref_squeeze %dma_wait3A_131 : memref<1x50x128xf32, #tpu.memory_space<vmem>> -> memref<50x128xf32, #tpu.memory_space<vmem>>
      %dma_wait3A_133 = arith.constant 0 : i32
      %dma_wait3A_134 = tpu.memref_slice %arg5[%add3A_127, %dma_wait3A_133] : memref<128x50xi32, #tpu.memory_space<vmem>> -> memref<1x50xi32, #tpu.memory_space<vmem>>
      %dma_wait3A_135 = tpu.memref_squeeze %dma_wait3A_134 : memref<1x50xi32, #tpu.memory_space<vmem>> -> memref<50xi32, #tpu.memory_space<vmem>>
      %dma_wait3A_136 = arith.constant 0 : i32
      %dma_wait3A_137 = arith.constant 0 : i32
      %dma_wait3A_138 = tpu.memref_slice %arg3[%dma_wait3A_136, %dma_wait3A_137] : memref<100000x128xf32, #tpu.memory_space<hbm>> -> memref<100000x128xf32, #tpu.memory_space<hbm>>
      tpu.wait_indirect_dma semaphore(%arg10 : memref<!tpu.dma_semaphore, #tpu.memory_space<semaphore_mem>>) src(%dma_wait3A_138 : memref<100000x128xf32, #tpu.memory_space<hbm>>) dst(%dma_wait3A_132 : memref<50x128xf32, #tpu.memory_space<vmem>>)
      %mul3A_139 = arith.constant 4 : i32
      %mul3A_140 = arith.muli %add3A_123, %mul3A_139 : i32
      %add3A_141 = arith.constant 1 : i32
      %add3A_142 = arith.addi %mul3A_140, %add3A_141 : i32
      %dma_wait3A_143 = arith.constant 1 : i32
      %dma_wait3A_144 = arith.constant 0 : i32
      %dma_wait3A_145 = arith.constant 0 : i32
      %dma_wait3A_146 = tpu.memref_slice %arg6[%dma_wait3A_143, %dma_wait3A_144, %dma_wait3A_145] : memref<4x50x128xf32, #tpu.memory_space<vmem>> -> memref<1x50x128xf32, #tpu.memory_space<vmem>>
      %dma_wait3A_147 = tpu.memref_squeeze %dma_wait3A_146 : memref<1x50x128xf32, #tpu.memory_space<vmem>> -> memref<50x128xf32, #tpu.memory_space<vmem>>
      %dma_wait3A_148 = arith.constant 0 : i32
      %dma_wait3A_149 = tpu.memref_slice %arg5[%add3A_142, %dma_wait3A_148] : memref<128x50xi32, #tpu.memory_space<vmem>> -> memref<1x50xi32, #tpu.memory_space<vmem>>
      %dma_wait3A_150 = tpu.memref_squeeze %dma_wait3A_149 : memref<1x50xi32, #tpu.memory_space<vmem>> -> memref<50xi32, #tpu.memory_space<vmem>>
      %dma_wait3A_151 = arith.constant 0 : i32
      %dma_wait3A_152 = arith.constant 0 : i32
      %dma_wait3A_153 = tpu.memref_slice %arg3[%dma_wait3A_151, %dma_wait3A_152] : memref<100000x128xf32, #tpu.memory_space<hbm>> -> memref<100000x128xf32, #tpu.memory_space<hbm>>
      tpu.wait_indirect_dma semaphore(%arg10 : memref<!tpu.dma_semaphore, #tpu.memory_space<semaphore_mem>>) src(%dma_wait3A_153 : memref<100000x128xf32, #tpu.memory_space<hbm>>) dst(%dma_wait3A_147 : memref<50x128xf32, #tpu.memory_space<vmem>>)
      %mul3A_154 = arith.constant 4 : i32
      %mul3A_155 = arith.muli %add3A_123, %mul3A_154 : i32
      %add3A_156 = arith.constant 2 : i32
      %add3A_157 = arith.addi %mul3A_155, %add3A_156 : i32
      %dma_wait3A_158 = arith.constant 2 : i32
      %dma_wait3A_159 = arith.constant 0 : i32
      %dma_wait3A_160 = arith.constant 0 : i32
      %dma_wait3A_161 = tpu.memref_slice %arg6[%dma_wait3A_158, %dma_wait3A_159, %dma_wait3A_160] : memref<4x50x128xf32, #tpu.memory_space<vmem>> -> memref<1x50x128xf32, #tpu.memory_space<vmem>>
      %dma_wait3A_162 = tpu.memref_squeeze %dma_wait3A_161 : memref<1x50x128xf32, #tpu.memory_space<vmem>> -> memref<50x128xf32, #tpu.memory_space<vmem>>
      %dma_wait3A_163 = arith.constant 0 : i32
      %dma_wait3A_164 = tpu.memref_slice %arg5[%add3A_157, %dma_wait3A_163] : memref<128x50xi32, #tpu.memory_space<vmem>> -> memref<1x50xi32, #tpu.memory_space<vmem>>
      %dma_wait3A_165 = tpu.memref_squeeze %dma_wait3A_164 : memref<1x50xi32, #tpu.memory_space<vmem>> -> memref<50xi32, #tpu.memory_space<vmem>>
      %dma_wait3A_166 = arith.constant 0 : i32
      %dma_wait3A_167 = arith.constant 0 : i32
      %dma_wait3A_168 = tpu.memref_slice %arg3[%dma_wait3A_166, %dma_wait3A_167] : memref<100000x128xf32, #tpu.memory_space<hbm>> -> memref<100000x128xf32, #tpu.memory_space<hbm>>
      tpu.wait_indirect_dma semaphore(%arg10 : memref<!tpu.dma_semaphore, #tpu.memory_space<semaphore_mem>>) src(%dma_wait3A_168 : memref<100000x128xf32, #tpu.memory_space<hbm>>) dst(%dma_wait3A_162 : memref<50x128xf32, #tpu.memory_space<vmem>>)
      %mul3A_169 = arith.constant 4 : i32
      %mul3A_170 = arith.muli %add3A_123, %mul3A_169 : i32
      %add3A_171 = arith.constant 3 : i32
      %add3A_172 = arith.addi %mul3A_170, %add3A_171 : i32
      %dma_wait3A_173 = arith.constant 3 : i32
      %dma_wait3A_174 = arith.constant 0 : i32
      %dma_wait3A_175 = arith.constant 0 : i32
      %dma_wait3A_176 = tpu.memref_slice %arg6[%dma_wait3A_173, %dma_wait3A_174, %dma_wait3A_175] : memref<4x50x128xf32, #tpu.memory_space<vmem>> -> memref<1x50x128xf32, #tpu.memory_space<vmem>>
      %dma_wait3A_177 = tpu.memref_squeeze %dma_wait3A_176 : memref<1x50x128xf32, #tpu.memory_space<vmem>> -> memref<50x128xf32, #tpu.memory_space<vmem>>
      %dma_wait3A_178 = arith.constant 0 : i32
      %dma_wait3A_179 = tpu.memref_slice %arg5[%add3A_172, %dma_wait3A_178] : memref<128x50xi32, #tpu.memory_space<vmem>> -> memref<1x50xi32, #tpu.memory_space<vmem>>
      %dma_wait3A_180 = tpu.memref_squeeze %dma_wait3A_179 : memref<1x50xi32, #tpu.memory_space<vmem>> -> memref<50xi32, #tpu.memory_space<vmem>>
      %dma_wait3A_181 = arith.constant 0 : i32
      %dma_wait3A_182 = arith.constant 0 : i32
      %dma_wait3A_183 = tpu.memref_slice %arg3[%dma_wait3A_181, %dma_wait3A_182] : memref<100000x128xf32, #tpu.memory_space<hbm>> -> memref<100000x128xf32, #tpu.memory_space<hbm>>
      tpu.wait_indirect_dma semaphore(%arg10 : memref<!tpu.dma_semaphore, #tpu.memory_space<semaphore_mem>>) src(%dma_wait3A_183 : memref<100000x128xf32, #tpu.memory_space<hbm>>) dst(%dma_wait3A_177 : memref<50x128xf32, #tpu.memory_space<vmem>>)
      %ge3A = arith.constant 2 : i32
      %ge3A_184 = arith.cmpi sge, %add3A_123, %ge3A : i32
      %convert_element_type3A = arith.extui %ge3A_184 : i1 to i32
      %cond3A = arith.constant 0 : i32
      %cond3A_185 = arith.cmpi ne, %convert_element_type3A, %cond3A : i32
      scf.if %cond3A_185 {
        %sub3A = arith.constant 2 : i32
        %sub3A_294 = arith.subi %add3A_123, %sub3A : i32
        %mul3A_295 = arith.constant 4 : i32
        %mul3A_296 = arith.muli %sub3A_294, %mul3A_295 : i32
        %add3A_297 = arith.addi %mul3A_2, %mul3A_296 : i32
        %dma_wait3A_298 = arith.constant 0 : i32
        %dma_wait3A_299 = arith.constant 0 : i32
        %dma_wait3A_300 = tpu.memref_slice %arg4[%add3A_297, %dma_wait3A_298, %dma_wait3A_299] : memref<4096x50x128xf32, #tpu.memory_space<hbm>> -> memref<4x50x128xf32, #tpu.memory_space<hbm>>
        %dma_wait3A_301 = arith.constant 0 : i32
        %dma_wait3A_302 = arith.constant 0 : i32
        %dma_wait3A_303 = tpu.memref_slice %arg4[%add3A_297, %dma_wait3A_301, %dma_wait3A_302] : memref<4096x50x128xf32, #tpu.memory_space<hbm>> -> memref<4x50x128xf32, #tpu.memory_space<hbm>>
        tpu.wait_dma2 semaphore(%arg12 : memref<!tpu.dma_semaphore, #tpu.memory_space<semaphore_mem>>) src(%arg8 : memref<4x50x128xf32, #tpu.memory_space<vmem>>) dst(%dma_wait3A_303 : memref<4x50x128xf32, #tpu.memory_space<hbm>>)
      } else {
      }
      %scan3A_186 = arith.constant 0 : i32
      %scan3A_187 = arith.constant 50 : i32
      %scan3A_188 = arith.addi %scan3A_186, %scan3A_187 : i32
      %scan3A_189 = arith.constant 2 : i32
      scf.for %scan3A_294 = %scan3A_186 to %scan3A_188 step %scan3A_189  : i32 {
        %mul3A_295 = arith.constant 1 : i32
        %mul3A_296 = arith.muli %scan3A_294, %mul3A_295 : i32
        %add3A_297 = arith.constant 0 : i32
        %add3A_298 = arith.addi %add3A_297, %mul3A_296 : i32
        %get3A = arith.constant 0 : i32
        %get3A_299 = arith.index_cast %get3A : i32 to index
        %get3A_300 = arith.index_cast %add3A_298 : i32 to index
        %get3A_301 = arith.constant 0 : index
        %get3A_302 = tpu.vector_load %arg6[%get3A_299, %get3A_300, %get3A_301] {strides = array<i32>} : memref<4x50x128xf32, #tpu.memory_space<vmem>>, vector<1x1x16xf32>,
        %get3A_303 = vector.shape_cast %get3A_302 : vector<1x1x16xf32> to vector<16xf32>
        %mul3A_304 = arith.constant 11.3137083 : f32
        %mul3A_305 = vector.broadcast %mul3A_304 : f32 to vector<16xf32>
        %mul3A_306 = arith.mulf %get3A_303, %mul3A_305 : vector<16xf32>
        %swap3A = arith.constant 0 : i32
        %swap3A_307 = arith.index_cast %swap3A : i32 to index
        %swap3A_308 = arith.index_cast %add3A_298 : i32 to index
        %swap3A_309 = arith.constant 0 : index
        %swap3A_310 = tpu.vector_load %arg8[%swap3A_307, %swap3A_308, %swap3A_309] {strides = array<i32>} : memref<4x50x128xf32, #tpu.memory_space<vmem>>, vector<1x1x16xf32>,
        %swap3A_311 = vector.shape_cast %swap3A_310 : vector<1x1x16xf32> to vector<16xf32>
        %swap3A_312 = vector.shape_cast %mul3A_306 : vector<16xf32> to vector<1x1x16xf32>
        tpu.vector_store %arg8[%swap3A_307, %swap3A_308, %swap3A_309], %swap3A_312 {strides = array<i32>} : memref<4x50x128xf32, #tpu.memory_space<vmem>>, vector<1x1x16xf32>,
        %get3A_313 = arith.constant 0 : i32
        %get3A_314 = arith.index_cast %get3A_313 : i32 to index
        %get3A_315 = arith.index_cast %add3A_298 : i32 to index
        %get3A_316 = arith.constant 16 : index
        %get3A_317 = tpu.vector_load %arg6[%get3A_314, %get3A_315, %get3A_316] {strides = array<i32>} : memref<4x50x128xf32, #tpu.memory_space<vmem>>, vector<1x1x16xf32>,
        %get3A_318 = vector.shape_cast %get3A_317 : vector<1x1x16xf32> to vector<16xf32>
        %mul3A_319 = arith.constant 11.3137083 : f32
        %mul3A_320 = vector.broadcast %mul3A_319 : f32 to vector<16xf32>
        %mul3A_321 = arith.mulf %get3A_318, %mul3A_320 : vector<16xf32>
        %swap3A_322 = arith.constant 0 : i32
        %swap3A_323 = arith.index_cast %swap3A_322 : i32 to index
        %swap3A_324 = arith.index_cast %add3A_298 : i32 to index
        %swap3A_325 = arith.constant 16 : index
        %swap3A_326 = tpu.vector_load %arg8[%swap3A_323, %swap3A_324, %swap3A_325] {strides = array<i32>} : memref<4x50x128xf32, #tpu.memory_space<vmem>>, vector<1x1x16xf32>,
        %swap3A_327 = vector.shape_cast %swap3A_326 : vector<1x1x16xf32> to vector<16xf32>
        %swap3A_328 = vector.shape_cast %mul3A_321 : vector<16xf32> to vector<1x1x16xf32>
        tpu.vector_store %arg8[%swap3A_323, %swap3A_324, %swap3A_325], %swap3A_328 {strides = array<i32>} : memref<4x50x128xf32, #tpu.memory_space<vmem>>, vector<1x1x16xf32>,
        %get3A_329 = arith.constant 0 : i32
        %get3A_330 = arith.index_cast %get3A_329 : i32 to index
        %get3A_331 = arith.index_cast %add3A_298 : i32 to index
        %get3A_332 = arith.constant 32 : index
        %get3A_333 = tpu.vector_load %arg6[%get3A_330, %get3A_331, %get3A_332] {strides = array<i32>} : memref<4x50x128xf32, #tpu.memory_space<vmem>>, vector<1x1x16xf32>,
        %get3A_334 = vector.shape_cast %get3A_333 : vector<1x1x16xf32> to vector<16xf32>
        %mul3A_335 = arith.constant 11.3137083 : f32
        %mul3A_336 = vector.broadcast %mul3A_335 : f32 to vector<16xf32>
        %mul3A_337 = arith.mulf %get3A_334, %mul3A_336 : vector<16xf32>
        %swap3A_338 = arith.constant 0 : i32
        %swap3A_339 = arith.index_cast %swap3A_338 : i32 to index
        %swap3A_340 = arith.index_cast %add3A_298 : i32 to index
        %swap3A_341 = arith.constant 32 : index
        %swap3A_342 = tpu.vector_load %arg8[%swap3A_339, %swap3A_340, %swap3A_341] {strides = array<i32>} : memref<4x50x128xf32, #tpu.memory_space<vmem>>, vector<1x1x16xf32>,
        %swap3A_343 = vector.shape_cast %swap3A_342 : vector<1x1x16xf32> to vector<16xf32>
        %swap3A_344 = vector.shape_cast %mul3A_337 : vector<16xf32> to vector<1x1x16xf32>
        tpu.vector_store %arg8[%swap3A_339, %swap3A_340, %swap3A_341], %swap3A_344 {strides = array<i32>} : memref<4x50x128xf32, #tpu.memory_space<vmem>>, vector<1x1x16xf32>,
        %get3A_345 = arith.constant 0 : i32
        %get3A_346 = arith.index_cast %get3A_345 : i32 to index
        %get3A_347 = arith.index_cast %add3A_298 : i32 to index
        %get3A_348 = arith.constant 48 : index
        %get3A_349 = tpu.vector_load %arg6[%get3A_346, %get3A_347, %get3A_348] {strides = array<i32>} : memref<4x50x128xf32, #tpu.memory_space<vmem>>, vector<1x1x16xf32>,
        %get3A_350 = vector.shape_cast %get3A_349 : vector<1x1x16xf32> to vector<16xf32>
        %mul3A_351 = arith.constant 11.3137083 : f32
        %mul3A_352 = vector.broadcast %mul3A_351 : f32 to vector<16xf32>
        %mul3A_353 = arith.mulf %get3A_350, %mul3A_352 : vector<16xf32>
        %swap3A_354 = arith.constant 0 : i32
        %swap3A_355 = arith.index_cast %swap3A_354 : i32 to index
        %swap3A_356 = arith.index_cast %add3A_298 : i32 to index
        %swap3A_357 = arith.constant 48 : index
        %swap3A_358 = tpu.vector_load %arg8[%swap3A_355, %swap3A_356, %swap3A_357] {strides = array<i32>} : memref<4x50x128xf32, #tpu.memory_space<vmem>>, vector<1x1x16xf32>,
        %swap3A_359 = vector.shape_cast %swap3A_358 : vector<1x1x16xf32> to vector<16xf32>
        %swap3A_360 = vector.shape_cast %mul3A_353 : vector<16xf32> to vector<1x1x16xf32>
        tpu.vector_store %arg8[%swap3A_355, %swap3A_356, %swap3A_357], %swap3A_360 {strides = array<i32>} : memref<4x50x128xf32, #tpu.memory_space<vmem>>, vector<1x1x16xf32>,
        %get3A_361 = arith.constant 0 : i32
        %get3A_362 = arith.index_cast %get3A_361 : i32 to index
        %get3A_363 = arith.index_cast %add3A_298 : i32 to index
        %get3A_364 = arith.constant 64 : index
        %get3A_365 = tpu.vector_load %arg6[%get3A_362, %get3A_363, %get3A_364] {strides = array<i32>} : memref<4x50x128xf32, #tpu.memory_space<vmem>>, vector<1x1x16xf32>,
        %get3A_366 = vector.shape_cast %get3A_365 : vector<1x1x16xf32> to vector<16xf32>
        %mul3A_367 = arith.constant 11.3137083 : f32
        %mul3A_368 = vector.broadcast %mul3A_367 : f32 to vector<16xf32>
        %mul3A_369 = arith.mulf %get3A_366, %mul3A_368 : vector<16xf32>
        %swap3A_370 = arith.constant 0 : i32
        %swap3A_371 = arith.index_cast %swap3A_370 : i32 to index
        %swap3A_372 = arith.index_cast %add3A_298 : i32 to index
        %swap3A_373 = arith.constant 64 : index
        %swap3A_374 = tpu.vector_load %arg8[%swap3A_371, %swap3A_372, %swap3A_373] {strides = array<i32>} : memref<4x50x128xf32, #tpu.memory_space<vmem>>, vector<1x1x16xf32>,
        %swap3A_375 = vector.shape_cast %swap3A_374 : vector<1x1x16xf32> to vector<16xf32>
        %swap3A_376 = vector.shape_cast %mul3A_369 : vector<16xf32> to vector<1x1x16xf32>
        tpu.vector_store %arg8[%swap3A_371, %swap3A_372, %swap3A_373], %swap3A_376 {strides = array<i32>} : memref<4x50x128xf32, #tpu.memory_space<vmem>>, vector<1x1x16xf32>,
        %get3A_377 = arith.constant 0 : i32
        %get3A_378 = arith.index_cast %get3A_377 : i32 to index
        %get3A_379 = arith.index_cast %add3A_298 : i32 to index
        %get3A_380 = arith.constant 80 : index
        %get3A_381 = tpu.vector_load %arg6[%get3A_378, %get3A_379, %get3A_380] {strides = array<i32>} : memref<4x50x128xf32, #tpu.memory_space<vmem>>, vector<1x1x16xf32>,
        %get3A_382 = vector.shape_cast %get3A_381 : vector<1x1x16xf32> to vector<16xf32>
        %mul3A_383 = arith.constant 11.3137083 : f32
        %mul3A_384 = vector.broadcast %mul3A_383 : f32 to vector<16xf32>
        %mul3A_385 = arith.mulf %get3A_382, %mul3A_384 : vector<16xf32>
        %swap3A_386 = arith.constant 0 : i32
        %swap3A_387 = arith.index_cast %swap3A_386 : i32 to index
        %swap3A_388 = arith.index_cast %add3A_298 : i32 to index
        %swap3A_389 = arith.constant 80 : index
        %swap3A_390 = tpu.vector_load %arg8[%swap3A_387, %swap3A_388, %swap3A_389] {strides = array<i32>} : memref<4x50x128xf32, #tpu.memory_space<vmem>>, vector<1x1x16xf32>,
        %swap3A_391 = vector.shape_cast %swap3A_390 : vector<1x1x16xf32> to vector<16xf32>
        %swap3A_392 = vector.shape_cast %mul3A_385 : vector<16xf32> to vector<1x1x16xf32>
        tpu.vector_store %arg8[%swap3A_387, %swap3A_388, %swap3A_389], %swap3A_392 {strides = array<i32>} : memref<4x50x128xf32, #tpu.memory_space<vmem>>, vector<1x1x16xf32>,
        %get3A_393 = arith.constant 0 : i32
        %get3A_394 = arith.index_cast %get3A_393 : i32 to index
        %get3A_395 = arith.index_cast %add3A_298 : i32 to index
        %get3A_396 = arith.constant 96 : index
        %get3A_397 = tpu.vector_load %arg6[%get3A_394, %get3A_395, %get3A_396] {strides = array<i32>} : memref<4x50x128xf32, #tpu.memory_space<vmem>>, vector<1x1x16xf32>,
        %get3A_398 = vector.shape_cast %get3A_397 : vector<1x1x16xf32> to vector<16xf32>
        %mul3A_399 = arith.constant 11.3137083 : f32
        %mul3A_400 = vector.broadcast %mul3A_399 : f32 to vector<16xf32>
        %mul3A_401 = arith.mulf %get3A_398, %mul3A_400 : vector<16xf32>
        %swap3A_402 = arith.constant 0 : i32
        %swap3A_403 = arith.index_cast %swap3A_402 : i32 to index
        %swap3A_404 = arith.index_cast %add3A_298 : i32 to index
        %swap3A_405 = arith.constant 96 : index
        %swap3A_406 = tpu.vector_load %arg8[%swap3A_403, %swap3A_404, %swap3A_405] {strides = array<i32>} : memref<4x50x128xf32, #tpu.memory_space<vmem>>, vector<1x1x16xf32>,
        %swap3A_407 = vector.shape_cast %swap3A_406 : vector<1x1x16xf32> to vector<16xf32>
        %swap3A_408 = vector.shape_cast %mul3A_401 : vector<16xf32> to vector<1x1x16xf32>
        tpu.vector_store %arg8[%swap3A_403, %swap3A_404, %swap3A_405], %swap3A_408 {strides = array<i32>} : memref<4x50x128xf32, #tpu.memory_space<vmem>>, vector<1x1x16xf32>,
        %get3A_409 = arith.constant 0 : i32
        %get3A_410 = arith.index_cast %get3A_409 : i32 to index
        %get3A_411 = arith.index_cast %add3A_298 : i32 to index
        %get3A_412 = arith.constant 112 : index
        %get3A_413 = tpu.vector_load %arg6[%get3A_410, %get3A_411, %get3A_412] {strides = array<i32>} : memref<4x50x128xf32, #tpu.memory_space<vmem>>, vector<1x1x16xf32>,
        %get3A_414 = vector.shape_cast %get3A_413 : vector<1x1x16xf32> to vector<16xf32>
        %mul3A_415 = arith.constant 11.3137083 : f32
        %mul3A_416 = vector.broadcast %mul3A_415 : f32 to vector<16xf32>
        %mul3A_417 = arith.mulf %get3A_414, %mul3A_416 : vector<16xf32>
        %swap3A_418 = arith.constant 0 : i32
        %swap3A_419 = arith.index_cast %swap3A_418 : i32 to index
        %swap3A_420 = arith.index_cast %add3A_298 : i32 to index
        %swap3A_421 = arith.constant 112 : index
        %swap3A_422 = tpu.vector_load %arg8[%swap3A_419, %swap3A_420, %swap3A_421] {strides = array<i32>} : memref<4x50x128xf32, #tpu.memory_space<vmem>>, vector<1x1x16xf32>,
        %swap3A_423 = vector.shape_cast %swap3A_422 : vector<1x1x16xf32> to vector<16xf32>
        %swap3A_424 = vector.shape_cast %mul3A_417 : vector<16xf32> to vector<1x1x16xf32>
        tpu.vector_store %arg8[%swap3A_419, %swap3A_420, %swap3A_421], %swap3A_424 {strides = array<i32>} : memref<4x50x128xf32, #tpu.memory_space<vmem>>, vector<1x1x16xf32>,
        %get3A_425 = arith.constant 1 : i32
        %get3A_426 = arith.index_cast %get3A_425 : i32 to index
        %get3A_427 = arith.index_cast %add3A_298 : i32 to index
        %get3A_428 = arith.constant 0 : index
        %get3A_429 = tpu.vector_load %arg6[%get3A_426, %get3A_427, %get3A_428] {strides = array<i32>} : memref<4x50x128xf32, #tpu.memory_space<vmem>>, vector<1x1x16xf32>,
        %get3A_430 = vector.shape_cast %get3A_429 : vector<1x1x16xf32> to vector<16xf32>
        %mul3A_431 = arith.constant 11.3137083 : f32
        %mul3A_432 = vector.broadcast %mul3A_431 : f32 to vector<16xf32>
        %mul3A_433 = arith.mulf %get3A_430, %mul3A_432 : vector<16xf32>
        %swap3A_434 = arith.constant 1 : i32
        %swap3A_435 = arith.index_cast %swap3A_434 : i32 to index
        %swap3A_436 = arith.index_cast %add3A_298 : i32 to index
        %swap3A_437 = arith.constant 0 : index
        %swap3A_438 = tpu.vector_load %arg8[%swap3A_435, %swap3A_436, %swap3A_437] {strides = array<i32>} : memref<4x50x128xf32, #tpu.memory_space<vmem>>, vector<1x1x16xf32>,
        %swap3A_439 = vector.shape_cast %swap3A_438 : vector<1x1x16xf32> to vector<16xf32>
        %swap3A_440 = vector.shape_cast %mul3A_433 : vector<16xf32> to vector<1x1x16xf32>
        tpu.vector_store %arg8[%swap3A_435, %swap3A_436, %swap3A_437], %swap3A_440 {strides = array<i32>} : memref<4x50x128xf32, #tpu.memory_space<vmem>>, vector<1x1x16xf32>,
        %get3A_441 = arith.constant 1 : i32
        %get3A_442 = arith.index_cast %get3A_441 : i32 to index
        %get3A_443 = arith.index_cast %add3A_298 : i32 to index
        %get3A_444 = arith.constant 16 : index
        %get3A_445 = tpu.vector_load %arg6[%get3A_442, %get3A_443, %get3A_444] {strides = array<i32>} : memref<4x50x128xf32, #tpu.memory_space<vmem>>, vector<1x1x16xf32>,
        %get3A_446 = vector.shape_cast %get3A_445 : vector<1x1x16xf32> to vector<16xf32>
        %mul3A_447 = arith.constant 11.3137083 : f32
        %mul3A_448 = vector.broadcast %mul3A_447 : f32 to vector<16xf32>
        %mul3A_449 = arith.mulf %get3A_446, %mul3A_448 : vector<16xf32>
        %swap3A_450 = arith.constant 1 : i32
        %swap3A_451 = arith.index_cast %swap3A_450 : i32 to index
        %swap3A_452 = arith.index_cast %add3A_298 : i32 to index
        %swap3A_453 = arith.constant 16 : index
        %swap3A_454 = tpu.vector_load %arg8[%swap3A_451, %swap3A_452, %swap3A_453] {strides = array<i32>} : memref<4x50x128xf32, #tpu.memory_space<vmem>>, vector<1x1x16xf32>,
        %swap3A_455 = vector.shape_cast %swap3A_454 : vector<1x1x16xf32> to vector<16xf32>
        %swap3A_456 = vector.shape_cast %mul3A_449 : vector<16xf32> to vector<1x1x16xf32>
        tpu.vector_store %arg8[%swap3A_451, %swap3A_452, %swap3A_453], %swap3A_456 {strides = array<i32>} : memref<4x50x128xf32, #tpu.memory_space<vmem>>, vector<1x1x16xf32>,
        %get3A_457 = arith.constant 1 : i32
        %get3A_458 = arith.index_cast %get3A_457 : i32 to index
        %get3A_459 = arith.index_cast %add3A_298 : i32 to index
        %get3A_460 = arith.constant 32 : index
        %get3A_461 = tpu.vector_load %arg6[%get3A_458, %get3A_459, %get3A_460] {strides = array<i32>} : memref<4x50x128xf32, #tpu.memory_space<vmem>>, vector<1x1x16xf32>,
        %get3A_462 = vector.shape_cast %get3A_461 : vector<1x1x16xf32> to vector<16xf32>
        %mul3A_463 = arith.constant 11.3137083 : f32
        %mul3A_464 = vector.broadcast %mul3A_463 : f32 to vector<16xf32>
        %mul3A_465 = arith.mulf %get3A_462, %mul3A_464 : vector<16xf32>
        %swap3A_466 = arith.constant 1 : i32
        %swap3A_467 = arith.index_cast %swap3A_466 : i32 to index
        %swap3A_468 = arith.index_cast %add3A_298 : i32 to index
        %swap3A_469 = arith.constant 32 : index
        %swap3A_470 = tpu.vector_load %arg8[%swap3A_467, %swap3A_468, %swap3A_469] {strides = array<i32>} : memref<4x50x128xf32, #tpu.memory_space<vmem>>, vector<1x1x16xf32>,
        %swap3A_471 = vector.shape_cast %swap3A_470 : vector<1x1x16xf32> to vector<16xf32>
        %swap3A_472 = vector.shape_cast %mul3A_465 : vector<16xf32> to vector<1x1x16xf32>
        tpu.vector_store %arg8[%swap3A_467, %swap3A_468, %swap3A_469], %swap3A_472 {strides = array<i32>} : memref<4x50x128xf32, #tpu.memory_space<vmem>>, vector<1x1x16xf32>,
        %get3A_473 = arith.constant 1 : i32
        %get3A_474 = arith.index_cast %get3A_473 : i32 to index
        %get3A_475 = arith.index_cast %add3A_298 : i32 to index
        %get3A_476 = arith.constant 48 : index
        %get3A_477 = tpu.vector_load %arg6[%get3A_474, %get3A_475, %get3A_476] {strides = array<i32>} : memref<4x50x128xf32, #tpu.memory_space<vmem>>, vector<1x1x16xf32>,
        %get3A_478 = vector.shape_cast %get3A_477 : vector<1x1x16xf32> to vector<16xf32>
        %mul3A_479 = arith.constant 11.3137083 : f32
        %mul3A_480 = vector.broadcast %mul3A_479 : f32 to vector<16xf32>
        %mul3A_481 = arith.mulf %get3A_478, %mul3A_480 : vector<16xf32>
        %swap3A_482 = arith.constant 1 : i32
        %swap3A_483 = arith.index_cast %swap3A_482 : i32 to index
        %swap3A_484 = arith.index_cast %add3A_298 : i32 to index
        %swap3A_485 = arith.constant 48 : index
        %swap3A_486 = tpu.vector_load %arg8[%swap3A_483, %swap3A_484, %swap3A_485] {strides = array<i32>} : memref<4x50x128xf32, #tpu.memory_space<vmem>>, vector<1x1x16xf32>,
        %swap3A_487 = vector.shape_cast %swap3A_486 : vector<1x1x16xf32> to vector<16xf32>
        %swap3A_488 = vector.shape_cast %mul3A_481 : vector<16xf32> to vector<1x1x16xf32>
        tpu.vector_store %arg8[%swap3A_483, %swap3A_484, %swap3A_485], %swap3A_488 {strides = array<i32>} : memref<4x50x128xf32, #tpu.memory_space<vmem>>, vector<1x1x16xf32>,
        %get3A_489 = arith.constant 1 : i32
        %get3A_490 = arith.index_cast %get3A_489 : i32 to index
        %get3A_491 = arith.index_cast %add3A_298 : i32 to index
        %get3A_492 = arith.constant 64 : index
        %get3A_493 = tpu.vector_load %arg6[%get3A_490, %get3A_491, %get3A_492] {strides = array<i32>} : memref<4x50x128xf32, #tpu.memory_space<vmem>>, vector<1x1x16xf32>,
        %get3A_494 = vector.shape_cast %get3A_493 : vector<1x1x16xf32> to vector<16xf32>
        %mul3A_495 = arith.constant 11.3137083 : f32
        %mul3A_496 = vector.broadcast %mul3A_495 : f32 to vector<16xf32>
        %mul3A_497 = arith.mulf %get3A_494, %mul3A_496 : vector<16xf32>
        %swap3A_498 = arith.constant 1 : i32
        %swap3A_499 = arith.index_cast %swap3A_498 : i32 to index
        %swap3A_500 = arith.index_cast %add3A_298 : i32 to index
        %swap3A_501 = arith.constant 64 : index
        %swap3A_502 = tpu.vector_load %arg8[%swap3A_499, %swap3A_500, %swap3A_501] {strides = array<i32>} : memref<4x50x128xf32, #tpu.memory_space<vmem>>, vector<1x1x16xf32>,
        %swap3A_503 = vector.shape_cast %swap3A_502 : vector<1x1x16xf32> to vector<16xf32>
        %swap3A_504 = vector.shape_cast %mul3A_497 : vector<16xf32> to vector<1x1x16xf32>
        tpu.vector_store %arg8[%swap3A_499, %swap3A_500, %swap3A_501], %swap3A_504 {strides = array<i32>} : memref<4x50x128xf32, #tpu.memory_space<vmem>>, vector<1x1x16xf32>,
        %get3A_505 = arith.constant 1 : i32
        %get3A_506 = arith.index_cast %get3A_505 : i32 to index
        %get3A_507 = arith.index_cast %add3A_298 : i32 to index
        %get3A_508 = arith.constant 80 : index
        %get3A_509 = tpu.vector_load %arg6[%get3A_506, %get3A_507, %get3A_508] {strides = array<i32>} : memref<4x50x128xf32, #tpu.memory_space<vmem>>, vector<1x1x16xf32>,
        %get3A_510 = vector.shape_cast %get3A_509 : vector<1x1x16xf32> to vector<16xf32>
        %mul3A_511 = arith.constant 11.3137083 : f32
        %mul3A_512 = vector.broadcast %mul3A_511 : f32 to vector<16xf32>
        %mul3A_513 = arith.mulf %get3A_510, %mul3A_512 : vector<16xf32>
        %swap3A_514 = arith.constant 1 : i32
        %swap3A_515 = arith.index_cast %swap3A_514 : i32 to index
        %swap3A_516 = arith.index_cast %add3A_298 : i32 to index
        %swap3A_517 = arith.constant 80 : index
        %swap3A_518 = tpu.vector_load %arg8[%swap3A_515, %swap3A_516, %swap3A_517] {strides = array<i32>} : memref<4x50x128xf32, #tpu.memory_space<vmem>>, vector<1x1x16xf32>,
        %swap3A_519 = vector.shape_cast %swap3A_518 : vector<1x1x16xf32> to vector<16xf32>
        %swap3A_520 = vector.shape_cast %mul3A_513 : vector<16xf32> to vector<1x1x16xf32>
        tpu.vector_store %arg8[%swap3A_515, %swap3A_516, %swap3A_517], %swap3A_520 {strides = array<i32>} : memref<4x50x128xf32, #tpu.memory_space<vmem>>, vector<1x1x16xf32>,
        %get3A_521 = arith.constant 1 : i32
        %get3A_522 = arith.index_cast %get3A_521 : i32 to index
        %get3A_523 = arith.index_cast %add3A_298 : i32 to index
        %get3A_524 = arith.constant 96 : index
        %get3A_525 = tpu.vector_load %arg6[%get3A_522, %get3A_523, %get3A_524] {strides = array<i32>} : memref<4x50x128xf32, #tpu.memory_space<vmem>>, vector<1x1x16xf32>,
        %get3A_526 = vector.shape_cast %get3A_525 : vector<1x1x16xf32> to vector<16xf32>
        %mul3A_527 = arith.constant 11.3137083 : f32
        %mul3A_528 = vector.broadcast %mul3A_527 : f32 to vector<16xf32>
        %mul3A_529 = arith.mulf %get3A_526, %mul3A_528 : vector<16xf32>
        %swap3A_530 = arith.constant 1 : i32
        %swap3A_531 = arith.index_cast %swap3A_530 : i32 to index
        %swap3A_532 = arith.index_cast %add3A_298 : i32 to index
        %swap3A_533 = arith.constant 96 : index
        %swap3A_534 = tpu.vector_load %arg8[%swap3A_531, %swap3A_532, %swap3A_533] {strides = array<i32>} : memref<4x50x128xf32, #tpu.memory_space<vmem>>, vector<1x1x16xf32>,
        %swap3A_535 = vector.shape_cast %swap3A_534 : vector<1x1x16xf32> to vector<16xf32>
        %swap3A_536 = vector.shape_cast %mul3A_529 : vector<16xf32> to vector<1x1x16xf32>
        tpu.vector_store %arg8[%swap3A_531, %swap3A_532, %swap3A_533], %swap3A_536 {strides = array<i32>} : memref<4x50x128xf32, #tpu.memory_space<vmem>>, vector<1x1x16xf32>,
        %get3A_537 = arith.constant 1 : i32
        %get3A_538 = arith.index_cast %get3A_537 : i32 to index
        %get3A_539 = arith.index_cast %add3A_298 : i32 to index
        %get3A_540 = arith.constant 112 : index
        %get3A_541 = tpu.vector_load %arg6[%get3A_538, %get3A_539, %get3A_540] {strides = array<i32>} : memref<4x50x128xf32, #tpu.memory_space<vmem>>, vector<1x1x16xf32>,
        %get3A_542 = vector.shape_cast %get3A_541 : vector<1x1x16xf32> to vector<16xf32>
        %mul3A_543 = arith.constant 11.3137083 : f32
        %mul3A_544 = vector.broadcast %mul3A_543 : f32 to vector<16xf32>
        %mul3A_545 = arith.mulf %get3A_542, %mul3A_544 : vector<16xf32>
        %swap3A_546 = arith.constant 1 : i32
        %swap3A_547 = arith.index_cast %swap3A_546 : i32 to index
        %swap3A_548 = arith.index_cast %add3A_298 : i32 to index
        %swap3A_549 = arith.constant 112 : index
        %swap3A_550 = tpu.vector_load %arg8[%swap3A_547, %swap3A_548, %swap3A_549] {strides = array<i32>} : memref<4x50x128xf32, #tpu.memory_space<vmem>>, vector<1x1x16xf32>,
        %swap3A_551 = vector.shape_cast %swap3A_550 : vector<1x1x16xf32> to vector<16xf32>
        %swap3A_552 = vector.shape_cast %mul3A_545 : vector<16xf32> to vector<1x1x16xf32>
        tpu.vector_store %arg8[%swap3A_547, %swap3A_548, %swap3A_549], %swap3A_552 {strides = array<i32>} : memref<4x50x128xf32, #tpu.memory_space<vmem>>, vector<1x1x16xf32>,
        %get3A_553 = arith.constant 2 : i32
        %get3A_554 = arith.index_cast %get3A_553 : i32 to index
        %get3A_555 = arith.index_cast %add3A_298 : i32 to index
        %get3A_556 = arith.constant 0 : index
        %get3A_557 = tpu.vector_load %arg6[%get3A_554, %get3A_555, %get3A_556] {strides = array<i32>} : memref<4x50x128xf32, #tpu.memory_space<vmem>>, vector<1x1x16xf32>,
        %get3A_558 = vector.shape_cast %get3A_557 : vector<1x1x16xf32> to vector<16xf32>
        %mul3A_559 = arith.constant 11.3137083 : f32
        %mul3A_560 = vector.broadcast %mul3A_559 : f32 to vector<16xf32>
        %mul3A_561 = arith.mulf %get3A_558, %mul3A_560 : vector<16xf32>
        %swap3A_562 = arith.constant 2 : i32
        %swap3A_563 = arith.index_cast %swap3A_562 : i32 to index
        %swap3A_564 = arith.index_cast %add3A_298 : i32 to index
        %swap3A_565 = arith.constant 0 : index
        %swap3A_566 = tpu.vector_load %arg8[%swap3A_563, %swap3A_564, %swap3A_565] {strides = array<i32>} : memref<4x50x128xf32, #tpu.memory_space<vmem>>, vector<1x1x16xf32>,
        %swap3A_567 = vector.shape_cast %swap3A_566 : vector<1x1x16xf32> to vector<16xf32>
        %swap3A_568 = vector.shape_cast %mul3A_561 : vector<16xf32> to vector<1x1x16xf32>
        tpu.vector_store %arg8[%swap3A_563, %swap3A_564, %swap3A_565], %swap3A_568 {strides = array<i32>} : memref<4x50x128xf32, #tpu.memory_space<vmem>>, vector<1x1x16xf32>,
        %get3A_569 = arith.constant 2 : i32
        %get3A_570 = arith.index_cast %get3A_569 : i32 to index
        %get3A_571 = arith.index_cast %add3A_298 : i32 to index
        %get3A_572 = arith.constant 16 : index
        %get3A_573 = tpu.vector_load %arg6[%get3A_570, %get3A_571, %get3A_572] {strides = array<i32>} : memref<4x50x128xf32, #tpu.memory_space<vmem>>, vector<1x1x16xf32>,
        %get3A_574 = vector.shape_cast %get3A_573 : vector<1x1x16xf32> to vector<16xf32>
        %mul3A_575 = arith.constant 11.3137083 : f32
        %mul3A_576 = vector.broadcast %mul3A_575 : f32 to vector<16xf32>
        %mul3A_577 = arith.mulf %get3A_574, %mul3A_576 : vector<16xf32>
        %swap3A_578 = arith.constant 2 : i32
        %swap3A_579 = arith.index_cast %swap3A_578 : i32 to index
        %swap3A_580 = arith.index_cast %add3A_298 : i32 to index
        %swap3A_581 = arith.constant 16 : index
        %swap3A_582 = tpu.vector_load %arg8[%swap3A_579, %swap3A_580, %swap3A_581] {strides = array<i32>} : memref<4x50x128xf32, #tpu.memory_space<vmem>>, vector<1x1x16xf32>,
        %swap3A_583 = vector.shape_cast %swap3A_582 : vector<1x1x16xf32> to vector<16xf32>
        %swap3A_584 = vector.shape_cast %mul3A_577 : vector<16xf32> to vector<1x1x16xf32>
        tpu.vector_store %arg8[%swap3A_579, %swap3A_580, %swap3A_581], %swap3A_584 {strides = array<i32>} : memref<4x50x128xf32, #tpu.memory_space<vmem>>, vector<1x1x16xf32>,
        %get3A_585 = arith.constant 2 : i32
        %get3A_586 = arith.index_cast %get3A_585 : i32 to index
        %get3A_587 = arith.index_cast %add3A_298 : i32 to index
        %get3A_588 = arith.constant 32 : index
        %get3A_589 = tpu.vector_load %arg6[%get3A_586, %get3A_587, %get3A_588] {strides = array<i32>} : memref<4x50x128xf32, #tpu.memory_space<vmem>>, vector<1x1x16xf32>,
        %get3A_590 = vector.shape_cast %get3A_589 : vector<1x1x16xf32> to vector<16xf32>
        %mul3A_591 = arith.constant 11.3137083 : f32
        %mul3A_592 = vector.broadcast %mul3A_591 : f32 to vector<16xf32>
        %mul3A_593 = arith.mulf %get3A_590, %mul3A_592 : vector<16xf32>
        %swap3A_594 = arith.constant 2 : i32
        %swap3A_595 = arith.index_cast %swap3A_594 : i32 to index
        %swap3A_596 = arith.index_cast %add3A_298 : i32 to index
        %swap3A_597 = arith.constant 32 : index
        %swap3A_598 = tpu.vector_load %arg8[%swap3A_595, %swap3A_596, %swap3A_597] {strides = array<i32>} : memref<4x50x128xf32, #tpu.memory_space<vmem>>, vector<1x1x16xf32>,
        %swap3A_599 = vector.shape_cast %swap3A_598 : vector<1x1x16xf32> to vector<16xf32>
        %swap3A_600 = vector.shape_cast %mul3A_593 : vector<16xf32> to vector<1x1x16xf32>
        tpu.vector_store %arg8[%swap3A_595, %swap3A_596, %swap3A_597], %swap3A_600 {strides = array<i32>} : memref<4x50x128xf32, #tpu.memory_space<vmem>>, vector<1x1x16xf32>,
        %get3A_601 = arith.constant 2 : i32
        %get3A_602 = arith.index_cast %get3A_601 : i32 to index
        %get3A_603 = arith.index_cast %add3A_298 : i32 to index
        %get3A_604 = arith.constant 48 : index
        %get3A_605 = tpu.vector_load %arg6[%get3A_602, %get3A_603, %get3A_604] {strides = array<i32>} : memref<4x50x128xf32, #tpu.memory_space<vmem>>, vector<1x1x16xf32>,
        %get3A_606 = vector.shape_cast %get3A_605 : vector<1x1x16xf32> to vector<16xf32>
        %mul3A_607 = arith.constant 11.3137083 : f32
        %mul3A_608 = vector.broadcast %mul3A_607 : f32 to vector<16xf32>
        %mul3A_609 = arith.mulf %get3A_606, %mul3A_608 : vector<16xf32>
        %swap3A_610 = arith.constant 2 : i32
        %swap3A_611 = arith.index_cast %swap3A_610 : i32 to index
        %swap3A_612 = arith.index_cast %add3A_298 : i32 to index
        %swap3A_613 = arith.constant 48 : index
        %swap3A_614 = tpu.vector_load %arg8[%swap3A_611, %swap3A_612, %swap3A_613] {strides = array<i32>} : memref<4x50x128xf32, #tpu.memory_space<vmem>>, vector<1x1x16xf32>,
        %swap3A_615 = vector.shape_cast %swap3A_614 : vector<1x1x16xf32> to vector<16xf32>
        %swap3A_616 = vector.shape_cast %mul3A_609 : vector<16xf32> to vector<1x1x16xf32>
        tpu.vector_store %arg8[%swap3A_611, %swap3A_612, %swap3A_613], %swap3A_616 {strides = array<i32>} : memref<4x50x128xf32, #tpu.memory_space<vmem>>, vector<1x1x16xf32>,
        %get3A_617 = arith.constant 2 : i32
        %get3A_618 = arith.index_cast %get3A_617 : i32 to index
        %get3A_619 = arith.index_cast %add3A_298 : i32 to index
        %get3A_620 = arith.constant 64 : index
        %get3A_621 = tpu.vector_load %arg6[%get3A_618, %get3A_619, %get3A_620] {strides = array<i32>} : memref<4x50x128xf32, #tpu.memory_space<vmem>>, vector<1x1x16xf32>,
        %get3A_622 = vector.shape_cast %get3A_621 : vector<1x1x16xf32> to vector<16xf32>
        %mul3A_623 = arith.constant 11.3137083 : f32
        %mul3A_624 = vector.broadcast %mul3A_623 : f32 to vector<16xf32>
        %mul3A_625 = arith.mulf %get3A_622, %mul3A_624 : vector<16xf32>
        %swap3A_626 = arith.constant 2 : i32
        %swap3A_627 = arith.index_cast %swap3A_626 : i32 to index
        %swap3A_628 = arith.index_cast %add3A_298 : i32 to index
        %swap3A_629 = arith.constant 64 : index
        %swap3A_630 = tpu.vector_load %arg8[%swap3A_627, %swap3A_628, %swap3A_629] {strides = array<i32>} : memref<4x50x128xf32, #tpu.memory_space<vmem>>, vector<1x1x16xf32>,
        %swap3A_631 = vector.shape_cast %swap3A_630 : vector<1x1x16xf32> to vector<16xf32>
        %swap3A_632 = vector.shape_cast %mul3A_625 : vector<16xf32> to vector<1x1x16xf32>
        tpu.vector_store %arg8[%swap3A_627, %swap3A_628, %swap3A_629], %swap3A_632 {strides = array<i32>} : memref<4x50x128xf32, #tpu.memory_space<vmem>>, vector<1x1x16xf32>,
        %get3A_633 = arith.constant 2 : i32
        %get3A_634 = arith.index_cast %get3A_633 : i32 to index
        %get3A_635 = arith.index_cast %add3A_298 : i32 to index
        %get3A_636 = arith.constant 80 : index
        %get3A_637 = tpu.vector_load %arg6[%get3A_634, %get3A_635, %get3A_636] {strides = array<i32>} : memref<4x50x128xf32, #tpu.memory_space<vmem>>, vector<1x1x16xf32>,
        %get3A_638 = vector.shape_cast %get3A_637 : vector<1x1x16xf32> to vector<16xf32>
        %mul3A_639 = arith.constant 11.3137083 : f32
        %mul3A_640 = vector.broadcast %mul3A_639 : f32 to vector<16xf32>
        %mul3A_641 = arith.mulf %get3A_638, %mul3A_640 : vector<16xf32>
        %swap3A_642 = arith.constant 2 : i32
        %swap3A_643 = arith.index_cast %swap3A_642 : i32 to index
        %swap3A_644 = arith.index_cast %add3A_298 : i32 to index
        %swap3A_645 = arith.constant 80 : index
        %swap3A_646 = tpu.vector_load %arg8[%swap3A_643, %swap3A_644, %swap3A_645] {strides = array<i32>} : memref<4x50x128xf32, #tpu.memory_space<vmem>>, vector<1x1x16xf32>,
        %swap3A_647 = vector.shape_cast %swap3A_646 : vector<1x1x16xf32> to vector<16xf32>
        %swap3A_648 = vector.shape_cast %mul3A_641 : vector<16xf32> to vector<1x1x16xf32>
        tpu.vector_store %arg8[%swap3A_643, %swap3A_644, %swap3A_645], %swap3A_648 {strides = array<i32>} : memref<4x50x128xf32, #tpu.memory_space<vmem>>, vector<1x1x16xf32>,
        %get3A_649 = arith.constant 2 : i32
        %get3A_650 = arith.index_cast %get3A_649 : i32 to index
        %get3A_651 = arith.index_cast %add3A_298 : i32 to index
        %get3A_652 = arith.constant 96 : index
        %get3A_653 = tpu.vector_load %arg6[%get3A_650, %get3A_651, %get3A_652] {strides = array<i32>} : memref<4x50x128xf32, #tpu.memory_space<vmem>>, vector<1x1x16xf32>,
        %get3A_654 = vector.shape_cast %get3A_653 : vector<1x1x16xf32> to vector<16xf32>
        %mul3A_655 = arith.constant 11.3137083 : f32
        %mul3A_656 = vector.broadcast %mul3A_655 : f32 to vector<16xf32>
        %mul3A_657 = arith.mulf %get3A_654, %mul3A_656 : vector<16xf32>
        %swap3A_658 = arith.constant 2 : i32
        %swap3A_659 = arith.index_cast %swap3A_658 : i32 to index
        %swap3A_660 = arith.index_cast %add3A_298 : i32 to index
        %swap3A_661 = arith.constant 96 : index
        %swap3A_662 = tpu.vector_load %arg8[%swap3A_659, %swap3A_660, %swap3A_661] {strides = array<i32>} : memref<4x50x128xf32, #tpu.memory_space<vmem>>, vector<1x1x16xf32>,
        %swap3A_663 = vector.shape_cast %swap3A_662 : vector<1x1x16xf32> to vector<16xf32>
        %swap3A_664 = vector.shape_cast %mul3A_657 : vector<16xf32> to vector<1x1x16xf32>
        tpu.vector_store %arg8[%swap3A_659, %swap3A_660, %swap3A_661], %swap3A_664 {strides = array<i32>} : memref<4x50x128xf32, #tpu.memory_space<vmem>>, vector<1x1x16xf32>,
        %get3A_665 = arith.constant 2 : i32
        %get3A_666 = arith.index_cast %get3A_665 : i32 to index
        %get3A_667 = arith.index_cast %add3A_298 : i32 to index
        %get3A_668 = arith.constant 112 : index
        %get3A_669 = tpu.vector_load %arg6[%get3A_666, %get3A_667, %get3A_668] {strides = array<i32>} : memref<4x50x128xf32, #tpu.memory_space<vmem>>, vector<1x1x16xf32>,
        %get3A_670 = vector.shape_cast %get3A_669 : vector<1x1x16xf32> to vector<16xf32>
        %mul3A_671 = arith.constant 11.3137083 : f32
        %mul3A_672 = vector.broadcast %mul3A_671 : f32 to vector<16xf32>
        %mul3A_673 = arith.mulf %get3A_670, %mul3A_672 : vector<16xf32>
        %swap3A_674 = arith.constant 2 : i32
        %swap3A_675 = arith.index_cast %swap3A_674 : i32 to index
        %swap3A_676 = arith.index_cast %add3A_298 : i32 to index
        %swap3A_677 = arith.constant 112 : index
        %swap3A_678 = tpu.vector_load %arg8[%swap3A_675, %swap3A_676, %swap3A_677] {strides = array<i32>} : memref<4x50x128xf32, #tpu.memory_space<vmem>>, vector<1x1x16xf32>,
        %swap3A_679 = vector.shape_cast %swap3A_678 : vector<1x1x16xf32> to vector<16xf32>
        %swap3A_680 = vector.shape_cast %mul3A_673 : vector<16xf32> to vector<1x1x16xf32>
        tpu.vector_store %arg8[%swap3A_675, %swap3A_676, %swap3A_677], %swap3A_680 {strides = array<i32>} : memref<4x50x128xf32, #tpu.memory_space<vmem>>, vector<1x1x16xf32>,
        %get3A_681 = arith.constant 3 : i32
        %get3A_682 = arith.index_cast %get3A_681 : i32 to index
        %get3A_683 = arith.index_cast %add3A_298 : i32 to index
        %get3A_684 = arith.constant 0 : index
        %get3A_685 = tpu.vector_load %arg6[%get3A_682, %get3A_683, %get3A_684] {strides = array<i32>} : memref<4x50x128xf32, #tpu.memory_space<vmem>>, vector<1x1x16xf32>,
        %get3A_686 = vector.shape_cast %get3A_685 : vector<1x1x16xf32> to vector<16xf32>
        %mul3A_687 = arith.constant 11.3137083 : f32
        %mul3A_688 = vector.broadcast %mul3A_687 : f32 to vector<16xf32>
        %mul3A_689 = arith.mulf %get3A_686, %mul3A_688 : vector<16xf32>
        %swap3A_690 = arith.constant 3 : i32
        %swap3A_691 = arith.index_cast %swap3A_690 : i32 to index
        %swap3A_692 = arith.index_cast %add3A_298 : i32 to index
        %swap3A_693 = arith.constant 0 : index
        %swap3A_694 = tpu.vector_load %arg8[%swap3A_691, %swap3A_692, %swap3A_693] {strides = array<i32>} : memref<4x50x128xf32, #tpu.memory_space<vmem>>, vector<1x1x16xf32>,
        %swap3A_695 = vector.shape_cast %swap3A_694 : vector<1x1x16xf32> to vector<16xf32>
        %swap3A_696 = vector.shape_cast %mul3A_689 : vector<16xf32> to vector<1x1x16xf32>
        tpu.vector_store %arg8[%swap3A_691, %swap3A_692, %swap3A_693], %swap3A_696 {strides = array<i32>} : memref<4x50x128xf32, #tpu.memory_space<vmem>>, vector<1x1x16xf32>,
        %get3A_697 = arith.constant 3 : i32
        %get3A_698 = arith.index_cast %get3A_697 : i32 to index
        %get3A_699 = arith.index_cast %add3A_298 : i32 to index
        %get3A_700 = arith.constant 16 : index
        %get3A_701 = tpu.vector_load %arg6[%get3A_698, %get3A_699, %get3A_700] {strides = array<i32>} : memref<4x50x128xf32, #tpu.memory_space<vmem>>, vector<1x1x16xf32>,
        %get3A_702 = vector.shape_cast %get3A_701 : vector<1x1x16xf32> to vector<16xf32>
        %mul3A_703 = arith.constant 11.3137083 : f32
        %mul3A_704 = vector.broadcast %mul3A_703 : f32 to vector<16xf32>
        %mul3A_705 = arith.mulf %get3A_702, %mul3A_704 : vector<16xf32>
        %swap3A_706 = arith.constant 3 : i32
        %swap3A_707 = arith.index_cast %swap3A_706 : i32 to index
        %swap3A_708 = arith.index_cast %add3A_298 : i32 to index
        %swap3A_709 = arith.constant 16 : index
        %swap3A_710 = tpu.vector_load %arg8[%swap3A_707, %swap3A_708, %swap3A_709] {strides = array<i32>} : memref<4x50x128xf32, #tpu.memory_space<vmem>>, vector<1x1x16xf32>,
        %swap3A_711 = vector.shape_cast %swap3A_710 : vector<1x1x16xf32> to vector<16xf32>
        %swap3A_712 = vector.shape_cast %mul3A_705 : vector<16xf32> to vector<1x1x16xf32>
        tpu.vector_store %arg8[%swap3A_707, %swap3A_708, %swap3A_709], %swap3A_712 {strides = array<i32>} : memref<4x50x128xf32, #tpu.memory_space<vmem>>, vector<1x1x16xf32>,
        %get3A_713 = arith.constant 3 : i32
        %get3A_714 = arith.index_cast %get3A_713 : i32 to index
        %get3A_715 = arith.index_cast %add3A_298 : i32 to index
        %get3A_716 = arith.constant 32 : index
        %get3A_717 = tpu.vector_load %arg6[%get3A_714, %get3A_715, %get3A_716] {strides = array<i32>} : memref<4x50x128xf32, #tpu.memory_space<vmem>>, vector<1x1x16xf32>,
        %get3A_718 = vector.shape_cast %get3A_717 : vector<1x1x16xf32> to vector<16xf32>
        %mul3A_719 = arith.constant 11.3137083 : f32
        %mul3A_720 = vector.broadcast %mul3A_719 : f32 to vector<16xf32>
        %mul3A_721 = arith.mulf %get3A_718, %mul3A_720 : vector<16xf32>
        %swap3A_722 = arith.constant 3 : i32
        %swap3A_723 = arith.index_cast %swap3A_722 : i32 to index
        %swap3A_724 = arith.index_cast %add3A_298 : i32 to index
        %swap3A_725 = arith.constant 32 : index
        %swap3A_726 = tpu.vector_load %arg8[%swap3A_723, %swap3A_724, %swap3A_725] {strides = array<i32>} : memref<4x50x128xf32, #tpu.memory_space<vmem>>, vector<1x1x16xf32>,
        %swap3A_727 = vector.shape_cast %swap3A_726 : vector<1x1x16xf32> to vector<16xf32>
        %swap3A_728 = vector.shape_cast %mul3A_721 : vector<16xf32> to vector<1x1x16xf32>
        tpu.vector_store %arg8[%swap3A_723, %swap3A_724, %swap3A_725], %swap3A_728 {strides = array<i32>} : memref<4x50x128xf32, #tpu.memory_space<vmem>>, vector<1x1x16xf32>,
        %get3A_729 = arith.constant 3 : i32
        %get3A_730 = arith.index_cast %get3A_729 : i32 to index
        %get3A_731 = arith.index_cast %add3A_298 : i32 to index
        %get3A_732 = arith.constant 48 : index
        %get3A_733 = tpu.vector_load %arg6[%get3A_730, %get3A_731, %get3A_732] {strides = array<i32>} : memref<4x50x128xf32, #tpu.memory_space<vmem>>, vector<1x1x16xf32>,
        %get3A_734 = vector.shape_cast %get3A_733 : vector<1x1x16xf32> to vector<16xf32>
        %mul3A_735 = arith.constant 11.3137083 : f32
        %mul3A_736 = vector.broadcast %mul3A_735 : f32 to vector<16xf32>
        %mul3A_737 = arith.mulf %get3A_734, %mul3A_736 : vector<16xf32>
        %swap3A_738 = arith.constant 3 : i32
        %swap3A_739 = arith.index_cast %swap3A_738 : i32 to index
        %swap3A_740 = arith.index_cast %add3A_298 : i32 to index
        %swap3A_741 = arith.constant 48 : index
        %swap3A_742 = tpu.vector_load %arg8[%swap3A_739, %swap3A_740, %swap3A_741] {strides = array<i32>} : memref<4x50x128xf32, #tpu.memory_space<vmem>>, vector<1x1x16xf32>,
        %swap3A_743 = vector.shape_cast %swap3A_742 : vector<1x1x16xf32> to vector<16xf32>
        %swap3A_744 = vector.shape_cast %mul3A_737 : vector<16xf32> to vector<1x1x16xf32>
        tpu.vector_store %arg8[%swap3A_739, %swap3A_740, %swap3A_741], %swap3A_744 {strides = array<i32>} : memref<4x50x128xf32, #tpu.memory_space<vmem>>, vector<1x1x16xf32>,
        %get3A_745 = arith.constant 3 : i32
        %get3A_746 = arith.index_cast %get3A_745 : i32 to index
        %get3A_747 = arith.index_cast %add3A_298 : i32 to index
        %get3A_748 = arith.constant 64 : index
        %get3A_749 = tpu.vector_load %arg6[%get3A_746, %get3A_747, %get3A_748] {strides = array<i32>} : memref<4x50x128xf32, #tpu.memory_space<vmem>>, vector<1x1x16xf32>,
        %get3A_750 = vector.shape_cast %get3A_749 : vector<1x1x16xf32> to vector<16xf32>
        %mul3A_751 = arith.constant 11.3137083 : f32
        %mul3A_752 = vector.broadcast %mul3A_751 : f32 to vector<16xf32>
        %mul3A_753 = arith.mulf %get3A_750, %mul3A_752 : vector<16xf32>
        %swap3A_754 = arith.constant 3 : i32
        %swap3A_755 = arith.index_cast %swap3A_754 : i32 to index
        %swap3A_756 = arith.index_cast %add3A_298 : i32 to index
        %swap3A_757 = arith.constant 64 : index
        %swap3A_758 = tpu.vector_load %arg8[%swap3A_755, %swap3A_756, %swap3A_757] {strides = array<i32>} : memref<4x50x128xf32, #tpu.memory_space<vmem>>, vector<1x1x16xf32>,
        %swap3A_759 = vector.shape_cast %swap3A_758 : vector<1x1x16xf32> to vector<16xf32>
        %swap3A_760 = vector.shape_cast %mul3A_753 : vector<16xf32> to vector<1x1x16xf32>
        tpu.vector_store %arg8[%swap3A_755, %swap3A_756, %swap3A_757], %swap3A_760 {strides = array<i32>} : memref<4x50x128xf32, #tpu.memory_space<vmem>>, vector<1x1x16xf32>,
        %get3A_761 = arith.constant 3 : i32
        %get3A_762 = arith.index_cast %get3A_761 : i32 to index
        %get3A_763 = arith.index_cast %add3A_298 : i32 to index
        %get3A_764 = arith.constant 80 : index
        %get3A_765 = tpu.vector_load %arg6[%get3A_762, %get3A_763, %get3A_764] {strides = array<i32>} : memref<4x50x128xf32, #tpu.memory_space<vmem>>, vector<1x1x16xf32>,
        %get3A_766 = vector.shape_cast %get3A_765 : vector<1x1x16xf32> to vector<16xf32>
        %mul3A_767 = arith.constant 11.3137083 : f32
        %mul3A_768 = vector.broadcast %mul3A_767 : f32 to vector<16xf32>
        %mul3A_769 = arith.mulf %get3A_766, %mul3A_768 : vector<16xf32>
        %swap3A_770 = arith.constant 3 : i32
        %swap3A_771 = arith.index_cast %swap3A_770 : i32 to index
        %swap3A_772 = arith.index_cast %add3A_298 : i32 to index
        %swap3A_773 = arith.constant 80 : index
        %swap3A_774 = tpu.vector_load %arg8[%swap3A_771, %swap3A_772, %swap3A_773] {strides = array<i32>} : memref<4x50x128xf32, #tpu.memory_space<vmem>>, vector<1x1x16xf32>,
        %swap3A_775 = vector.shape_cast %swap3A_774 : vector<1x1x16xf32> to vector<16xf32>
        %swap3A_776 = vector.shape_cast %mul3A_769 : vector<16xf32> to vector<1x1x16xf32>
        tpu.vector_store %arg8[%swap3A_771, %swap3A_772, %swap3A_773], %swap3A_776 {strides = array<i32>} : memref<4x50x128xf32, #tpu.memory_space<vmem>>, vector<1x1x16xf32>,
        %get3A_777 = arith.constant 3 : i32
        %get3A_778 = arith.index_cast %get3A_777 : i32 to index
        %get3A_779 = arith.index_cast %add3A_298 : i32 to index
        %get3A_780 = arith.constant 96 : index
        %get3A_781 = tpu.vector_load %arg6[%get3A_778, %get3A_779, %get3A_780] {strides = array<i32>} : memref<4x50x128xf32, #tpu.memory_space<vmem>>, vector<1x1x16xf32>,
        %get3A_782 = vector.shape_cast %get3A_781 : vector<1x1x16xf32> to vector<16xf32>
        %mul3A_783 = arith.constant 11.3137083 : f32
        %mul3A_784 = vector.broadcast %mul3A_783 : f32 to vector<16xf32>
        %mul3A_785 = arith.mulf %get3A_782, %mul3A_784 : vector<16xf32>
        %swap3A_786 = arith.constant 3 : i32
        %swap3A_787 = arith.index_cast %swap3A_786 : i32 to index
        %swap3A_788 = arith.index_cast %add3A_298 : i32 to index
        %swap3A_789 = arith.constant 96 : index
        %swap3A_790 = tpu.vector_load %arg8[%swap3A_787, %swap3A_788, %swap3A_789] {strides = array<i32>} : memref<4x50x128xf32, #tpu.memory_space<vmem>>, vector<1x1x16xf32>,
        %swap3A_791 = vector.shape_cast %swap3A_790 : vector<1x1x16xf32> to vector<16xf32>
        %swap3A_792 = vector.shape_cast %mul3A_785 : vector<16xf32> to vector<1x1x16xf32>
        tpu.vector_store %arg8[%swap3A_787, %swap3A_788, %swap3A_789], %swap3A_792 {strides = array<i32>} : memref<4x50x128xf32, #tpu.memory_space<vmem>>, vector<1x1x16xf32>,
        %get3A_793 = arith.constant 3 : i32
        %get3A_794 = arith.index_cast %get3A_793 : i32 to index
        %get3A_795 = arith.index_cast %add3A_298 : i32 to index
        %get3A_796 = arith.constant 112 : index
        %get3A_797 = tpu.vector_load %arg6[%get3A_794, %get3A_795, %get3A_796] {strides = array<i32>} : memref<4x50x128xf32, #tpu.memory_space<vmem>>, vector<1x1x16xf32>,
        %get3A_798 = vector.shape_cast %get3A_797 : vector<1x1x16xf32> to vector<16xf32>
        %mul3A_799 = arith.constant 11.3137083 : f32
        %mul3A_800 = vector.broadcast %mul3A_799 : f32 to vector<16xf32>
        %mul3A_801 = arith.mulf %get3A_798, %mul3A_800 : vector<16xf32>
        %swap3A_802 = arith.constant 3 : i32
        %swap3A_803 = arith.index_cast %swap3A_802 : i32 to index
        %swap3A_804 = arith.index_cast %add3A_298 : i32 to index
        %swap3A_805 = arith.constant 112 : index
        %swap3A_806 = tpu.vector_load %arg8[%swap3A_803, %swap3A_804, %swap3A_805] {strides = array<i32>} : memref<4x50x128xf32, #tpu.memory_space<vmem>>, vector<1x1x16xf32>,
        %swap3A_807 = vector.shape_cast %swap3A_806 : vector<1x1x16xf32> to vector<16xf32>
        %swap3A_808 = vector.shape_cast %mul3A_801 : vector<16xf32> to vector<1x1x16xf32>
        tpu.vector_store %arg8[%swap3A_803, %swap3A_804, %swap3A_805], %swap3A_808 {strides = array<i32>} : memref<4x50x128xf32, #tpu.memory_space<vmem>>, vector<1x1x16xf32>,
        %scan3A_809 = arith.constant 1 : i32
        %scan3A_810 = arith.addi %scan3A_294, %scan3A_809 : i32
        %mul3A_811 = arith.constant 1 : i32
        %mul3A_812 = arith.muli %scan3A_810, %mul3A_811 : i32
        %add3A_813 = arith.constant 0 : i32
        %add3A_814 = arith.addi %add3A_813, %mul3A_812 : i32
        %get3A_815 = arith.constant 0 : i32
        %get3A_816 = arith.index_cast %get3A_815 : i32 to index
        %get3A_817 = arith.index_cast %add3A_814 : i32 to index
        %get3A_818 = arith.constant 0 : index
        %get3A_819 = tpu.vector_load %arg6[%get3A_816, %get3A_817, %get3A_818] {strides = array<i32>} : memref<4x50x128xf32, #tpu.memory_space<vmem>>, vector<1x1x16xf32>,
        %get3A_820 = vector.shape_cast %get3A_819 : vector<1x1x16xf32> to vector<16xf32>
        %mul3A_821 = arith.constant 11.3137083 : f32
        %mul3A_822 = vector.broadcast %mul3A_821 : f32 to vector<16xf32>
        %mul3A_823 = arith.mulf %get3A_820, %mul3A_822 : vector<16xf32>
        %swap3A_824 = arith.constant 0 : i32
        %swap3A_825 = arith.index_cast %swap3A_824 : i32 to index
        %swap3A_826 = arith.index_cast %add3A_814 : i32 to index
        %swap3A_827 = arith.constant 0 : index
        %swap3A_828 = tpu.vector_load %arg8[%swap3A_825, %swap3A_826, %swap3A_827] {strides = array<i32>} : memref<4x50x128xf32, #tpu.memory_space<vmem>>, vector<1x1x16xf32>,
        %swap3A_829 = vector.shape_cast %swap3A_828 : vector<1x1x16xf32> to vector<16xf32>
        %swap3A_830 = vector.shape_cast %mul3A_823 : vector<16xf32> to vector<1x1x16xf32>
        tpu.vector_store %arg8[%swap3A_825, %swap3A_826, %swap3A_827], %swap3A_830 {strides = array<i32>} : memref<4x50x128xf32, #tpu.memory_space<vmem>>, vector<1x1x16xf32>,
        %get3A_831 = arith.constant 0 : i32
        %get3A_832 = arith.index_cast %get3A_831 : i32 to index
        %get3A_833 = arith.index_cast %add3A_814 : i32 to index
        %get3A_834 = arith.constant 16 : index
        %get3A_835 = tpu.vector_load %arg6[%get3A_832, %get3A_833, %get3A_834] {strides = array<i32>} : memref<4x50x128xf32, #tpu.memory_space<vmem>>, vector<1x1x16xf32>,
        %get3A_836 = vector.shape_cast %get3A_835 : vector<1x1x16xf32> to vector<16xf32>
        %mul3A_837 = arith.constant 11.3137083 : f32
        %mul3A_838 = vector.broadcast %mul3A_837 : f32 to vector<16xf32>
        %mul3A_839 = arith.mulf %get3A_836, %mul3A_838 : vector<16xf32>
        %swap3A_840 = arith.constant 0 : i32
        %swap3A_841 = arith.index_cast %swap3A_840 : i32 to index
        %swap3A_842 = arith.index_cast %add3A_814 : i32 to index
        %swap3A_843 = arith.constant 16 : index
        %swap3A_844 = tpu.vector_load %arg8[%swap3A_841, %swap3A_842, %swap3A_843] {strides = array<i32>} : memref<4x50x128xf32, #tpu.memory_space<vmem>>, vector<1x1x16xf32>,
        %swap3A_845 = vector.shape_cast %swap3A_844 : vector<1x1x16xf32> to vector<16xf32>
        %swap3A_846 = vector.shape_cast %mul3A_839 : vector<16xf32> to vector<1x1x16xf32>
        tpu.vector_store %arg8[%swap3A_841, %swap3A_842, %swap3A_843], %swap3A_846 {strides = array<i32>} : memref<4x50x128xf32, #tpu.memory_space<vmem>>, vector<1x1x16xf32>,
        %get3A_847 = arith.constant 0 : i32
        %get3A_848 = arith.index_cast %get3A_847 : i32 to index
        %get3A_849 = arith.index_cast %add3A_814 : i32 to index
        %get3A_850 = arith.constant 32 : index
        %get3A_851 = tpu.vector_load %arg6[%get3A_848, %get3A_849, %get3A_850] {strides = array<i32>} : memref<4x50x128xf32, #tpu.memory_space<vmem>>, vector<1x1x16xf32>,
        %get3A_852 = vector.shape_cast %get3A_851 : vector<1x1x16xf32> to vector<16xf32>
        %mul3A_853 = arith.constant 11.3137083 : f32
        %mul3A_854 = vector.broadcast %mul3A_853 : f32 to vector<16xf32>
        %mul3A_855 = arith.mulf %get3A_852, %mul3A_854 : vector<16xf32>
        %swap3A_856 = arith.constant 0 : i32
        %swap3A_857 = arith.index_cast %swap3A_856 : i32 to index
        %swap3A_858 = arith.index_cast %add3A_814 : i32 to index
        %swap3A_859 = arith.constant 32 : index
        %swap3A_860 = tpu.vector_load %arg8[%swap3A_857, %swap3A_858, %swap3A_859] {strides = array<i32>} : memref<4x50x128xf32, #tpu.memory_space<vmem>>, vector<1x1x16xf32>,
        %swap3A_861 = vector.shape_cast %swap3A_860 : vector<1x1x16xf32> to vector<16xf32>
        %swap3A_862 = vector.shape_cast %mul3A_855 : vector<16xf32> to vector<1x1x16xf32>
        tpu.vector_store %arg8[%swap3A_857, %swap3A_858, %swap3A_859], %swap3A_862 {strides = array<i32>} : memref<4x50x128xf32, #tpu.memory_space<vmem>>, vector<1x1x16xf32>,
        %get3A_863 = arith.constant 0 : i32
        %get3A_864 = arith.index_cast %get3A_863 : i32 to index
        %get3A_865 = arith.index_cast %add3A_814 : i32 to index
        %get3A_866 = arith.constant 48 : index
        %get3A_867 = tpu.vector_load %arg6[%get3A_864, %get3A_865, %get3A_866] {strides = array<i32>} : memref<4x50x128xf32, #tpu.memory_space<vmem>>, vector<1x1x16xf32>,
        %get3A_868 = vector.shape_cast %get3A_867 : vector<1x1x16xf32> to vector<16xf32>
        %mul3A_869 = arith.constant 11.3137083 : f32
        %mul3A_870 = vector.broadcast %mul3A_869 : f32 to vector<16xf32>
        %mul3A_871 = arith.mulf %get3A_868, %mul3A_870 : vector<16xf32>
        %swap3A_872 = arith.constant 0 : i32
        %swap3A_873 = arith.index_cast %swap3A_872 : i32 to index
        %swap3A_874 = arith.index_cast %add3A_814 : i32 to index
        %swap3A_875 = arith.constant 48 : index
        %swap3A_876 = tpu.vector_load %arg8[%swap3A_873, %swap3A_874, %swap3A_875] {strides = array<i32>} : memref<4x50x128xf32, #tpu.memory_space<vmem>>, vector<1x1x16xf32>,
        %swap3A_877 = vector.shape_cast %swap3A_876 : vector<1x1x16xf32> to vector<16xf32>
        %swap3A_878 = vector.shape_cast %mul3A_871 : vector<16xf32> to vector<1x1x16xf32>
        tpu.vector_store %arg8[%swap3A_873, %swap3A_874, %swap3A_875], %swap3A_878 {strides = array<i32>} : memref<4x50x128xf32, #tpu.memory_space<vmem>>, vector<1x1x16xf32>,
        %get3A_879 = arith.constant 0 : i32
        %get3A_880 = arith.index_cast %get3A_879 : i32 to index
        %get3A_881 = arith.index_cast %add3A_814 : i32 to index
        %get3A_882 = arith.constant 64 : index
        %get3A_883 = tpu.vector_load %arg6[%get3A_880, %get3A_881, %get3A_882] {strides = array<i32>} : memref<4x50x128xf32, #tpu.memory_space<vmem>>, vector<1x1x16xf32>,
        %get3A_884 = vector.shape_cast %get3A_883 : vector<1x1x16xf32> to vector<16xf32>
        %mul3A_885 = arith.constant 11.3137083 : f32
        %mul3A_886 = vector.broadcast %mul3A_885 : f32 to vector<16xf32>
        %mul3A_887 = arith.mulf %get3A_884, %mul3A_886 : vector<16xf32>
        %swap3A_888 = arith.constant 0 : i32
        %swap3A_889 = arith.index_cast %swap3A_888 : i32 to index
        %swap3A_890 = arith.index_cast %add3A_814 : i32 to index
        %swap3A_891 = arith.constant 64 : index
        %swap3A_892 = tpu.vector_load %arg8[%swap3A_889, %swap3A_890, %swap3A_891] {strides = array<i32>} : memref<4x50x128xf32, #tpu.memory_space<vmem>>, vector<1x1x16xf32>,
        %swap3A_893 = vector.shape_cast %swap3A_892 : vector<1x1x16xf32> to vector<16xf32>
        %swap3A_894 = vector.shape_cast %mul3A_887 : vector<16xf32> to vector<1x1x16xf32>
        tpu.vector_store %arg8[%swap3A_889, %swap3A_890, %swap3A_891], %swap3A_894 {strides = array<i32>} : memref<4x50x128xf32, #tpu.memory_space<vmem>>, vector<1x1x16xf32>,
        %get3A_895 = arith.constant 0 : i32
        %get3A_896 = arith.index_cast %get3A_895 : i32 to index
        %get3A_897 = arith.index_cast %add3A_814 : i32 to index
        %get3A_898 = arith.constant 80 : index
        %get3A_899 = tpu.vector_load %arg6[%get3A_896, %get3A_897, %get3A_898] {strides = array<i32>} : memref<4x50x128xf32, #tpu.memory_space<vmem>>, vector<1x1x16xf32>,
        %get3A_900 = vector.shape_cast %get3A_899 : vector<1x1x16xf32> to vector<16xf32>
        %mul3A_901 = arith.constant 11.3137083 : f32
        %mul3A_902 = vector.broadcast %mul3A_901 : f32 to vector<16xf32>
        %mul3A_903 = arith.mulf %get3A_900, %mul3A_902 : vector<16xf32>
        %swap3A_904 = arith.constant 0 : i32
        %swap3A_905 = arith.index_cast %swap3A_904 : i32 to index
        %swap3A_906 = arith.index_cast %add3A_814 : i32 to index
        %swap3A_907 = arith.constant 80 : index
        %swap3A_908 = tpu.vector_load %arg8[%swap3A_905, %swap3A_906, %swap3A_907] {strides = array<i32>} : memref<4x50x128xf32, #tpu.memory_space<vmem>>, vector<1x1x16xf32>,
        %swap3A_909 = vector.shape_cast %swap3A_908 : vector<1x1x16xf32> to vector<16xf32>
        %swap3A_910 = vector.shape_cast %mul3A_903 : vector<16xf32> to vector<1x1x16xf32>
        tpu.vector_store %arg8[%swap3A_905, %swap3A_906, %swap3A_907], %swap3A_910 {strides = array<i32>} : memref<4x50x128xf32, #tpu.memory_space<vmem>>, vector<1x1x16xf32>,
        %get3A_911 = arith.constant 0 : i32
        %get3A_912 = arith.index_cast %get3A_911 : i32 to index
        %get3A_913 = arith.index_cast %add3A_814 : i32 to index
        %get3A_914 = arith.constant 96 : index
        %get3A_915 = tpu.vector_load %arg6[%get3A_912, %get3A_913, %get3A_914] {strides = array<i32>} : memref<4x50x128xf32, #tpu.memory_space<vmem>>, vector<1x1x16xf32>,
        %get3A_916 = vector.shape_cast %get3A_915 : vector<1x1x16xf32> to vector<16xf32>
        %mul3A_917 = arith.constant 11.3137083 : f32
        %mul3A_918 = vector.broadcast %mul3A_917 : f32 to vector<16xf32>
        %mul3A_919 = arith.mulf %get3A_916, %mul3A_918 : vector<16xf32>
        %swap3A_920 = arith.constant 0 : i32
        %swap3A_921 = arith.index_cast %swap3A_920 : i32 to index
        %swap3A_922 = arith.index_cast %add3A_814 : i32 to index
        %swap3A_923 = arith.constant 96 : index
        %swap3A_924 = tpu.vector_load %arg8[%swap3A_921, %swap3A_922, %swap3A_923] {strides = array<i32>} : memref<4x50x128xf32, #tpu.memory_space<vmem>>, vector<1x1x16xf32>,
        %swap3A_925 = vector.shape_cast %swap3A_924 : vector<1x1x16xf32> to vector<16xf32>
        %swap3A_926 = vector.shape_cast %mul3A_919 : vector<16xf32> to vector<1x1x16xf32>
        tpu.vector_store %arg8[%swap3A_921, %swap3A_922, %swap3A_923], %swap3A_926 {strides = array<i32>} : memref<4x50x128xf32, #tpu.memory_space<vmem>>, vector<1x1x16xf32>,
        %get3A_927 = arith.constant 0 : i32
        %get3A_928 = arith.index_cast %get3A_927 : i32 to index
        %get3A_929 = arith.index_cast %add3A_814 : i32 to index
        %get3A_930 = arith.constant 112 : index
        %get3A_931 = tpu.vector_load %arg6[%get3A_928, %get3A_929, %get3A_930] {strides = array<i32>} : memref<4x50x128xf32, #tpu.memory_space<vmem>>, vector<1x1x16xf32>,
        %get3A_932 = vector.shape_cast %get3A_931 : vector<1x1x16xf32> to vector<16xf32>
        %mul3A_933 = arith.constant 11.3137083 : f32
        %mul3A_934 = vector.broadcast %mul3A_933 : f32 to vector<16xf32>
        %mul3A_935 = arith.mulf %get3A_932, %mul3A_934 : vector<16xf32>
        %swap3A_936 = arith.constant 0 : i32
        %swap3A_937 = arith.index_cast %swap3A_936 : i32 to index
        %swap3A_938 = arith.index_cast %add3A_814 : i32 to index
        %swap3A_939 = arith.constant 112 : index
        %swap3A_940 = tpu.vector_load %arg8[%swap3A_937, %swap3A_938, %swap3A_939] {strides = array<i32>} : memref<4x50x128xf32, #tpu.memory_space<vmem>>, vector<1x1x16xf32>,
        %swap3A_941 = vector.shape_cast %swap3A_940 : vector<1x1x16xf32> to vector<16xf32>
        %swap3A_942 = vector.shape_cast %mul3A_935 : vector<16xf32> to vector<1x1x16xf32>
        tpu.vector_store %arg8[%swap3A_937, %swap3A_938, %swap3A_939], %swap3A_942 {strides = array<i32>} : memref<4x50x128xf32, #tpu.memory_space<vmem>>, vector<1x1x16xf32>,
        %get3A_943 = arith.constant 1 : i32
        %get3A_944 = arith.index_cast %get3A_943 : i32 to index
        %get3A_945 = arith.index_cast %add3A_814 : i32 to index
        %get3A_946 = arith.constant 0 : index
        %get3A_947 = tpu.vector_load %arg6[%get3A_944, %get3A_945, %get3A_946] {strides = array<i32>} : memref<4x50x128xf32, #tpu.memory_space<vmem>>, vector<1x1x16xf32>,
        %get3A_948 = vector.shape_cast %get3A_947 : vector<1x1x16xf32> to vector<16xf32>
        %mul3A_949 = arith.constant 11.3137083 : f32
        %mul3A_950 = vector.broadcast %mul3A_949 : f32 to vector<16xf32>
        %mul3A_951 = arith.mulf %get3A_948, %mul3A_950 : vector<16xf32>
        %swap3A_952 = arith.constant 1 : i32
        %swap3A_953 = arith.index_cast %swap3A_952 : i32 to index
        %swap3A_954 = arith.index_cast %add3A_814 : i32 to index
        %swap3A_955 = arith.constant 0 : index
        %swap3A_956 = tpu.vector_load %arg8[%swap3A_953, %swap3A_954, %swap3A_955] {strides = array<i32>} : memref<4x50x128xf32, #tpu.memory_space<vmem>>, vector<1x1x16xf32>,
        %swap3A_957 = vector.shape_cast %swap3A_956 : vector<1x1x16xf32> to vector<16xf32>
        %swap3A_958 = vector.shape_cast %mul3A_951 : vector<16xf32> to vector<1x1x16xf32>
        tpu.vector_store %arg8[%swap3A_953, %swap3A_954, %swap3A_955], %swap3A_958 {strides = array<i32>} : memref<4x50x128xf32, #tpu.memory_space<vmem>>, vector<1x1x16xf32>,
        %get3A_959 = arith.constant 1 : i32
        %get3A_960 = arith.index_cast %get3A_959 : i32 to index
        %get3A_961 = arith.index_cast %add3A_814 : i32 to index
        %get3A_962 = arith.constant 16 : index
        %get3A_963 = tpu.vector_load %arg6[%get3A_960, %get3A_961, %get3A_962] {strides = array<i32>} : memref<4x50x128xf32, #tpu.memory_space<vmem>>, vector<1x1x16xf32>,
        %get3A_964 = vector.shape_cast %get3A_963 : vector<1x1x16xf32> to vector<16xf32>
        %mul3A_965 = arith.constant 11.3137083 : f32
        %mul3A_966 = vector.broadcast %mul3A_965 : f32 to vector<16xf32>
        %mul3A_967 = arith.mulf %get3A_964, %mul3A_966 : vector<16xf32>
        %swap3A_968 = arith.constant 1 : i32
        %swap3A_969 = arith.index_cast %swap3A_968 : i32 to index
        %swap3A_970 = arith.index_cast %add3A_814 : i32 to index
        %swap3A_971 = arith.constant 16 : index
        %swap3A_972 = tpu.vector_load %arg8[%swap3A_969, %swap3A_970, %swap3A_971] {strides = array<i32>} : memref<4x50x128xf32, #tpu.memory_space<vmem>>, vector<1x1x16xf32>,
        %swap3A_973 = vector.shape_cast %swap3A_972 : vector<1x1x16xf32> to vector<16xf32>
        %swap3A_974 = vector.shape_cast %mul3A_967 : vector<16xf32> to vector<1x1x16xf32>
        tpu.vector_store %arg8[%swap3A_969, %swap3A_970, %swap3A_971], %swap3A_974 {strides = array<i32>} : memref<4x50x128xf32, #tpu.memory_space<vmem>>, vector<1x1x16xf32>,
        %get3A_975 = arith.constant 1 : i32
        %get3A_976 = arith.index_cast %get3A_975 : i32 to index
        %get3A_977 = arith.index_cast %add3A_814 : i32 to index
        %get3A_978 = arith.constant 32 : index
        %get3A_979 = tpu.vector_load %arg6[%get3A_976, %get3A_977, %get3A_978] {strides = array<i32>} : memref<4x50x128xf32, #tpu.memory_space<vmem>>, vector<1x1x16xf32>,
        %get3A_980 = vector.shape_cast %get3A_979 : vector<1x1x16xf32> to vector<16xf32>
        %mul3A_981 = arith.constant 11.3137083 : f32
        %mul3A_982 = vector.broadcast %mul3A_981 : f32 to vector<16xf32>
        %mul3A_983 = arith.mulf %get3A_980, %mul3A_982 : vector<16xf32>
        %swap3A_984 = arith.constant 1 : i32
        %swap3A_985 = arith.index_cast %swap3A_984 : i32 to index
        %swap3A_986 = arith.index_cast %add3A_814 : i32 to index
        %swap3A_987 = arith.constant 32 : index
        %swap3A_988 = tpu.vector_load %arg8[%swap3A_985, %swap3A_986, %swap3A_987] {strides = array<i32>} : memref<4x50x128xf32, #tpu.memory_space<vmem>>, vector<1x1x16xf32>,
        %swap3A_989 = vector.shape_cast %swap3A_988 : vector<1x1x16xf32> to vector<16xf32>
        %swap3A_990 = vector.shape_cast %mul3A_983 : vector<16xf32> to vector<1x1x16xf32>
        tpu.vector_store %arg8[%swap3A_985, %swap3A_986, %swap3A_987], %swap3A_990 {strides = array<i32>} : memref<4x50x128xf32, #tpu.memory_space<vmem>>, vector<1x1x16xf32>,
        %get3A_991 = arith.constant 1 : i32
        %get3A_992 = arith.index_cast %get3A_991 : i32 to index
        %get3A_993 = arith.index_cast %add3A_814 : i32 to index
        %get3A_994 = arith.constant 48 : index
        %get3A_995 = tpu.vector_load %arg6[%get3A_992, %get3A_993, %get3A_994] {strides = array<i32>} : memref<4x50x128xf32, #tpu.memory_space<vmem>>, vector<1x1x16xf32>,
        %get3A_996 = vector.shape_cast %get3A_995 : vector<1x1x16xf32> to vector<16xf32>
        %mul3A_997 = arith.constant 11.3137083 : f32
        %mul3A_998 = vector.broadcast %mul3A_997 : f32 to vector<16xf32>
        %mul3A_999 = arith.mulf %get3A_996, %mul3A_998 : vector<16xf32>
        %swap3A_1000 = arith.constant 1 : i32
        %swap3A_1001 = arith.index_cast %swap3A_1000 : i32 to index
        %swap3A_1002 = arith.index_cast %add3A_814 : i32 to index
        %swap3A_1003 = arith.constant 48 : index
        %swap3A_1004 = tpu.vector_load %arg8[%swap3A_1001, %swap3A_1002, %swap3A_1003] {strides = array<i32>} : memref<4x50x128xf32, #tpu.memory_space<vmem>>, vector<1x1x16xf32>,
        %swap3A_1005 = vector.shape_cast %swap3A_1004 : vector<1x1x16xf32> to vector<16xf32>
        %swap3A_1006 = vector.shape_cast %mul3A_999 : vector<16xf32> to vector<1x1x16xf32>
        tpu.vector_store %arg8[%swap3A_1001, %swap3A_1002, %swap3A_1003], %swap3A_1006 {strides = array<i32>} : memref<4x50x128xf32, #tpu.memory_space<vmem>>, vector<1x1x16xf32>,
        %get3A_1007 = arith.constant 1 : i32
        %get3A_1008 = arith.index_cast %get3A_1007 : i32 to index
        %get3A_1009 = arith.index_cast %add3A_814 : i32 to index
        %get3A_1010 = arith.constant 64 : index
        %get3A_1011 = tpu.vector_load %arg6[%get3A_1008, %get3A_1009, %get3A_1010] {strides = array<i32>} : memref<4x50x128xf32, #tpu.memory_space<vmem>>, vector<1x1x16xf32>,
        %get3A_1012 = vector.shape_cast %get3A_1011 : vector<1x1x16xf32> to vector<16xf32>
        %mul3A_1013 = arith.constant 11.3137083 : f32
        %mul3A_1014 = vector.broadcast %mul3A_1013 : f32 to vector<16xf32>
        %mul3A_1015 = arith.mulf %get3A_1012, %mul3A_1014 : vector<16xf32>
        %swap3A_1016 = arith.constant 1 : i32
        %swap3A_1017 = arith.index_cast %swap3A_1016 : i32 to index
        %swap3A_1018 = arith.index_cast %add3A_814 : i32 to index
        %swap3A_1019 = arith.constant 64 : index
        %swap3A_1020 = tpu.vector_load %arg8[%swap3A_1017, %swap3A_1018, %swap3A_1019] {strides = array<i32>} : memref<4x50x128xf32, #tpu.memory_space<vmem>>, vector<1x1x16xf32>,
        %swap3A_1021 = vector.shape_cast %swap3A_1020 : vector<1x1x16xf32> to vector<16xf32>
        %swap3A_1022 = vector.shape_cast %mul3A_1015 : vector<16xf32> to vector<1x1x16xf32>
        tpu.vector_store %arg8[%swap3A_1017, %swap3A_1018, %swap3A_1019], %swap3A_1022 {strides = array<i32>} : memref<4x50x128xf32, #tpu.memory_space<vmem>>, vector<1x1x16xf32>,
        %get3A_1023 = arith.constant 1 : i32
        %get3A_1024 = arith.index_cast %get3A_1023 : i32 to index
        %get3A_1025 = arith.index_cast %add3A_814 : i32 to index
        %get3A_1026 = arith.constant 80 : index
        %get3A_1027 = tpu.vector_load %arg6[%get3A_1024, %get3A_1025, %get3A_1026] {strides = array<i32>} : memref<4x50x128xf32, #tpu.memory_space<vmem>>, vector<1x1x16xf32>,
        %get3A_1028 = vector.shape_cast %get3A_1027 : vector<1x1x16xf32> to vector<16xf32>
        %mul3A_1029 = arith.constant 11.3137083 : f32
        %mul3A_1030 = vector.broadcast %mul3A_1029 : f32 to vector<16xf32>
        %mul3A_1031 = arith.mulf %get3A_1028, %mul3A_1030 : vector<16xf32>
        %swap3A_1032 = arith.constant 1 : i32
        %swap3A_1033 = arith.index_cast %swap3A_1032 : i32 to index
        %swap3A_1034 = arith.index_cast %add3A_814 : i32 to index
        %swap3A_1035 = arith.constant 80 : index
        %swap3A_1036 = tpu.vector_load %arg8[%swap3A_1033, %swap3A_1034, %swap3A_1035] {strides = array<i32>} : memref<4x50x128xf32, #tpu.memory_space<vmem>>, vector<1x1x16xf32>,
        %swap3A_1037 = vector.shape_cast %swap3A_1036 : vector<1x1x16xf32> to vector<16xf32>
        %swap3A_1038 = vector.shape_cast %mul3A_1031 : vector<16xf32> to vector<1x1x16xf32>
        tpu.vector_store %arg8[%swap3A_1033, %swap3A_1034, %swap3A_1035], %swap3A_1038 {strides = array<i32>} : memref<4x50x128xf32, #tpu.memory_space<vmem>>, vector<1x1x16xf32>,
        %get3A_1039 = arith.constant 1 : i32
        %get3A_1040 = arith.index_cast %get3A_1039 : i32 to index
        %get3A_1041 = arith.index_cast %add3A_814 : i32 to index
        %get3A_1042 = arith.constant 96 : index
        %get3A_1043 = tpu.vector_load %arg6[%get3A_1040, %get3A_1041, %get3A_1042] {strides = array<i32>} : memref<4x50x128xf32, #tpu.memory_space<vmem>>, vector<1x1x16xf32>,
        %get3A_1044 = vector.shape_cast %get3A_1043 : vector<1x1x16xf32> to vector<16xf32>
        %mul3A_1045 = arith.constant 11.3137083 : f32
        %mul3A_1046 = vector.broadcast %mul3A_1045 : f32 to vector<16xf32>
        %mul3A_1047 = arith.mulf %get3A_1044, %mul3A_1046 : vector<16xf32>
        %swap3A_1048 = arith.constant 1 : i32
        %swap3A_1049 = arith.index_cast %swap3A_1048 : i32 to index
        %swap3A_1050 = arith.index_cast %add3A_814 : i32 to index
        %swap3A_1051 = arith.constant 96 : index
        %swap3A_1052 = tpu.vector_load %arg8[%swap3A_1049, %swap3A_1050, %swap3A_1051] {strides = array<i32>} : memref<4x50x128xf32, #tpu.memory_space<vmem>>, vector<1x1x16xf32>,
        %swap3A_1053 = vector.shape_cast %swap3A_1052 : vector<1x1x16xf32> to vector<16xf32>
        %swap3A_1054 = vector.shape_cast %mul3A_1047 : vector<16xf32> to vector<1x1x16xf32>
        tpu.vector_store %arg8[%swap3A_1049, %swap3A_1050, %swap3A_1051], %swap3A_1054 {strides = array<i32>} : memref<4x50x128xf32, #tpu.memory_space<vmem>>, vector<1x1x16xf32>,
        %get3A_1055 = arith.constant 1 : i32
        %get3A_1056 = arith.index_cast %get3A_1055 : i32 to index
        %get3A_1057 = arith.index_cast %add3A_814 : i32 to index
        %get3A_1058 = arith.constant 112 : index
        %get3A_1059 = tpu.vector_load %arg6[%get3A_1056, %get3A_1057, %get3A_1058] {strides = array<i32>} : memref<4x50x128xf32, #tpu.memory_space<vmem>>, vector<1x1x16xf32>,
        %get3A_1060 = vector.shape_cast %get3A_1059 : vector<1x1x16xf32> to vector<16xf32>
        %mul3A_1061 = arith.constant 11.3137083 : f32
        %mul3A_1062 = vector.broadcast %mul3A_1061 : f32 to vector<16xf32>
        %mul3A_1063 = arith.mulf %get3A_1060, %mul3A_1062 : vector<16xf32>
        %swap3A_1064 = arith.constant 1 : i32
        %swap3A_1065 = arith.index_cast %swap3A_1064 : i32 to index
        %swap3A_1066 = arith.index_cast %add3A_814 : i32 to index
        %swap3A_1067 = arith.constant 112 : index
        %swap3A_1068 = tpu.vector_load %arg8[%swap3A_1065, %swap3A_1066, %swap3A_1067] {strides = array<i32>} : memref<4x50x128xf32, #tpu.memory_space<vmem>>, vector<1x1x16xf32>,
        %swap3A_1069 = vector.shape_cast %swap3A_1068 : vector<1x1x16xf32> to vector<16xf32>
        %swap3A_1070 = vector.shape_cast %mul3A_1063 : vector<16xf32> to vector<1x1x16xf32>
        tpu.vector_store %arg8[%swap3A_1065, %swap3A_1066, %swap3A_1067], %swap3A_1070 {strides = array<i32>} : memref<4x50x128xf32, #tpu.memory_space<vmem>>, vector<1x1x16xf32>,
        %get3A_1071 = arith.constant 2 : i32
        %get3A_1072 = arith.index_cast %get3A_1071 : i32 to index
        %get3A_1073 = arith.index_cast %add3A_814 : i32 to index
        %get3A_1074 = arith.constant 0 : index
        %get3A_1075 = tpu.vector_load %arg6[%get3A_1072, %get3A_1073, %get3A_1074] {strides = array<i32>} : memref<4x50x128xf32, #tpu.memory_space<vmem>>, vector<1x1x16xf32>,
        %get3A_1076 = vector.shape_cast %get3A_1075 : vector<1x1x16xf32> to vector<16xf32>
        %mul3A_1077 = arith.constant 11.3137083 : f32
        %mul3A_1078 = vector.broadcast %mul3A_1077 : f32 to vector<16xf32>
        %mul3A_1079 = arith.mulf %get3A_1076, %mul3A_1078 : vector<16xf32>
        %swap3A_1080 = arith.constant 2 : i32
        %swap3A_1081 = arith.index_cast %swap3A_1080 : i32 to index
        %swap3A_1082 = arith.index_cast %add3A_814 : i32 to index
        %swap3A_1083 = arith.constant 0 : index
        %swap3A_1084 = tpu.vector_load %arg8[%swap3A_1081, %swap3A_1082, %swap3A_1083] {strides = array<i32>} : memref<4x50x128xf32, #tpu.memory_space<vmem>>, vector<1x1x16xf32>,
        %swap3A_1085 = vector.shape_cast %swap3A_1084 : vector<1x1x16xf32> to vector<16xf32>
        %swap3A_1086 = vector.shape_cast %mul3A_1079 : vector<16xf32> to vector<1x1x16xf32>
        tpu.vector_store %arg8[%swap3A_1081, %swap3A_1082, %swap3A_1083], %swap3A_1086 {strides = array<i32>} : memref<4x50x128xf32, #tpu.memory_space<vmem>>, vector<1x1x16xf32>,
        %get3A_1087 = arith.constant 2 : i32
        %get3A_1088 = arith.index_cast %get3A_1087 : i32 to index
        %get3A_1089 = arith.index_cast %add3A_814 : i32 to index
        %get3A_1090 = arith.constant 16 : index
        %get3A_1091 = tpu.vector_load %arg6[%get3A_1088, %get3A_1089, %get3A_1090] {strides = array<i32>} : memref<4x50x128xf32, #tpu.memory_space<vmem>>, vector<1x1x16xf32>,
        %get3A_1092 = vector.shape_cast %get3A_1091 : vector<1x1x16xf32> to vector<16xf32>
        %mul3A_1093 = arith.constant 11.3137083 : f32
        %mul3A_1094 = vector.broadcast %mul3A_1093 : f32 to vector<16xf32>
        %mul3A_1095 = arith.mulf %get3A_1092, %mul3A_1094 : vector<16xf32>
        %swap3A_1096 = arith.constant 2 : i32
        %swap3A_1097 = arith.index_cast %swap3A_1096 : i32 to index
        %swap3A_1098 = arith.index_cast %add3A_814 : i32 to index
        %swap3A_1099 = arith.constant 16 : index
        %swap3A_1100 = tpu.vector_load %arg8[%swap3A_1097, %swap3A_1098, %swap3A_1099] {strides = array<i32>} : memref<4x50x128xf32, #tpu.memory_space<vmem>>, vector<1x1x16xf32>,
        %swap3A_1101 = vector.shape_cast %swap3A_1100 : vector<1x1x16xf32> to vector<16xf32>
        %swap3A_1102 = vector.shape_cast %mul3A_1095 : vector<16xf32> to vector<1x1x16xf32>
        tpu.vector_store %arg8[%swap3A_1097, %swap3A_1098, %swap3A_1099], %swap3A_1102 {strides = array<i32>} : memref<4x50x128xf32, #tpu.memory_space<vmem>>, vector<1x1x16xf32>,
        %get3A_1103 = arith.constant 2 : i32
        %get3A_1104 = arith.index_cast %get3A_1103 : i32 to index
        %get3A_1105 = arith.index_cast %add3A_814 : i32 to index
        %get3A_1106 = arith.constant 32 : index
        %get3A_1107 = tpu.vector_load %arg6[%get3A_1104, %get3A_1105, %get3A_1106] {strides = array<i32>} : memref<4x50x128xf32, #tpu.memory_space<vmem>>, vector<1x1x16xf32>,
        %get3A_1108 = vector.shape_cast %get3A_1107 : vector<1x1x16xf32> to vector<16xf32>
        %mul3A_1109 = arith.constant 11.3137083 : f32
        %mul3A_1110 = vector.broadcast %mul3A_1109 : f32 to vector<16xf32>
        %mul3A_1111 = arith.mulf %get3A_1108, %mul3A_1110 : vector<16xf32>
        %swap3A_1112 = arith.constant 2 : i32
        %swap3A_1113 = arith.index_cast %swap3A_1112 : i32 to index
        %swap3A_1114 = arith.index_cast %add3A_814 : i32 to index
        %swap3A_1115 = arith.constant 32 : index
        %swap3A_1116 = tpu.vector_load %arg8[%swap3A_1113, %swap3A_1114, %swap3A_1115] {strides = array<i32>} : memref<4x50x128xf32, #tpu.memory_space<vmem>>, vector<1x1x16xf32>,
        %swap3A_1117 = vector.shape_cast %swap3A_1116 : vector<1x1x16xf32> to vector<16xf32>
        %swap3A_1118 = vector.shape_cast %mul3A_1111 : vector<16xf32> to vector<1x1x16xf32>
        tpu.vector_store %arg8[%swap3A_1113, %swap3A_1114, %swap3A_1115], %swap3A_1118 {strides = array<i32>} : memref<4x50x128xf32, #tpu.memory_space<vmem>>, vector<1x1x16xf32>,
        %get3A_1119 = arith.constant 2 : i32
        %get3A_1120 = arith.index_cast %get3A_1119 : i32 to index
        %get3A_1121 = arith.index_cast %add3A_814 : i32 to index
        %get3A_1122 = arith.constant 48 : index
        %get3A_1123 = tpu.vector_load %arg6[%get3A_1120, %get3A_1121, %get3A_1122] {strides = array<i32>} : memref<4x50x128xf32, #tpu.memory_space<vmem>>, vector<1x1x16xf32>,
        %get3A_1124 = vector.shape_cast %get3A_1123 : vector<1x1x16xf32> to vector<16xf32>
        %mul3A_1125 = arith.constant 11.3137083 : f32
        %mul3A_1126 = vector.broadcast %mul3A_1125 : f32 to vector<16xf32>
        %mul3A_1127 = arith.mulf %get3A_1124, %mul3A_1126 : vector<16xf32>
        %swap3A_1128 = arith.constant 2 : i32
        %swap3A_1129 = arith.index_cast %swap3A_1128 : i32 to index
        %swap3A_1130 = arith.index_cast %add3A_814 : i32 to index
        %swap3A_1131 = arith.constant 48 : index
        %swap3A_1132 = tpu.vector_load %arg8[%swap3A_1129, %swap3A_1130, %swap3A_1131] {strides = array<i32>} : memref<4x50x128xf32, #tpu.memory_space<vmem>>, vector<1x1x16xf32>,
        %swap3A_1133 = vector.shape_cast %swap3A_1132 : vector<1x1x16xf32> to vector<16xf32>
        %swap3A_1134 = vector.shape_cast %mul3A_1127 : vector<16xf32> to vector<1x1x16xf32>
        tpu.vector_store %arg8[%swap3A_1129, %swap3A_1130, %swap3A_1131], %swap3A_1134 {strides = array<i32>} : memref<4x50x128xf32, #tpu.memory_space<vmem>>, vector<1x1x16xf32>,
        %get3A_1135 = arith.constant 2 : i32
        %get3A_1136 = arith.index_cast %get3A_1135 : i32 to index
        %get3A_1137 = arith.index_cast %add3A_814 : i32 to index
        %get3A_1138 = arith.constant 64 : index
        %get3A_1139 = tpu.vector_load %arg6[%get3A_1136, %get3A_1137, %get3A_1138] {strides = array<i32>} : memref<4x50x128xf32, #tpu.memory_space<vmem>>, vector<1x1x16xf32>,
        %get3A_1140 = vector.shape_cast %get3A_1139 : vector<1x1x16xf32> to vector<16xf32>
        %mul3A_1141 = arith.constant 11.3137083 : f32
        %mul3A_1142 = vector.broadcast %mul3A_1141 : f32 to vector<16xf32>
        %mul3A_1143 = arith.mulf %get3A_1140, %mul3A_1142 : vector<16xf32>
        %swap3A_1144 = arith.constant 2 : i32
        %swap3A_1145 = arith.index_cast %swap3A_1144 : i32 to index
        %swap3A_1146 = arith.index_cast %add3A_814 : i32 to index
        %swap3A_1147 = arith.constant 64 : index
        %swap3A_1148 = tpu.vector_load %arg8[%swap3A_1145, %swap3A_1146, %swap3A_1147] {strides = array<i32>} : memref<4x50x128xf32, #tpu.memory_space<vmem>>, vector<1x1x16xf32>,
        %swap3A_1149 = vector.shape_cast %swap3A_1148 : vector<1x1x16xf32> to vector<16xf32>
        %swap3A_1150 = vector.shape_cast %mul3A_1143 : vector<16xf32> to vector<1x1x16xf32>
        tpu.vector_store %arg8[%swap3A_1145, %swap3A_1146, %swap3A_1147], %swap3A_1150 {strides = array<i32>} : memref<4x50x128xf32, #tpu.memory_space<vmem>>, vector<1x1x16xf32>,
        %get3A_1151 = arith.constant 2 : i32
        %get3A_1152 = arith.index_cast %get3A_1151 : i32 to index
        %get3A_1153 = arith.index_cast %add3A_814 : i32 to index
        %get3A_1154 = arith.constant 80 : index
        %get3A_1155 = tpu.vector_load %arg6[%get3A_1152, %get3A_1153, %get3A_1154] {strides = array<i32>} : memref<4x50x128xf32, #tpu.memory_space<vmem>>, vector<1x1x16xf32>,
        %get3A_1156 = vector.shape_cast %get3A_1155 : vector<1x1x16xf32> to vector<16xf32>
        %mul3A_1157 = arith.constant 11.3137083 : f32
        %mul3A_1158 = vector.broadcast %mul3A_1157 : f32 to vector<16xf32>
        %mul3A_1159 = arith.mulf %get3A_1156, %mul3A_1158 : vector<16xf32>
        %swap3A_1160 = arith.constant 2 : i32
        %swap3A_1161 = arith.index_cast %swap3A_1160 : i32 to index
        %swap3A_1162 = arith.index_cast %add3A_814 : i32 to index
        %swap3A_1163 = arith.constant 80 : index
        %swap3A_1164 = tpu.vector_load %arg8[%swap3A_1161, %swap3A_1162, %swap3A_1163] {strides = array<i32>} : memref<4x50x128xf32, #tpu.memory_space<vmem>>, vector<1x1x16xf32>,
        %swap3A_1165 = vector.shape_cast %swap3A_1164 : vector<1x1x16xf32> to vector<16xf32>
        %swap3A_1166 = vector.shape_cast %mul3A_1159 : vector<16xf32> to vector<1x1x16xf32>
        tpu.vector_store %arg8[%swap3A_1161, %swap3A_1162, %swap3A_1163], %swap3A_1166 {strides = array<i32>} : memref<4x50x128xf32, #tpu.memory_space<vmem>>, vector<1x1x16xf32>,
        %get3A_1167 = arith.constant 2 : i32
        %get3A_1168 = arith.index_cast %get3A_1167 : i32 to index
        %get3A_1169 = arith.index_cast %add3A_814 : i32 to index
        %get3A_1170 = arith.constant 96 : index
        %get3A_1171 = tpu.vector_load %arg6[%get3A_1168, %get3A_1169, %get3A_1170] {strides = array<i32>} : memref<4x50x128xf32, #tpu.memory_space<vmem>>, vector<1x1x16xf32>,
        %get3A_1172 = vector.shape_cast %get3A_1171 : vector<1x1x16xf32> to vector<16xf32>
        %mul3A_1173 = arith.constant 11.3137083 : f32
        %mul3A_1174 = vector.broadcast %mul3A_1173 : f32 to vector<16xf32>
        %mul3A_1175 = arith.mulf %get3A_1172, %mul3A_1174 : vector<16xf32>
        %swap3A_1176 = arith.constant 2 : i32
        %swap3A_1177 = arith.index_cast %swap3A_1176 : i32 to index
        %swap3A_1178 = arith.index_cast %add3A_814 : i32 to index
        %swap3A_1179 = arith.constant 96 : index
        %swap3A_1180 = tpu.vector_load %arg8[%swap3A_1177, %swap3A_1178, %swap3A_1179] {strides = array<i32>} : memref<4x50x128xf32, #tpu.memory_space<vmem>>, vector<1x1x16xf32>,
        %swap3A_1181 = vector.shape_cast %swap3A_1180 : vector<1x1x16xf32> to vector<16xf32>
        %swap3A_1182 = vector.shape_cast %mul3A_1175 : vector<16xf32> to vector<1x1x16xf32>
        tpu.vector_store %arg8[%swap3A_1177, %swap3A_1178, %swap3A_1179], %swap3A_1182 {strides = array<i32>} : memref<4x50x128xf32, #tpu.memory_space<vmem>>, vector<1x1x16xf32>,
        %get3A_1183 = arith.constant 2 : i32
        %get3A_1184 = arith.index_cast %get3A_1183 : i32 to index
        %get3A_1185 = arith.index_cast %add3A_814 : i32 to index
        %get3A_1186 = arith.constant 112 : index
        %get3A_1187 = tpu.vector_load %arg6[%get3A_1184, %get3A_1185, %get3A_1186] {strides = array<i32>} : memref<4x50x128xf32, #tpu.memory_space<vmem>>, vector<1x1x16xf32>,
        %get3A_1188 = vector.shape_cast %get3A_1187 : vector<1x1x16xf32> to vector<16xf32>
        %mul3A_1189 = arith.constant 11.3137083 : f32
        %mul3A_1190 = vector.broadcast %mul3A_1189 : f32 to vector<16xf32>
        %mul3A_1191 = arith.mulf %get3A_1188, %mul3A_1190 : vector<16xf32>
        %swap3A_1192 = arith.constant 2 : i32
        %swap3A_1193 = arith.index_cast %swap3A_1192 : i32 to index
        %swap3A_1194 = arith.index_cast %add3A_814 : i32 to index
        %swap3A_1195 = arith.constant 112 : index
        %swap3A_1196 = tpu.vector_load %arg8[%swap3A_1193, %swap3A_1194, %swap3A_1195] {strides = array<i32>} : memref<4x50x128xf32, #tpu.memory_space<vmem>>, vector<1x1x16xf32>,
        %swap3A_1197 = vector.shape_cast %swap3A_1196 : vector<1x1x16xf32> to vector<16xf32>
        %swap3A_1198 = vector.shape_cast %mul3A_1191 : vector<16xf32> to vector<1x1x16xf32>
        tpu.vector_store %arg8[%swap3A_1193, %swap3A_1194, %swap3A_1195], %swap3A_1198 {strides = array<i32>} : memref<4x50x128xf32, #tpu.memory_space<vmem>>, vector<1x1x16xf32>,
        %get3A_1199 = arith.constant 3 : i32
        %get3A_1200 = arith.index_cast %get3A_1199 : i32 to index
        %get3A_1201 = arith.index_cast %add3A_814 : i32 to index
        %get3A_1202 = arith.constant 0 : index
        %get3A_1203 = tpu.vector_load %arg6[%get3A_1200, %get3A_1201, %get3A_1202] {strides = array<i32>} : memref<4x50x128xf32, #tpu.memory_space<vmem>>, vector<1x1x16xf32>,
        %get3A_1204 = vector.shape_cast %get3A_1203 : vector<1x1x16xf32> to vector<16xf32>
        %mul3A_1205 = arith.constant 11.3137083 : f32
        %mul3A_1206 = vector.broadcast %mul3A_1205 : f32 to vector<16xf32>
        %mul3A_1207 = arith.mulf %get3A_1204, %mul3A_1206 : vector<16xf32>
        %swap3A_1208 = arith.constant 3 : i32
        %swap3A_1209 = arith.index_cast %swap3A_1208 : i32 to index
        %swap3A_1210 = arith.index_cast %add3A_814 : i32 to index
        %swap3A_1211 = arith.constant 0 : index
        %swap3A_1212 = tpu.vector_load %arg8[%swap3A_1209, %swap3A_1210, %swap3A_1211] {strides = array<i32>} : memref<4x50x128xf32, #tpu.memory_space<vmem>>, vector<1x1x16xf32>,
        %swap3A_1213 = vector.shape_cast %swap3A_1212 : vector<1x1x16xf32> to vector<16xf32>
        %swap3A_1214 = vector.shape_cast %mul3A_1207 : vector<16xf32> to vector<1x1x16xf32>
        tpu.vector_store %arg8[%swap3A_1209, %swap3A_1210, %swap3A_1211], %swap3A_1214 {strides = array<i32>} : memref<4x50x128xf32, #tpu.memory_space<vmem>>, vector<1x1x16xf32>,
        %get3A_1215 = arith.constant 3 : i32
        %get3A_1216 = arith.index_cast %get3A_1215 : i32 to index
        %get3A_1217 = arith.index_cast %add3A_814 : i32 to index
        %get3A_1218 = arith.constant 16 : index
        %get3A_1219 = tpu.vector_load %arg6[%get3A_1216, %get3A_1217, %get3A_1218] {strides = array<i32>} : memref<4x50x128xf32, #tpu.memory_space<vmem>>, vector<1x1x16xf32>,
        %get3A_1220 = vector.shape_cast %get3A_1219 : vector<1x1x16xf32> to vector<16xf32>
        %mul3A_1221 = arith.constant 11.3137083 : f32
        %mul3A_1222 = vector.broadcast %mul3A_1221 : f32 to vector<16xf32>
        %mul3A_1223 = arith.mulf %get3A_1220, %mul3A_1222 : vector<16xf32>
        %swap3A_1224 = arith.constant 3 : i32
        %swap3A_1225 = arith.index_cast %swap3A_1224 : i32 to index
        %swap3A_1226 = arith.index_cast %add3A_814 : i32 to index
        %swap3A_1227 = arith.constant 16 : index
        %swap3A_1228 = tpu.vector_load %arg8[%swap3A_1225, %swap3A_1226, %swap3A_1227] {strides = array<i32>} : memref<4x50x128xf32, #tpu.memory_space<vmem>>, vector<1x1x16xf32>,
        %swap3A_1229 = vector.shape_cast %swap3A_1228 : vector<1x1x16xf32> to vector<16xf32>
        %swap3A_1230 = vector.shape_cast %mul3A_1223 : vector<16xf32> to vector<1x1x16xf32>
        tpu.vector_store %arg8[%swap3A_1225, %swap3A_1226, %swap3A_1227], %swap3A_1230 {strides = array<i32>} : memref<4x50x128xf32, #tpu.memory_space<vmem>>, vector<1x1x16xf32>,
        %get3A_1231 = arith.constant 3 : i32
        %get3A_1232 = arith.index_cast %get3A_1231 : i32 to index
        %get3A_1233 = arith.index_cast %add3A_814 : i32 to index
        %get3A_1234 = arith.constant 32 : index
        %get3A_1235 = tpu.vector_load %arg6[%get3A_1232, %get3A_1233, %get3A_1234] {strides = array<i32>} : memref<4x50x128xf32, #tpu.memory_space<vmem>>, vector<1x1x16xf32>,
        %get3A_1236 = vector.shape_cast %get3A_1235 : vector<1x1x16xf32> to vector<16xf32>
        %mul3A_1237 = arith.constant 11.3137083 : f32
        %mul3A_1238 = vector.broadcast %mul3A_1237 : f32 to vector<16xf32>
        %mul3A_1239 = arith.mulf %get3A_1236, %mul3A_1238 : vector<16xf32>
        %swap3A_1240 = arith.constant 3 : i32
        %swap3A_1241 = arith.index_cast %swap3A_1240 : i32 to index
        %swap3A_1242 = arith.index_cast %add3A_814 : i32 to index
        %swap3A_1243 = arith.constant 32 : index
        %swap3A_1244 = tpu.vector_load %arg8[%swap3A_1241, %swap3A_1242, %swap3A_1243] {strides = array<i32>} : memref<4x50x128xf32, #tpu.memory_space<vmem>>, vector<1x1x16xf32>,
        %swap3A_1245 = vector.shape_cast %swap3A_1244 : vector<1x1x16xf32> to vector<16xf32>
        %swap3A_1246 = vector.shape_cast %mul3A_1239 : vector<16xf32> to vector<1x1x16xf32>
        tpu.vector_store %arg8[%swap3A_1241, %swap3A_1242, %swap3A_1243], %swap3A_1246 {strides = array<i32>} : memref<4x50x128xf32, #tpu.memory_space<vmem>>, vector<1x1x16xf32>,
        %get3A_1247 = arith.constant 3 : i32
        %get3A_1248 = arith.index_cast %get3A_1247 : i32 to index
        %get3A_1249 = arith.index_cast %add3A_814 : i32 to index
        %get3A_1250 = arith.constant 48 : index
        %get3A_1251 = tpu.vector_load %arg6[%get3A_1248, %get3A_1249, %get3A_1250] {strides = array<i32>} : memref<4x50x128xf32, #tpu.memory_space<vmem>>, vector<1x1x16xf32>,
        %get3A_1252 = vector.shape_cast %get3A_1251 : vector<1x1x16xf32> to vector<16xf32>
        %mul3A_1253 = arith.constant 11.3137083 : f32
        %mul3A_1254 = vector.broadcast %mul3A_1253 : f32 to vector<16xf32>
        %mul3A_1255 = arith.mulf %get3A_1252, %mul3A_1254 : vector<16xf32>
        %swap3A_1256 = arith.constant 3 : i32
        %swap3A_1257 = arith.index_cast %swap3A_1256 : i32 to index
        %swap3A_1258 = arith.index_cast %add3A_814 : i32 to index
        %swap3A_1259 = arith.constant 48 : index
        %swap3A_1260 = tpu.vector_load %arg8[%swap3A_1257, %swap3A_1258, %swap3A_1259] {strides = array<i32>} : memref<4x50x128xf32, #tpu.memory_space<vmem>>, vector<1x1x16xf32>,
        %swap3A_1261 = vector.shape_cast %swap3A_1260 : vector<1x1x16xf32> to vector<16xf32>
        %swap3A_1262 = vector.shape_cast %mul3A_1255 : vector<16xf32> to vector<1x1x16xf32>
        tpu.vector_store %arg8[%swap3A_1257, %swap3A_1258, %swap3A_1259], %swap3A_1262 {strides = array<i32>} : memref<4x50x128xf32, #tpu.memory_space<vmem>>, vector<1x1x16xf32>,
        %get3A_1263 = arith.constant 3 : i32
        %get3A_1264 = arith.index_cast %get3A_1263 : i32 to index
        %get3A_1265 = arith.index_cast %add3A_814 : i32 to index
        %get3A_1266 = arith.constant 64 : index
        %get3A_1267 = tpu.vector_load %arg6[%get3A_1264, %get3A_1265, %get3A_1266] {strides = array<i32>} : memref<4x50x128xf32, #tpu.memory_space<vmem>>, vector<1x1x16xf32>,
        %get3A_1268 = vector.shape_cast %get3A_1267 : vector<1x1x16xf32> to vector<16xf32>
        %mul3A_1269 = arith.constant 11.3137083 : f32
        %mul3A_1270 = vector.broadcast %mul3A_1269 : f32 to vector<16xf32>
        %mul3A_1271 = arith.mulf %get3A_1268, %mul3A_1270 : vector<16xf32>
        %swap3A_1272 = arith.constant 3 : i32
        %swap3A_1273 = arith.index_cast %swap3A_1272 : i32 to index
        %swap3A_1274 = arith.index_cast %add3A_814 : i32 to index
        %swap3A_1275 = arith.constant 64 : index
        %swap3A_1276 = tpu.vector_load %arg8[%swap3A_1273, %swap3A_1274, %swap3A_1275] {strides = array<i32>} : memref<4x50x128xf32, #tpu.memory_space<vmem>>, vector<1x1x16xf32>,
        %swap3A_1277 = vector.shape_cast %swap3A_1276 : vector<1x1x16xf32> to vector<16xf32>
        %swap3A_1278 = vector.shape_cast %mul3A_1271 : vector<16xf32> to vector<1x1x16xf32>
        tpu.vector_store %arg8[%swap3A_1273, %swap3A_1274, %swap3A_1275], %swap3A_1278 {strides = array<i32>} : memref<4x50x128xf32, #tpu.memory_space<vmem>>, vector<1x1x16xf32>,
        %get3A_1279 = arith.constant 3 : i32
        %get3A_1280 = arith.index_cast %get3A_1279 : i32 to index
        %get3A_1281 = arith.index_cast %add3A_814 : i32 to index
        %get3A_1282 = arith.constant 80 : index
        %get3A_1283 = tpu.vector_load %arg6[%get3A_1280, %get3A_1281, %get3A_1282] {strides = array<i32>} : memref<4x50x128xf32, #tpu.memory_space<vmem>>, vector<1x1x16xf32>,
        %get3A_1284 = vector.shape_cast %get3A_1283 : vector<1x1x16xf32> to vector<16xf32>
        %mul3A_1285 = arith.constant 11.3137083 : f32
        %mul3A_1286 = vector.broadcast %mul3A_1285 : f32 to vector<16xf32>
        %mul3A_1287 = arith.mulf %get3A_1284, %mul3A_1286 : vector<16xf32>
        %swap3A_1288 = arith.constant 3 : i32
        %swap3A_1289 = arith.index_cast %swap3A_1288 : i32 to index
        %swap3A_1290 = arith.index_cast %add3A_814 : i32 to index
        %swap3A_1291 = arith.constant 80 : index
        %swap3A_1292 = tpu.vector_load %arg8[%swap3A_1289, %swap3A_1290, %swap3A_1291] {strides = array<i32>} : memref<4x50x128xf32, #tpu.memory_space<vmem>>, vector<1x1x16xf32>,
        %swap3A_1293 = vector.shape_cast %swap3A_1292 : vector<1x1x16xf32> to vector<16xf32>
        %swap3A_1294 = vector.shape_cast %mul3A_1287 : vector<16xf32> to vector<1x1x16xf32>
        tpu.vector_store %arg8[%swap3A_1289, %swap3A_1290, %swap3A_1291], %swap3A_1294 {strides = array<i32>} : memref<4x50x128xf32, #tpu.memory_space<vmem>>, vector<1x1x16xf32>,
        %get3A_1295 = arith.constant 3 : i32
        %get3A_1296 = arith.index_cast %get3A_1295 : i32 to index
        %get3A_1297 = arith.index_cast %add3A_814 : i32 to index
        %get3A_1298 = arith.constant 96 : index
        %get3A_1299 = tpu.vector_load %arg6[%get3A_1296, %get3A_1297, %get3A_1298] {strides = array<i32>} : memref<4x50x128xf32, #tpu.memory_space<vmem>>, vector<1x1x16xf32>,
        %get3A_1300 = vector.shape_cast %get3A_1299 : vector<1x1x16xf32> to vector<16xf32>
        %mul3A_1301 = arith.constant 11.3137083 : f32
        %mul3A_1302 = vector.broadcast %mul3A_1301 : f32 to vector<16xf32>
        %mul3A_1303 = arith.mulf %get3A_1300, %mul3A_1302 : vector<16xf32>
        %swap3A_1304 = arith.constant 3 : i32
        %swap3A_1305 = arith.index_cast %swap3A_1304 : i32 to index
        %swap3A_1306 = arith.index_cast %add3A_814 : i32 to index
        %swap3A_1307 = arith.constant 96 : index
        %swap3A_1308 = tpu.vector_load %arg8[%swap3A_1305, %swap3A_1306, %swap3A_1307] {strides = array<i32>} : memref<4x50x128xf32, #tpu.memory_space<vmem>>, vector<1x1x16xf32>,
        %swap3A_1309 = vector.shape_cast %swap3A_1308 : vector<1x1x16xf32> to vector<16xf32>
        %swap3A_1310 = vector.shape_cast %mul3A_1303 : vector<16xf32> to vector<1x1x16xf32>
        tpu.vector_store %arg8[%swap3A_1305, %swap3A_1306, %swap3A_1307], %swap3A_1310 {strides = array<i32>} : memref<4x50x128xf32, #tpu.memory_space<vmem>>, vector<1x1x16xf32>,
        %get3A_1311 = arith.constant 3 : i32
        %get3A_1312 = arith.index_cast %get3A_1311 : i32 to index
        %get3A_1313 = arith.index_cast %add3A_814 : i32 to index
        %get3A_1314 = arith.constant 112 : index
        %get3A_1315 = tpu.vector_load %arg6[%get3A_1312, %get3A_1313, %get3A_1314] {strides = array<i32>} : memref<4x50x128xf32, #tpu.memory_space<vmem>>, vector<1x1x16xf32>,
        %get3A_1316 = vector.shape_cast %get3A_1315 : vector<1x1x16xf32> to vector<16xf32>
        %mul3A_1317 = arith.constant 11.3137083 : f32
        %mul3A_1318 = vector.broadcast %mul3A_1317 : f32 to vector<16xf32>
        %mul3A_1319 = arith.mulf %get3A_1316, %mul3A_1318 : vector<16xf32>
        %swap3A_1320 = arith.constant 3 : i32
        %swap3A_1321 = arith.index_cast %swap3A_1320 : i32 to index
        %swap3A_1322 = arith.index_cast %add3A_814 : i32 to index
        %swap3A_1323 = arith.constant 112 : index
        %swap3A_1324 = tpu.vector_load %arg8[%swap3A_1321, %swap3A_1322, %swap3A_1323] {strides = array<i32>} : memref<4x50x128xf32, #tpu.memory_space<vmem>>, vector<1x1x16xf32>,
        %swap3A_1325 = vector.shape_cast %swap3A_1324 : vector<1x1x16xf32> to vector<16xf32>
        %swap3A_1326 = vector.shape_cast %mul3A_1319 : vector<16xf32> to vector<1x1x16xf32>
        tpu.vector_store %arg8[%swap3A_1321, %swap3A_1322, %swap3A_1323], %swap3A_1326 {strides = array<i32>} : memref<4x50x128xf32, #tpu.memory_space<vmem>>, vector<1x1x16xf32>,
      }
      %scan3A_190 = arith.constant 50 : i32
      %add3A_191 = arith.constant 2 : i32
      %add3A_192 = arith.addi %add3A_123, %add3A_191 : i32
      %lt3A = arith.constant 32 : i32
      %lt3A_193 = arith.cmpi slt, %add3A_192, %lt3A : i32
      %convert_element_type3A_194 = arith.extui %lt3A_193 : i1 to i32
      %cond3A_195 = arith.constant 0 : i32
      %cond3A_196 = arith.cmpi ne, %convert_element_type3A_194, %cond3A_195 : i32
      scf.if %cond3A_196 {
        %add3A_294 = arith.constant 2 : i32
        %add3A_295 = arith.addi %add3A_123, %add3A_294 : i32
        %mul3A_296 = arith.constant 4 : i32
        %mul3A_297 = arith.muli %add3A_295, %mul3A_296 : i32
        %add3A_298 = arith.constant 0 : i32
        %add3A_299 = arith.addi %mul3A_297, %add3A_298 : i32
        %dma_start3A_300 = arith.constant 0 : i32
        %dma_start3A_301 = arith.constant 0 : i32
        %dma_start3A_302 = arith.constant 0 : i32
        %dma_start3A_303 = tpu.memref_slice %arg6[%dma_start3A_300, %dma_start3A_301, %dma_start3A_302] : memref<4x50x128xf32, #tpu.memory_space<vmem>> -> memref<1x50x128xf32, #tpu.memory_space<vmem>>
        %dma_start3A_304 = tpu.memref_squeeze %dma_start3A_303 : memref<1x50x128xf32, #tpu.memory_space<vmem>> -> memref<50x128xf32, #tpu.memory_space<vmem>>
        %dma_start3A_305 = arith.constant 0 : i32
        %dma_start3A_306 = tpu.memref_slice %arg5[%add3A_299, %dma_start3A_305] : memref<128x50xi32, #tpu.memory_space<vmem>> -> memref<1x50xi32, #tpu.memory_space<vmem>>
        %dma_start3A_307 = tpu.memref_squeeze %dma_start3A_306 : memref<1x50xi32, #tpu.memory_space<vmem>> -> memref<50xi32, #tpu.memory_space<vmem>>
        %dma_start3A_308 = arith.constant 0 : i32
        %dma_start3A_309 = arith.constant 0 : i32
        %dma_start3A_310 = tpu.memref_slice %arg3[%dma_start3A_308, %dma_start3A_309] : memref<100000x128xf32, #tpu.memory_space<hbm>> -> memref<100000x128xf32, #tpu.memory_space<hbm>>
        tpu.enqueue_indirect_dma source(%dma_start3A_310 : memref<100000x128xf32, #tpu.memory_space<hbm>>) target(%dma_start3A_304 : memref<50x128xf32, #tpu.memory_space<vmem>>) offsets(%dma_start3A_307 : memref<50xi32, #tpu.memory_space<vmem>>) semaphore(%arg10 : memref<!tpu.dma_semaphore, #tpu.memory_space<semaphore_mem>>)
        %mul3A_311 = arith.constant 4 : i32
        %mul3A_312 = arith.muli %add3A_295, %mul3A_311 : i32
        %add3A_313 = arith.constant 1 : i32
        %add3A_314 = arith.addi %mul3A_312, %add3A_313 : i32
        %dma_start3A_315 = arith.constant 1 : i32
        %dma_start3A_316 = arith.constant 0 : i32
        %dma_start3A_317 = arith.constant 0 : i32
        %dma_start3A_318 = tpu.memref_slice %arg6[%dma_start3A_315, %dma_start3A_316, %dma_start3A_317] : memref<4x50x128xf32, #tpu.memory_space<vmem>> -> memref<1x50x128xf32, #tpu.memory_space<vmem>>
        %dma_start3A_319 = tpu.memref_squeeze %dma_start3A_318 : memref<1x50x128xf32, #tpu.memory_space<vmem>> -> memref<50x128xf32, #tpu.memory_space<vmem>>
        %dma_start3A_320 = arith.constant 0 : i32
        %dma_start3A_321 = tpu.memref_slice %arg5[%add3A_314, %dma_start3A_320] : memref<128x50xi32, #tpu.memory_space<vmem>> -> memref<1x50xi32, #tpu.memory_space<vmem>>
        %dma_start3A_322 = tpu.memref_squeeze %dma_start3A_321 : memref<1x50xi32, #tpu.memory_space<vmem>> -> memref<50xi32, #tpu.memory_space<vmem>>
        %dma_start3A_323 = arith.constant 0 : i32
        %dma_start3A_324 = arith.constant 0 : i32
        %dma_start3A_325 = tpu.memref_slice %arg3[%dma_start3A_323, %dma_start3A_324] : memref<100000x128xf32, #tpu.memory_space<hbm>> -> memref<100000x128xf32, #tpu.memory_space<hbm>>
        tpu.enqueue_indirect_dma source(%dma_start3A_325 : memref<100000x128xf32, #tpu.memory_space<hbm>>) target(%dma_start3A_319 : memref<50x128xf32, #tpu.memory_space<vmem>>) offsets(%dma_start3A_322 : memref<50xi32, #tpu.memory_space<vmem>>) semaphore(%arg10 : memref<!tpu.dma_semaphore, #tpu.memory_space<semaphore_mem>>)
        %mul3A_326 = arith.constant 4 : i32
        %mul3A_327 = arith.muli %add3A_295, %mul3A_326 : i32
        %add3A_328 = arith.constant 2 : i32
        %add3A_329 = arith.addi %mul3A_327, %add3A_328 : i32
        %dma_start3A_330 = arith.constant 2 : i32
        %dma_start3A_331 = arith.constant 0 : i32
        %dma_start3A_332 = arith.constant 0 : i32
        %dma_start3A_333 = tpu.memref_slice %arg6[%dma_start3A_330, %dma_start3A_331, %dma_start3A_332] : memref<4x50x128xf32, #tpu.memory_space<vmem>> -> memref<1x50x128xf32, #tpu.memory_space<vmem>>
        %dma_start3A_334 = tpu.memref_squeeze %dma_start3A_333 : memref<1x50x128xf32, #tpu.memory_space<vmem>> -> memref<50x128xf32, #tpu.memory_space<vmem>>
        %dma_start3A_335 = arith.constant 0 : i32
        %dma_start3A_336 = tpu.memref_slice %arg5[%add3A_329, %dma_start3A_335] : memref<128x50xi32, #tpu.memory_space<vmem>> -> memref<1x50xi32, #tpu.memory_space<vmem>>
        %dma_start3A_337 = tpu.memref_squeeze %dma_start3A_336 : memref<1x50xi32, #tpu.memory_space<vmem>> -> memref<50xi32, #tpu.memory_space<vmem>>
        %dma_start3A_338 = arith.constant 0 : i32
        %dma_start3A_339 = arith.constant 0 : i32
        %dma_start3A_340 = tpu.memref_slice %arg3[%dma_start3A_338, %dma_start3A_339] : memref<100000x128xf32, #tpu.memory_space<hbm>> -> memref<100000x128xf32, #tpu.memory_space<hbm>>
        tpu.enqueue_indirect_dma source(%dma_start3A_340 : memref<100000x128xf32, #tpu.memory_space<hbm>>) target(%dma_start3A_334 : memref<50x128xf32, #tpu.memory_space<vmem>>) offsets(%dma_start3A_337 : memref<50xi32, #tpu.memory_space<vmem>>) semaphore(%arg10 : memref<!tpu.dma_semaphore, #tpu.memory_space<semaphore_mem>>)
        %mul3A_341 = arith.constant 4 : i32
        %mul3A_342 = arith.muli %add3A_295, %mul3A_341 : i32
        %add3A_343 = arith.constant 3 : i32
        %add3A_344 = arith.addi %mul3A_342, %add3A_343 : i32
        %dma_start3A_345 = arith.constant 3 : i32
        %dma_start3A_346 = arith.constant 0 : i32
        %dma_start3A_347 = arith.constant 0 : i32
        %dma_start3A_348 = tpu.memref_slice %arg6[%dma_start3A_345, %dma_start3A_346, %dma_start3A_347] : memref<4x50x128xf32, #tpu.memory_space<vmem>> -> memref<1x50x128xf32, #tpu.memory_space<vmem>>
        %dma_start3A_349 = tpu.memref_squeeze %dma_start3A_348 : memref<1x50x128xf32, #tpu.memory_space<vmem>> -> memref<50x128xf32, #tpu.memory_space<vmem>>
        %dma_start3A_350 = arith.constant 0 : i32
        %dma_start3A_351 = tpu.memref_slice %arg5[%add3A_344, %dma_start3A_350] : memref<128x50xi32, #tpu.memory_space<vmem>> -> memref<1x50xi32, #tpu.memory_space<vmem>>
        %dma_start3A_352 = tpu.memref_squeeze %dma_start3A_351 : memref<1x50xi32, #tpu.memory_space<vmem>> -> memref<50xi32, #tpu.memory_space<vmem>>
        %dma_start3A_353 = arith.constant 0 : i32
        %dma_start3A_354 = arith.constant 0 : i32
        %dma_start3A_355 = tpu.memref_slice %arg3[%dma_start3A_353, %dma_start3A_354] : memref<100000x128xf32, #tpu.memory_space<hbm>> -> memref<100000x128xf32, #tpu.memory_space<hbm>>
        tpu.enqueue_indirect_dma source(%dma_start3A_355 : memref<100000x128xf32, #tpu.memory_space<hbm>>) target(%dma_start3A_349 : memref<50x128xf32, #tpu.memory_space<vmem>>) offsets(%dma_start3A_352 : memref<50xi32, #tpu.memory_space<vmem>>) semaphore(%arg10 : memref<!tpu.dma_semaphore, #tpu.memory_space<semaphore_mem>>)
      } else {
      }
      %mul3A_197 = arith.constant 4 : i32
      %mul3A_198 = arith.muli %add3A_123, %mul3A_197 : i32
      %add3A_199 = arith.addi %mul3A_2, %mul3A_198 : i32
      %dma_start3A_200 = arith.constant 0 : i32
      %dma_start3A_201 = arith.constant 0 : i32
      %dma_start3A_202 = tpu.memref_slice %arg4[%add3A_199, %dma_start3A_200, %dma_start3A_201] : memref<4096x50x128xf32, #tpu.memory_space<hbm>> -> memref<4x50x128xf32, #tpu.memory_space<hbm>>
      %dma_start3A_203 = arith.constant 0 : i32
      %dma_start3A_204 = arith.constant 0 : i32
      %dma_start3A_205 = tpu.memref_slice %arg4[%add3A_199, %dma_start3A_203, %dma_start3A_204] : memref<4096x50x128xf32, #tpu.memory_space<hbm>> -> memref<4x50x128xf32, #tpu.memory_space<hbm>>
      tpu.enqueue_dma source(%arg8 : memref<4x50x128xf32, #tpu.memory_space<vmem>>) target(%dma_start3A_205 : memref<4x50x128xf32, #tpu.memory_space<hbm>>) target_semaphore(%arg12 : memref<!tpu.dma_semaphore, #tpu.memory_space<semaphore_mem>>)
      %add3A_206 = arith.constant 1 : i32
      %add3A_207 = arith.addi %add3A_121, %add3A_206 : i32
      %mul3A_208 = arith.constant 4 : i32
      %mul3A_209 = arith.muli %add3A_207, %mul3A_208 : i32
      %add3A_210 = arith.constant 0 : i32
      %add3A_211 = arith.addi %mul3A_209, %add3A_210 : i32
      %dma_wait3A_212 = arith.constant 0 : i32
      %dma_wait3A_213 = arith.constant 0 : i32
      %dma_wait3A_214 = arith.constant 0 : i32
      %dma_wait3A_215 = tpu.memref_slice %arg7[%dma_wait3A_212, %dma_wait3A_213, %dma_wait3A_214] : memref<4x50x128xf32, #tpu.memory_space<vmem>> -> memref<1x50x128xf32, #tpu.memory_space<vmem>>
      %dma_wait3A_216 = tpu.memref_squeeze %dma_wait3A_215 : memref<1x50x128xf32, #tpu.memory_space<vmem>> -> memref<50x128xf32, #tpu.memory_space<vmem>>
      %dma_wait3A_217 = arith.constant 0 : i32
      %dma_wait3A_218 = tpu.memref_slice %arg5[%add3A_211, %dma_wait3A_217] : memref<128x50xi32, #tpu.memory_space<vmem>> -> memref<1x50xi32, #tpu.memory_space<vmem>>
      %dma_wait3A_219 = tpu.memref_squeeze %dma_wait3A_218 : memref<1x50xi32, #tpu.memory_space<vmem>> -> memref<50xi32, #tpu.memory_space<vmem>>
      %dma_wait3A_220 = arith.constant 0 : i32
      %dma_wait3A_221 = arith.constant 0 : i32
      %dma_wait3A_222 = tpu.memref_slice %arg3[%dma_wait3A_220, %dma_wait3A_221] : memref<100000x128xf32, #tpu.memory_space<hbm>> -> memref<100000x128xf32, #tpu.memory_space<hbm>>
      tpu.wait_indirect_dma semaphore(%arg11 : memref<!tpu.dma_semaphore, #tpu.memory_space<semaphore_mem>>) src(%dma_wait3A_222 : memref<100000x128xf32, #tpu.memory_space<hbm>>) dst(%dma_wait3A_216 : memref<50x128xf32, #tpu.memory_space<vmem>>)
      %mul3A_223 = arith.constant 4 : i32
      %mul3A_224 = arith.muli %add3A_207, %mul3A_223 : i32
      %add3A_225 = arith.constant 1 : i32
      %add3A_226 = arith.addi %mul3A_224, %add3A_225 : i32
      %dma_wait3A_227 = arith.constant 1 : i32
      %dma_wait3A_228 = arith.constant 0 : i32
      %dma_wait3A_229 = arith.constant 0 : i32
      %dma_wait3A_230 = tpu.memref_slice %arg7[%dma_wait3A_227, %dma_wait3A_228, %dma_wait3A_229] : memref<4x50x128xf32, #tpu.memory_space<vmem>> -> memref<1x50x128xf32, #tpu.memory_space<vmem>>
      %dma_wait3A_231 = tpu.memref_squeeze %dma_wait3A_230 : memref<1x50x128xf32, #tpu.memory_space<vmem>> -> memref<50x128xf32, #tpu.memory_space<vmem>>
      %dma_wait3A_232 = arith.constant 0 : i32
      %dma_wait3A_233 = tpu.memref_slice %arg5[%add3A_226, %dma_wait3A_232] : memref<128x50xi32, #tpu.memory_space<vmem>> -> memref<1x50xi32, #tpu.memory_space<vmem>>
      %dma_wait3A_234 = tpu.memref_squeeze %dma_wait3A_233 : memref<1x50xi32, #tpu.memory_space<vmem>> -> memref<50xi32, #tpu.memory_space<vmem>>
      %dma_wait3A_235 = arith.constant 0 : i32
      %dma_wait3A_236 = arith.constant 0 : i32
      %dma_wait3A_237 = tpu.memref_slice %arg3[%dma_wait3A_235, %dma_wait3A_236] : memref<100000x128xf32, #tpu.memory_space<hbm>> -> memref<100000x128xf32, #tpu.memory_space<hbm>>
      tpu.wait_indirect_dma semaphore(%arg11 : memref<!tpu.dma_semaphore, #tpu.memory_space<semaphore_mem>>) src(%dma_wait3A_237 : memref<100000x128xf32, #tpu.memory_space<hbm>>) dst(%dma_wait3A_231 : memref<50x128xf32, #tpu.memory_space<vmem>>)
      %mul3A_238 = arith.constant 4 : i32
      %mul3A_239 = arith.muli %add3A_207, %mul3A_238 : i32
      %add3A_240 = arith.constant 2 : i32
      %add3A_241 = arith.addi %mul3A_239, %add3A_240 : i32
      %dma_wait3A_242 = arith.constant 2 : i32
      %dma_wait3A_243 = arith.constant 0 : i32
      %dma_wait3A_244 = arith.constant 0 : i32
      %dma_wait3A_245 = tpu.memref_slice %arg7[%dma_wait3A_242, %dma_wait3A_243, %dma_wait3A_244] : memref<4x50x128xf32, #tpu.memory_space<vmem>> -> memref<1x50x128xf32, #tpu.memory_space<vmem>>
      %dma_wait3A_246 = tpu.memref_squeeze %dma_wait3A_245 : memref<1x50x128xf32, #tpu.memory_space<vmem>> -> memref<50x128xf32, #tpu.memory_space<vmem>>
      %dma_wait3A_247 = arith.constant 0 : i32
      %dma_wait3A_248 = tpu.memref_slice %arg5[%add3A_241, %dma_wait3A_247] : memref<128x50xi32, #tpu.memory_space<vmem>> -> memref<1x50xi32, #tpu.memory_space<vmem>>
      %dma_wait3A_249 = tpu.memref_squeeze %dma_wait3A_248 : memref<1x50xi32, #tpu.memory_space<vmem>> -> memref<50xi32, #tpu.memory_space<vmem>>
      %dma_wait3A_250 = arith.constant 0 : i32
      %dma_wait3A_251 = arith.constant 0 : i32
      %dma_wait3A_252 = tpu.memref_slice %arg3[%dma_wait3A_250, %dma_wait3A_251] : memref<100000x128xf32, #tpu.memory_space<hbm>> -> memref<100000x128xf32, #tpu.memory_space<hbm>>
      tpu.wait_indirect_dma semaphore(%arg11 : memref<!tpu.dma_semaphore, #tpu.memory_space<semaphore_mem>>) src(%dma_wait3A_252 : memref<100000x128xf32, #tpu.memory_space<hbm>>) dst(%dma_wait3A_246 : memref<50x128xf32, #tpu.memory_space<vmem>>)
      %mul3A_253 = arith.constant 4 : i32
      %mul3A_254 = arith.muli %add3A_207, %mul3A_253 : i32
      %add3A_255 = arith.constant 3 : i32
      %add3A_256 = arith.addi %mul3A_254, %add3A_255 : i32
      %dma_wait3A_257 = arith.constant 3 : i32
      %dma_wait3A_258 = arith.constant 0 : i32
      %dma_wait3A_259 = arith.constant 0 : i32
      %dma_wait3A_260 = tpu.memref_slice %arg7[%dma_wait3A_257, %dma_wait3A_258, %dma_wait3A_259] : memref<4x50x128xf32, #tpu.memory_space<vmem>> -> memref<1x50x128xf32, #tpu.memory_space<vmem>>
      %dma_wait3A_261 = tpu.memref_squeeze %dma_wait3A_260 : memref<1x50x128xf32, #tpu.memory_space<vmem>> -> memref<50x128xf32, #tpu.memory_space<vmem>>
      %dma_wait3A_262 = arith.constant 0 : i32
      %dma_wait3A_263 = tpu.memref_slice %arg5[%add3A_256, %dma_wait3A_262] : memref<128x50xi32, #tpu.memory_space<vmem>> -> memref<1x50xi32, #tpu.memory_space<vmem>>
      %dma_wait3A_264 = tpu.memref_squeeze %dma_wait3A_263 : memref<1x50xi32, #tpu.memory_space<vmem>> -> memref<50xi32, #tpu.memory_space<vmem>>
      %dma_wait3A_265 = arith.constant 0 : i32
      %dma_wait3A_266 = arith.constant 0 : i32
      %dma_wait3A_267 = tpu.memref_slice %arg3[%dma_wait3A_265, %dma_wait3A_266] : memref<100000x128xf32, #tpu.memory_space<hbm>> -> memref<100000x128xf32, #tpu.memory_space<hbm>>
      tpu.wait_indirect_dma semaphore(%arg11 : memref<!tpu.dma_semaphore, #tpu.memory_space<semaphore_mem>>) src(%dma_wait3A_267 : memref<100000x128xf32, #tpu.memory_space<hbm>>) dst(%dma_wait3A_261 : memref<50x128xf32, #tpu.memory_space<vmem>>)
      %ge3A_268 = arith.constant 2 : i32
      %ge3A_269 = arith.cmpi sge, %add3A_207, %ge3A_268 : i32
      %convert_element_type3A_270 = arith.extui %ge3A_269 : i1 to i32
      %cond3A_271 = arith.constant 0 : i32
      %cond3A_272 = arith.cmpi ne, %convert_element_type3A_270, %cond3A_271 : i32
      scf.if %cond3A_272 {
        %sub3A = arith.constant 2 : i32
        %sub3A_294 = arith.subi %add3A_207, %sub3A : i32
        %mul3A_295 = arith.constant 4 : i32
        %mul3A_296 = arith.muli %sub3A_294, %mul3A_295 : i32
        %add3A_297 = arith.addi %mul3A_2, %mul3A_296 : i32
        %dma_wait3A_298 = arith.constant 0 : i32
        %dma_wait3A_299 = arith.constant 0 : i32
        %dma_wait3A_300 = tpu.memref_slice %arg4[%add3A_297, %dma_wait3A_298, %dma_wait3A_299] : memref<4096x50x128xf32, #tpu.memory_space<hbm>> -> memref<4x50x128xf32, #tpu.memory_space<hbm>>
        %dma_wait3A_301 = arith.constant 0 : i32
        %dma_wait3A_302 = arith.constant 0 : i32
        %dma_wait3A_303 = tpu.memref_slice %arg4[%add3A_297, %dma_wait3A_301, %dma_wait3A_302] : memref<4096x50x128xf32, #tpu.memory_space<hbm>> -> memref<4x50x128xf32, #tpu.memory_space<hbm>>
        tpu.wait_dma2 semaphore(%arg13 : memref<!tpu.dma_semaphore, #tpu.memory_space<semaphore_mem>>) src(%arg9 : memref<4x50x128xf32, #tpu.memory_space<vmem>>) dst(%dma_wait3A_303 : memref<4x50x128xf32, #tpu.memory_space<hbm>>)
      } else {
      }
      %scan3A_273 = arith.constant 0 : i32
      %scan3A_274 = arith.constant 50 : i32
      %scan3A_275 = arith.addi %scan3A_273, %scan3A_274 : i32
      %scan3A_276 = arith.constant 2 : i32
      scf.for %scan3A_294 = %scan3A_273 to %scan3A_275 step %scan3A_276  : i32 {
        %mul3A_295 = arith.constant 1 : i32
        %mul3A_296 = arith.muli %scan3A_294, %mul3A_295 : i32
        %add3A_297 = arith.constant 0 : i32
        %add3A_298 = arith.addi %add3A_297, %mul3A_296 : i32
        %get3A = arith.constant 0 : i32
        %get3A_299 = arith.index_cast %get3A : i32 to index
        %get3A_300 = arith.index_cast %add3A_298 : i32 to index
        %get3A_301 = arith.constant 0 : index
        %get3A_302 = tpu.vector_load %arg7[%get3A_299, %get3A_300, %get3A_301] {strides = array<i32>} : memref<4x50x128xf32, #tpu.memory_space<vmem>>, vector<1x1x16xf32>,
        %get3A_303 = vector.shape_cast %get3A_302 : vector<1x1x16xf32> to vector<16xf32>
        %mul3A_304 = arith.constant 11.3137083 : f32
        %mul3A_305 = vector.broadcast %mul3A_304 : f32 to vector<16xf32>
        %mul3A_306 = arith.mulf %get3A_303, %mul3A_305 : vector<16xf32>
        %swap3A = arith.constant 0 : i32
        %swap3A_307 = arith.index_cast %swap3A : i32 to index
        %swap3A_308 = arith.index_cast %add3A_298 : i32 to index
        %swap3A_309 = arith.constant 0 : index
        %swap3A_310 = tpu.vector_load %arg9[%swap3A_307, %swap3A_308, %swap3A_309] {strides = array<i32>} : memref<4x50x128xf32, #tpu.memory_space<vmem>>, vector<1x1x16xf32>,
        %swap3A_311 = vector.shape_cast %swap3A_310 : vector<1x1x16xf32> to vector<16xf32>
        %swap3A_312 = vector.shape_cast %mul3A_306 : vector<16xf32> to vector<1x1x16xf32>
        tpu.vector_store %arg9[%swap3A_307, %swap3A_308, %swap3A_309], %swap3A_312 {strides = array<i32>} : memref<4x50x128xf32, #tpu.memory_space<vmem>>, vector<1x1x16xf32>,
        %get3A_313 = arith.constant 0 : i32
        %get3A_314 = arith.index_cast %get3A_313 : i32 to index
        %get3A_315 = arith.index_cast %add3A_298 : i32 to index
        %get3A_316 = arith.constant 16 : index
        %get3A_317 = tpu.vector_load %arg7[%get3A_314, %get3A_315, %get3A_316] {strides = array<i32>} : memref<4x50x128xf32, #tpu.memory_space<vmem>>, vector<1x1x16xf32>,
        %get3A_318 = vector.shape_cast %get3A_317 : vector<1x1x16xf32> to vector<16xf32>
        %mul3A_319 = arith.constant 11.3137083 : f32
        %mul3A_320 = vector.broadcast %mul3A_319 : f32 to vector<16xf32>
        %mul3A_321 = arith.mulf %get3A_318, %mul3A_320 : vector<16xf32>
        %swap3A_322 = arith.constant 0 : i32
        %swap3A_323 = arith.index_cast %swap3A_322 : i32 to index
        %swap3A_324 = arith.index_cast %add3A_298 : i32 to index
        %swap3A_325 = arith.constant 16 : index
        %swap3A_326 = tpu.vector_load %arg9[%swap3A_323, %swap3A_324, %swap3A_325] {strides = array<i32>} : memref<4x50x128xf32, #tpu.memory_space<vmem>>, vector<1x1x16xf32>,
        %swap3A_327 = vector.shape_cast %swap3A_326 : vector<1x1x16xf32> to vector<16xf32>
        %swap3A_328 = vector.shape_cast %mul3A_321 : vector<16xf32> to vector<1x1x16xf32>
        tpu.vector_store %arg9[%swap3A_323, %swap3A_324, %swap3A_325], %swap3A_328 {strides = array<i32>} : memref<4x50x128xf32, #tpu.memory_space<vmem>>, vector<1x1x16xf32>,
        %get3A_329 = arith.constant 0 : i32
        %get3A_330 = arith.index_cast %get3A_329 : i32 to index
        %get3A_331 = arith.index_cast %add3A_298 : i32 to index
        %get3A_332 = arith.constant 32 : index
        %get3A_333 = tpu.vector_load %arg7[%get3A_330, %get3A_331, %get3A_332] {strides = array<i32>} : memref<4x50x128xf32, #tpu.memory_space<vmem>>, vector<1x1x16xf32>,
        %get3A_334 = vector.shape_cast %get3A_333 : vector<1x1x16xf32> to vector<16xf32>
        %mul3A_335 = arith.constant 11.3137083 : f32
        %mul3A_336 = vector.broadcast %mul3A_335 : f32 to vector<16xf32>
        %mul3A_337 = arith.mulf %get3A_334, %mul3A_336 : vector<16xf32>
        %swap3A_338 = arith.constant 0 : i32
        %swap3A_339 = arith.index_cast %swap3A_338 : i32 to index
        %swap3A_340 = arith.index_cast %add3A_298 : i32 to index
        %swap3A_341 = arith.constant 32 : index
        %swap3A_342 = tpu.vector_load %arg9[%swap3A_339, %swap3A_340, %swap3A_341] {strides = array<i32>} : memref<4x50x128xf32, #tpu.memory_space<vmem>>, vector<1x1x16xf32>,
        %swap3A_343 = vector.shape_cast %swap3A_342 : vector<1x1x16xf32> to vector<16xf32>
        %swap3A_344 = vector.shape_cast %mul3A_337 : vector<16xf32> to vector<1x1x16xf32>
        tpu.vector_store %arg9[%swap3A_339, %swap3A_340, %swap3A_341], %swap3A_344 {strides = array<i32>} : memref<4x50x128xf32, #tpu.memory_space<vmem>>, vector<1x1x16xf32>,
        %get3A_345 = arith.constant 0 : i32
        %get3A_346 = arith.index_cast %get3A_345 : i32 to index
        %get3A_347 = arith.index_cast %add3A_298 : i32 to index
        %get3A_348 = arith.constant 48 : index
        %get3A_349 = tpu.vector_load %arg7[%get3A_346, %get3A_347, %get3A_348] {strides = array<i32>} : memref<4x50x128xf32, #tpu.memory_space<vmem>>, vector<1x1x16xf32>,
        %get3A_350 = vector.shape_cast %get3A_349 : vector<1x1x16xf32> to vector<16xf32>
        %mul3A_351 = arith.constant 11.3137083 : f32
        %mul3A_352 = vector.broadcast %mul3A_351 : f32 to vector<16xf32>
        %mul3A_353 = arith.mulf %get3A_350, %mul3A_352 : vector<16xf32>
        %swap3A_354 = arith.constant 0 : i32
        %swap3A_355 = arith.index_cast %swap3A_354 : i32 to index
        %swap3A_356 = arith.index_cast %add3A_298 : i32 to index
        %swap3A_357 = arith.constant 48 : index
        %swap3A_358 = tpu.vector_load %arg9[%swap3A_355, %swap3A_356, %swap3A_357] {strides = array<i32>} : memref<4x50x128xf32, #tpu.memory_space<vmem>>, vector<1x1x16xf32>,
        %swap3A_359 = vector.shape_cast %swap3A_358 : vector<1x1x16xf32> to vector<16xf32>
        %swap3A_360 = vector.shape_cast %mul3A_353 : vector<16xf32> to vector<1x1x16xf32>
        tpu.vector_store %arg9[%swap3A_355, %swap3A_356, %swap3A_357], %swap3A_360 {strides = array<i32>} : memref<4x50x128xf32, #tpu.memory_space<vmem>>, vector<1x1x16xf32>,
        %get3A_361 = arith.constant 0 : i32
        %get3A_362 = arith.index_cast %get3A_361 : i32 to index
        %get3A_363 = arith.index_cast %add3A_298 : i32 to index
        %get3A_364 = arith.constant 64 : index
        %get3A_365 = tpu.vector_load %arg7[%get3A_362, %get3A_363, %get3A_364] {strides = array<i32>} : memref<4x50x128xf32, #tpu.memory_space<vmem>>, vector<1x1x16xf32>,
        %get3A_366 = vector.shape_cast %get3A_365 : vector<1x1x16xf32> to vector<16xf32>
        %mul3A_367 = arith.constant 11.3137083 : f32
        %mul3A_368 = vector.broadcast %mul3A_367 : f32 to vector<16xf32>
        %mul3A_369 = arith.mulf %get3A_366, %mul3A_368 : vector<16xf32>
        %swap3A_370 = arith.constant 0 : i32
        %swap3A_371 = arith.index_cast %swap3A_370 : i32 to index
        %swap3A_372 = arith.index_cast %add3A_298 : i32 to index
        %swap3A_373 = arith.constant 64 : index
        %swap3A_374 = tpu.vector_load %arg9[%swap3A_371, %swap3A_372, %swap3A_373] {strides = array<i32>} : memref<4x50x128xf32, #tpu.memory_space<vmem>>, vector<1x1x16xf32>,
        %swap3A_375 = vector.shape_cast %swap3A_374 : vector<1x1x16xf32> to vector<16xf32>
        %swap3A_376 = vector.shape_cast %mul3A_369 : vector<16xf32> to vector<1x1x16xf32>
        tpu.vector_store %arg9[%swap3A_371, %swap3A_372, %swap3A_373], %swap3A_376 {strides = array<i32>} : memref<4x50x128xf32, #tpu.memory_space<vmem>>, vector<1x1x16xf32>,
        %get3A_377 = arith.constant 0 : i32
        %get3A_378 = arith.index_cast %get3A_377 : i32 to index
        %get3A_379 = arith.index_cast %add3A_298 : i32 to index
        %get3A_380 = arith.constant 80 : index
        %get3A_381 = tpu.vector_load %arg7[%get3A_378, %get3A_379, %get3A_380] {strides = array<i32>} : memref<4x50x128xf32, #tpu.memory_space<vmem>>, vector<1x1x16xf32>,
        %get3A_382 = vector.shape_cast %get3A_381 : vector<1x1x16xf32> to vector<16xf32>
        %mul3A_383 = arith.constant 11.3137083 : f32
        %mul3A_384 = vector.broadcast %mul3A_383 : f32 to vector<16xf32>
        %mul3A_385 = arith.mulf %get3A_382, %mul3A_384 : vector<16xf32>
        %swap3A_386 = arith.constant 0 : i32
        %swap3A_387 = arith.index_cast %swap3A_386 : i32 to index
        %swap3A_388 = arith.index_cast %add3A_298 : i32 to index
        %swap3A_389 = arith.constant 80 : index
        %swap3A_390 = tpu.vector_load %arg9[%swap3A_387, %swap3A_388, %swap3A_389] {strides = array<i32>} : memref<4x50x128xf32, #tpu.memory_space<vmem>>, vector<1x1x16xf32>,
        %swap3A_391 = vector.shape_cast %swap3A_390 : vector<1x1x16xf32> to vector<16xf32>
        %swap3A_392 = vector.shape_cast %mul3A_385 : vector<16xf32> to vector<1x1x16xf32>
        tpu.vector_store %arg9[%swap3A_387, %swap3A_388, %swap3A_389], %swap3A_392 {strides = array<i32>} : memref<4x50x128xf32, #tpu.memory_space<vmem>>, vector<1x1x16xf32>,
        %get3A_393 = arith.constant 0 : i32
        %get3A_394 = arith.index_cast %get3A_393 : i32 to index
        %get3A_395 = arith.index_cast %add3A_298 : i32 to index
        %get3A_396 = arith.constant 96 : index
        %get3A_397 = tpu.vector_load %arg7[%get3A_394, %get3A_395, %get3A_396] {strides = array<i32>} : memref<4x50x128xf32, #tpu.memory_space<vmem>>, vector<1x1x16xf32>,
        %get3A_398 = vector.shape_cast %get3A_397 : vector<1x1x16xf32> to vector<16xf32>
        %mul3A_399 = arith.constant 11.3137083 : f32
        %mul3A_400 = vector.broadcast %mul3A_399 : f32 to vector<16xf32>
        %mul3A_401 = arith.mulf %get3A_398, %mul3A_400 : vector<16xf32>
        %swap3A_402 = arith.constant 0 : i32
        %swap3A_403 = arith.index_cast %swap3A_402 : i32 to index
        %swap3A_404 = arith.index_cast %add3A_298 : i32 to index
        %swap3A_405 = arith.constant 96 : index
        %swap3A_406 = tpu.vector_load %arg9[%swap3A_403, %swap3A_404, %swap3A_405] {strides = array<i32>} : memref<4x50x128xf32, #tpu.memory_space<vmem>>, vector<1x1x16xf32>,
        %swap3A_407 = vector.shape_cast %swap3A_406 : vector<1x1x16xf32> to vector<16xf32>
        %swap3A_408 = vector.shape_cast %mul3A_401 : vector<16xf32> to vector<1x1x16xf32>
        tpu.vector_store %arg9[%swap3A_403, %swap3A_404, %swap3A_405], %swap3A_408 {strides = array<i32>} : memref<4x50x128xf32, #tpu.memory_space<vmem>>, vector<1x1x16xf32>,
        %get3A_409 = arith.constant 0 : i32
        %get3A_410 = arith.index_cast %get3A_409 : i32 to index
        %get3A_411 = arith.index_cast %add3A_298 : i32 to index
        %get3A_412 = arith.constant 112 : index
        %get3A_413 = tpu.vector_load %arg7[%get3A_410, %get3A_411, %get3A_412] {strides = array<i32>} : memref<4x50x128xf32, #tpu.memory_space<vmem>>, vector<1x1x16xf32>,
        %get3A_414 = vector.shape_cast %get3A_413 : vector<1x1x16xf32> to vector<16xf32>
        %mul3A_415 = arith.constant 11.3137083 : f32
        %mul3A_416 = vector.broadcast %mul3A_415 : f32 to vector<16xf32>
        %mul3A_417 = arith.mulf %get3A_414, %mul3A_416 : vector<16xf32>
        %swap3A_418 = arith.constant 0 : i32
        %swap3A_419 = arith.index_cast %swap3A_418 : i32 to index
        %swap3A_420 = arith.index_cast %add3A_298 : i32 to index
        %swap3A_421 = arith.constant 112 : index
        %swap3A_422 = tpu.vector_load %arg9[%swap3A_419, %swap3A_420, %swap3A_421] {strides = array<i32>} : memref<4x50x128xf32, #tpu.memory_space<vmem>>, vector<1x1x16xf32>,
        %swap3A_423 = vector.shape_cast %swap3A_422 : vector<1x1x16xf32> to vector<16xf32>
        %swap3A_424 = vector.shape_cast %mul3A_417 : vector<16xf32> to vector<1x1x16xf32>
        tpu.vector_store %arg9[%swap3A_419, %swap3A_420, %swap3A_421], %swap3A_424 {strides = array<i32>} : memref<4x50x128xf32, #tpu.memory_space<vmem>>, vector<1x1x16xf32>,
        %get3A_425 = arith.constant 1 : i32
        %get3A_426 = arith.index_cast %get3A_425 : i32 to index
        %get3A_427 = arith.index_cast %add3A_298 : i32 to index
        %get3A_428 = arith.constant 0 : index
        %get3A_429 = tpu.vector_load %arg7[%get3A_426, %get3A_427, %get3A_428] {strides = array<i32>} : memref<4x50x128xf32, #tpu.memory_space<vmem>>, vector<1x1x16xf32>,
        %get3A_430 = vector.shape_cast %get3A_429 : vector<1x1x16xf32> to vector<16xf32>
        %mul3A_431 = arith.constant 11.3137083 : f32
        %mul3A_432 = vector.broadcast %mul3A_431 : f32 to vector<16xf32>
        %mul3A_433 = arith.mulf %get3A_430, %mul3A_432 : vector<16xf32>
        %swap3A_434 = arith.constant 1 : i32
        %swap3A_435 = arith.index_cast %swap3A_434 : i32 to index
        %swap3A_436 = arith.index_cast %add3A_298 : i32 to index
        %swap3A_437 = arith.constant 0 : index
        %swap3A_438 = tpu.vector_load %arg9[%swap3A_435, %swap3A_436, %swap3A_437] {strides = array<i32>} : memref<4x50x128xf32, #tpu.memory_space<vmem>>, vector<1x1x16xf32>,
        %swap3A_439 = vector.shape_cast %swap3A_438 : vector<1x1x16xf32> to vector<16xf32>
        %swap3A_440 = vector.shape_cast %mul3A_433 : vector<16xf32> to vector<1x1x16xf32>
        tpu.vector_store %arg9[%swap3A_435, %swap3A_436, %swap3A_437], %swap3A_440 {strides = array<i32>} : memref<4x50x128xf32, #tpu.memory_space<vmem>>, vector<1x1x16xf32>,
        %get3A_441 = arith.constant 1 : i32
        %get3A_442 = arith.index_cast %get3A_441 : i32 to index
        %get3A_443 = arith.index_cast %add3A_298 : i32 to index
        %get3A_444 = arith.constant 16 : index
        %get3A_445 = tpu.vector_load %arg7[%get3A_442, %get3A_443, %get3A_444] {strides = array<i32>} : memref<4x50x128xf32, #tpu.memory_space<vmem>>, vector<1x1x16xf32>,
        %get3A_446 = vector.shape_cast %get3A_445 : vector<1x1x16xf32> to vector<16xf32>
        %mul3A_447 = arith.constant 11.3137083 : f32
        %mul3A_448 = vector.broadcast %mul3A_447 : f32 to vector<16xf32>
        %mul3A_449 = arith.mulf %get3A_446, %mul3A_448 : vector<16xf32>
        %swap3A_450 = arith.constant 1 : i32
        %swap3A_451 = arith.index_cast %swap3A_450 : i32 to index
        %swap3A_452 = arith.index_cast %add3A_298 : i32 to index
        %swap3A_453 = arith.constant 16 : index
        %swap3A_454 = tpu.vector_load %arg9[%swap3A_451, %swap3A_452, %swap3A_453] {strides = array<i32>} : memref<4x50x128xf32, #tpu.memory_space<vmem>>, vector<1x1x16xf32>,
        %swap3A_455 = vector.shape_cast %swap3A_454 : vector<1x1x16xf32> to vector<16xf32>
        %swap3A_456 = vector.shape_cast %mul3A_449 : vector<16xf32> to vector<1x1x16xf32>
        tpu.vector_store %arg9[%swap3A_451, %swap3A_452, %swap3A_453], %swap3A_456 {strides = array<i32>} : memref<4x50x128xf32, #tpu.memory_space<vmem>>, vector<1x1x16xf32>,
        %get3A_457 = arith.constant 1 : i32
        %get3A_458 = arith.index_cast %get3A_457 : i32 to index
        %get3A_459 = arith.index_cast %add3A_298 : i32 to index
        %get3A_460 = arith.constant 32 : index
        %get3A_461 = tpu.vector_load %arg7[%get3A_458, %get3A_459, %get3A_460] {strides = array<i32>} : memref<4x50x128xf32, #tpu.memory_space<vmem>>, vector<1x1x16xf32>,
        %get3A_462 = vector.shape_cast %get3A_461 : vector<1x1x16xf32> to vector<16xf32>
        %mul3A_463 = arith.constant 11.3137083 : f32
        %mul3A_464 = vector.broadcast %mul3A_463 : f32 to vector<16xf32>
        %mul3A_465 = arith.mulf %get3A_462, %mul3A_464 : vector<16xf32>
        %swap3A_466 = arith.constant 1 : i32
        %swap3A_467 = arith.index_cast %swap3A_466 : i32 to index
        %swap3A_468 = arith.index_cast %add3A_298 : i32 to index
        %swap3A_469 = arith.constant 32 : index
        %swap3A_470 = tpu.vector_load %arg9[%swap3A_467, %swap3A_468, %swap3A_469] {strides = array<i32>} : memref<4x50x128xf32, #tpu.memory_space<vmem>>, vector<1x1x16xf32>,
        %swap3A_471 = vector.shape_cast %swap3A_470 : vector<1x1x16xf32> to vector<16xf32>
        %swap3A_472 = vector.shape_cast %mul3A_465 : vector<16xf32> to vector<1x1x16xf32>
        tpu.vector_store %arg9[%swap3A_467, %swap3A_468, %swap3A_469], %swap3A_472 {strides = array<i32>} : memref<4x50x128xf32, #tpu.memory_space<vmem>>, vector<1x1x16xf32>,
        %get3A_473 = arith.constant 1 : i32
        %get3A_474 = arith.index_cast %get3A_473 : i32 to index
        %get3A_475 = arith.index_cast %add3A_298 : i32 to index
        %get3A_476 = arith.constant 48 : index
        %get3A_477 = tpu.vector_load %arg7[%get3A_474, %get3A_475, %get3A_476] {strides = array<i32>} : memref<4x50x128xf32, #tpu.memory_space<vmem>>, vector<1x1x16xf32>,
        %get3A_478 = vector.shape_cast %get3A_477 : vector<1x1x16xf32> to vector<16xf32>
        %mul3A_479 = arith.constant 11.3137083 : f32
        %mul3A_480 = vector.broadcast %mul3A_479 : f32 to vector<16xf32>
        %mul3A_481 = arith.mulf %get3A_478, %mul3A_480 : vector<16xf32>
        %swap3A_482 = arith.constant 1 : i32
        %swap3A_483 = arith.index_cast %swap3A_482 : i32 to index
        %swap3A_484 = arith.index_cast %add3A_298 : i32 to index
        %swap3A_485 = arith.constant 48 : index
        %swap3A_486 = tpu.vector_load %arg9[%swap3A_483, %swap3A_484, %swap3A_485] {strides = array<i32>} : memref<4x50x128xf32, #tpu.memory_space<vmem>>, vector<1x1x16xf32>,
        %swap3A_487 = vector.shape_cast %swap3A_486 : vector<1x1x16xf32> to vector<16xf32>
        %swap3A_488 = vector.shape_cast %mul3A_481 : vector<16xf32> to vector<1x1x16xf32>
        tpu.vector_store %arg9[%swap3A_483, %swap3A_484, %swap3A_485], %swap3A_488 {strides = array<i32>} : memref<4x50x128xf32, #tpu.memory_space<vmem>>, vector<1x1x16xf32>,
        %get3A_489 = arith.constant 1 : i32
        %get3A_490 = arith.index_cast %get3A_489 : i32 to index
        %get3A_491 = arith.index_cast %add3A_298 : i32 to index
        %get3A_492 = arith.constant 64 : index
        %get3A_493 = tpu.vector_load %arg7[%get3A_490, %get3A_491, %get3A_492] {strides = array<i32>} : memref<4x50x128xf32, #tpu.memory_space<vmem>>, vector<1x1x16xf32>,
        %get3A_494 = vector.shape_cast %get3A_493 : vector<1x1x16xf32> to vector<16xf32>
        %mul3A_495 = arith.constant 11.3137083 : f32
        %mul3A_496 = vector.broadcast %mul3A_495 : f32 to vector<16xf32>
        %mul3A_497 = arith.mulf %get3A_494, %mul3A_496 : vector<16xf32>
        %swap3A_498 = arith.constant 1 : i32
        %swap3A_499 = arith.index_cast %swap3A_498 : i32 to index
        %swap3A_500 = arith.index_cast %add3A_298 : i32 to index
        %swap3A_501 = arith.constant 64 : index
        %swap3A_502 = tpu.vector_load %arg9[%swap3A_499, %swap3A_500, %swap3A_501] {strides = array<i32>} : memref<4x50x128xf32, #tpu.memory_space<vmem>>, vector<1x1x16xf32>,
        %swap3A_503 = vector.shape_cast %swap3A_502 : vector<1x1x16xf32> to vector<16xf32>
        %swap3A_504 = vector.shape_cast %mul3A_497 : vector<16xf32> to vector<1x1x16xf32>
        tpu.vector_store %arg9[%swap3A_499, %swap3A_500, %swap3A_501], %swap3A_504 {strides = array<i32>} : memref<4x50x128xf32, #tpu.memory_space<vmem>>, vector<1x1x16xf32>,
        %get3A_505 = arith.constant 1 : i32
        %get3A_506 = arith.index_cast %get3A_505 : i32 to index
        %get3A_507 = arith.index_cast %add3A_298 : i32 to index
        %get3A_508 = arith.constant 80 : index
        %get3A_509 = tpu.vector_load %arg7[%get3A_506, %get3A_507, %get3A_508] {strides = array<i32>} : memref<4x50x128xf32, #tpu.memory_space<vmem>>, vector<1x1x16xf32>,
        %get3A_510 = vector.shape_cast %get3A_509 : vector<1x1x16xf32> to vector<16xf32>
        %mul3A_511 = arith.constant 11.3137083 : f32
        %mul3A_512 = vector.broadcast %mul3A_511 : f32 to vector<16xf32>
        %mul3A_513 = arith.mulf %get3A_510, %mul3A_512 : vector<16xf32>
        %swap3A_514 = arith.constant 1 : i32
        %swap3A_515 = arith.index_cast %swap3A_514 : i32 to index
        %swap3A_516 = arith.index_cast %add3A_298 : i32 to index
        %swap3A_517 = arith.constant 80 : index
        %swap3A_518 = tpu.vector_load %arg9[%swap3A_515, %swap3A_516, %swap3A_517] {strides = array<i32>} : memref<4x50x128xf32, #tpu.memory_space<vmem>>, vector<1x1x16xf32>,
        %swap3A_519 = vector.shape_cast %swap3A_518 : vector<1x1x16xf32> to vector<16xf32>
        %swap3A_520 = vector.shape_cast %mul3A_513 : vector<16xf32> to vector<1x1x16xf32>
        tpu.vector_store %arg9[%swap3A_515, %swap3A_516, %swap3A_517], %swap3A_520 {strides = array<i32>} : memref<4x50x128xf32, #tpu.memory_space<vmem>>, vector<1x1x16xf32>,
        %get3A_521 = arith.constant 1 : i32
        %get3A_522 = arith.index_cast %get3A_521 : i32 to index
        %get3A_523 = arith.index_cast %add3A_298 : i32 to index
        %get3A_524 = arith.constant 96 : index
        %get3A_525 = tpu.vector_load %arg7[%get3A_522, %get3A_523, %get3A_524] {strides = array<i32>} : memref<4x50x128xf32, #tpu.memory_space<vmem>>, vector<1x1x16xf32>,
        %get3A_526 = vector.shape_cast %get3A_525 : vector<1x1x16xf32> to vector<16xf32>
        %mul3A_527 = arith.constant 11.3137083 : f32
        %mul3A_528 = vector.broadcast %mul3A_527 : f32 to vector<16xf32>
        %mul3A_529 = arith.mulf %get3A_526, %mul3A_528 : vector<16xf32>
        %swap3A_530 = arith.constant 1 : i32
        %swap3A_531 = arith.index_cast %swap3A_530 : i32 to index
        %swap3A_532 = arith.index_cast %add3A_298 : i32 to index
        %swap3A_533 = arith.constant 96 : index
        %swap3A_534 = tpu.vector_load %arg9[%swap3A_531, %swap3A_532, %swap3A_533] {strides = array<i32>} : memref<4x50x128xf32, #tpu.memory_space<vmem>>, vector<1x1x16xf32>,
        %swap3A_535 = vector.shape_cast %swap3A_534 : vector<1x1x16xf32> to vector<16xf32>
        %swap3A_536 = vector.shape_cast %mul3A_529 : vector<16xf32> to vector<1x1x16xf32>
        tpu.vector_store %arg9[%swap3A_531, %swap3A_532, %swap3A_533], %swap3A_536 {strides = array<i32>} : memref<4x50x128xf32, #tpu.memory_space<vmem>>, vector<1x1x16xf32>,
        %get3A_537 = arith.constant 1 : i32
        %get3A_538 = arith.index_cast %get3A_537 : i32 to index
        %get3A_539 = arith.index_cast %add3A_298 : i32 to index
        %get3A_540 = arith.constant 112 : index
        %get3A_541 = tpu.vector_load %arg7[%get3A_538, %get3A_539, %get3A_540] {strides = array<i32>} : memref<4x50x128xf32, #tpu.memory_space<vmem>>, vector<1x1x16xf32>,
        %get3A_542 = vector.shape_cast %get3A_541 : vector<1x1x16xf32> to vector<16xf32>
        %mul3A_543 = arith.constant 11.3137083 : f32
        %mul3A_544 = vector.broadcast %mul3A_543 : f32 to vector<16xf32>
        %mul3A_545 = arith.mulf %get3A_542, %mul3A_544 : vector<16xf32>
        %swap3A_546 = arith.constant 1 : i32
        %swap3A_547 = arith.index_cast %swap3A_546 : i32 to index
        %swap3A_548 = arith.index_cast %add3A_298 : i32 to index
        %swap3A_549 = arith.constant 112 : index
        %swap3A_550 = tpu.vector_load %arg9[%swap3A_547, %swap3A_548, %swap3A_549] {strides = array<i32>} : memref<4x50x128xf32, #tpu.memory_space<vmem>>, vector<1x1x16xf32>,
        %swap3A_551 = vector.shape_cast %swap3A_550 : vector<1x1x16xf32> to vector<16xf32>
        %swap3A_552 = vector.shape_cast %mul3A_545 : vector<16xf32> to vector<1x1x16xf32>
        tpu.vector_store %arg9[%swap3A_547, %swap3A_548, %swap3A_549], %swap3A_552 {strides = array<i32>} : memref<4x50x128xf32, #tpu.memory_space<vmem>>, vector<1x1x16xf32>,
        %get3A_553 = arith.constant 2 : i32
        %get3A_554 = arith.index_cast %get3A_553 : i32 to index
        %get3A_555 = arith.index_cast %add3A_298 : i32 to index
        %get3A_556 = arith.constant 0 : index
        %get3A_557 = tpu.vector_load %arg7[%get3A_554, %get3A_555, %get3A_556] {strides = array<i32>} : memref<4x50x128xf32, #tpu.memory_space<vmem>>, vector<1x1x16xf32>,
        %get3A_558 = vector.shape_cast %get3A_557 : vector<1x1x16xf32> to vector<16xf32>
        %mul3A_559 = arith.constant 11.3137083 : f32
        %mul3A_560 = vector.broadcast %mul3A_559 : f32 to vector<16xf32>
        %mul3A_561 = arith.mulf %get3A_558, %mul3A_560 : vector<16xf32>
        %swap3A_562 = arith.constant 2 : i32
        %swap3A_563 = arith.index_cast %swap3A_562 : i32 to index
        %swap3A_564 = arith.index_cast %add3A_298 : i32 to index
        %swap3A_565 = arith.constant 0 : index
        %swap3A_566 = tpu.vector_load %arg9[%swap3A_563, %swap3A_564, %swap3A_565] {strides = array<i32>} : memref<4x50x128xf32, #tpu.memory_space<vmem>>, vector<1x1x16xf32>,
        %swap3A_567 = vector.shape_cast %swap3A_566 : vector<1x1x16xf32> to vector<16xf32>
        %swap3A_568 = vector.shape_cast %mul3A_561 : vector<16xf32> to vector<1x1x16xf32>
        tpu.vector_store %arg9[%swap3A_563, %swap3A_564, %swap3A_565], %swap3A_568 {strides = array<i32>} : memref<4x50x128xf32, #tpu.memory_space<vmem>>, vector<1x1x16xf32>,
        %get3A_569 = arith.constant 2 : i32
        %get3A_570 = arith.index_cast %get3A_569 : i32 to index
        %get3A_571 = arith.index_cast %add3A_298 : i32 to index
        %get3A_572 = arith.constant 16 : index
        %get3A_573 = tpu.vector_load %arg7[%get3A_570, %get3A_571, %get3A_572] {strides = array<i32>} : memref<4x50x128xf32, #tpu.memory_space<vmem>>, vector<1x1x16xf32>,
        %get3A_574 = vector.shape_cast %get3A_573 : vector<1x1x16xf32> to vector<16xf32>
        %mul3A_575 = arith.constant 11.3137083 : f32
        %mul3A_576 = vector.broadcast %mul3A_575 : f32 to vector<16xf32>
        %mul3A_577 = arith.mulf %get3A_574, %mul3A_576 : vector<16xf32>
        %swap3A_578 = arith.constant 2 : i32
        %swap3A_579 = arith.index_cast %swap3A_578 : i32 to index
        %swap3A_580 = arith.index_cast %add3A_298 : i32 to index
        %swap3A_581 = arith.constant 16 : index
        %swap3A_582 = tpu.vector_load %arg9[%swap3A_579, %swap3A_580, %swap3A_581] {strides = array<i32>} : memref<4x50x128xf32, #tpu.memory_space<vmem>>, vector<1x1x16xf32>,
        %swap3A_583 = vector.shape_cast %swap3A_582 : vector<1x1x16xf32> to vector<16xf32>
        %swap3A_584 = vector.shape_cast %mul3A_577 : vector<16xf32> to vector<1x1x16xf32>
        tpu.vector_store %arg9[%swap3A_579, %swap3A_580, %swap3A_581], %swap3A_584 {strides = array<i32>} : memref<4x50x128xf32, #tpu.memory_space<vmem>>, vector<1x1x16xf32>,
        %get3A_585 = arith.constant 2 : i32
        %get3A_586 = arith.index_cast %get3A_585 : i32 to index
        %get3A_587 = arith.index_cast %add3A_298 : i32 to index
        %get3A_588 = arith.constant 32 : index
        %get3A_589 = tpu.vector_load %arg7[%get3A_586, %get3A_587, %get3A_588] {strides = array<i32>} : memref<4x50x128xf32, #tpu.memory_space<vmem>>, vector<1x1x16xf32>,
        %get3A_590 = vector.shape_cast %get3A_589 : vector<1x1x16xf32> to vector<16xf32>
        %mul3A_591 = arith.constant 11.3137083 : f32
        %mul3A_592 = vector.broadcast %mul3A_591 : f32 to vector<16xf32>
        %mul3A_593 = arith.mulf %get3A_590, %mul3A_592 : vector<16xf32>
        %swap3A_594 = arith.constant 2 : i32
        %swap3A_595 = arith.index_cast %swap3A_594 : i32 to index
        %swap3A_596 = arith.index_cast %add3A_298 : i32 to index
        %swap3A_597 = arith.constant 32 : index
        %swap3A_598 = tpu.vector_load %arg9[%swap3A_595, %swap3A_596, %swap3A_597] {strides = array<i32>} : memref<4x50x128xf32, #tpu.memory_space<vmem>>, vector<1x1x16xf32>,
        %swap3A_599 = vector.shape_cast %swap3A_598 : vector<1x1x16xf32> to vector<16xf32>
        %swap3A_600 = vector.shape_cast %mul3A_593 : vector<16xf32> to vector<1x1x16xf32>
        tpu.vector_store %arg9[%swap3A_595, %swap3A_596, %swap3A_597], %swap3A_600 {strides = array<i32>} : memref<4x50x128xf32, #tpu.memory_space<vmem>>, vector<1x1x16xf32>,
        %get3A_601 = arith.constant 2 : i32
        %get3A_602 = arith.index_cast %get3A_601 : i32 to index
        %get3A_603 = arith.index_cast %add3A_298 : i32 to index
        %get3A_604 = arith.constant 48 : index
        %get3A_605 = tpu.vector_load %arg7[%get3A_602, %get3A_603, %get3A_604] {strides = array<i32>} : memref<4x50x128xf32, #tpu.memory_space<vmem>>, vector<1x1x16xf32>,
        %get3A_606 = vector.shape_cast %get3A_605 : vector<1x1x16xf32> to vector<16xf32>
        %mul3A_607 = arith.constant 11.3137083 : f32
        %mul3A_608 = vector.broadcast %mul3A_607 : f32 to vector<16xf32>
        %mul3A_609 = arith.mulf %get3A_606, %mul3A_608 : vector<16xf32>
        %swap3A_610 = arith.constant 2 : i32
        %swap3A_611 = arith.index_cast %swap3A_610 : i32 to index
        %swap3A_612 = arith.index_cast %add3A_298 : i32 to index
        %swap3A_613 = arith.constant 48 : index
        %swap3A_614 = tpu.vector_load %arg9[%swap3A_611, %swap3A_612, %swap3A_613] {strides = array<i32>} : memref<4x50x128xf32, #tpu.memory_space<vmem>>, vector<1x1x16xf32>,
        %swap3A_615 = vector.shape_cast %swap3A_614 : vector<1x1x16xf32> to vector<16xf32>
        %swap3A_616 = vector.shape_cast %mul3A_609 : vector<16xf32> to vector<1x1x16xf32>
        tpu.vector_store %arg9[%swap3A_611, %swap3A_612, %swap3A_613], %swap3A_616 {strides = array<i32>} : memref<4x50x128xf32, #tpu.memory_space<vmem>>, vector<1x1x16xf32>,
        %get3A_617 = arith.constant 2 : i32
        %get3A_618 = arith.index_cast %get3A_617 : i32 to index
        %get3A_619 = arith.index_cast %add3A_298 : i32 to index
        %get3A_620 = arith.constant 64 : index
        %get3A_621 = tpu.vector_load %arg7[%get3A_618, %get3A_619, %get3A_620] {strides = array<i32>} : memref<4x50x128xf32, #tpu.memory_space<vmem>>, vector<1x1x16xf32>,
        %get3A_622 = vector.shape_cast %get3A_621 : vector<1x1x16xf32> to vector<16xf32>
        %mul3A_623 = arith.constant 11.3137083 : f32
        %mul3A_624 = vector.broadcast %mul3A_623 : f32 to vector<16xf32>
        %mul3A_625 = arith.mulf %get3A_622, %mul3A_624 : vector<16xf32>
        %swap3A_626 = arith.constant 2 : i32
        %swap3A_627 = arith.index_cast %swap3A_626 : i32 to index
        %swap3A_628 = arith.index_cast %add3A_298 : i32 to index
        %swap3A_629 = arith.constant 64 : index
        %swap3A_630 = tpu.vector_load %arg9[%swap3A_627, %swap3A_628, %swap3A_629] {strides = array<i32>} : memref<4x50x128xf32, #tpu.memory_space<vmem>>, vector<1x1x16xf32>,
        %swap3A_631 = vector.shape_cast %swap3A_630 : vector<1x1x16xf32> to vector<16xf32>
        %swap3A_632 = vector.shape_cast %mul3A_625 : vector<16xf32> to vector<1x1x16xf32>
        tpu.vector_store %arg9[%swap3A_627, %swap3A_628, %swap3A_629], %swap3A_632 {strides = array<i32>} : memref<4x50x128xf32, #tpu.memory_space<vmem>>, vector<1x1x16xf32>,
        %get3A_633 = arith.constant 2 : i32
        %get3A_634 = arith.index_cast %get3A_633 : i32 to index
        %get3A_635 = arith.index_cast %add3A_298 : i32 to index
        %get3A_636 = arith.constant 80 : index
        %get3A_637 = tpu.vector_load %arg7[%get3A_634, %get3A_635, %get3A_636] {strides = array<i32>} : memref<4x50x128xf32, #tpu.memory_space<vmem>>, vector<1x1x16xf32>,
        %get3A_638 = vector.shape_cast %get3A_637 : vector<1x1x16xf32> to vector<16xf32>
        %mul3A_639 = arith.constant 11.3137083 : f32
        %mul3A_640 = vector.broadcast %mul3A_639 : f32 to vector<16xf32>
        %mul3A_641 = arith.mulf %get3A_638, %mul3A_640 : vector<16xf32>
        %swap3A_642 = arith.constant 2 : i32
        %swap3A_643 = arith.index_cast %swap3A_642 : i32 to index
        %swap3A_644 = arith.index_cast %add3A_298 : i32 to index
        %swap3A_645 = arith.constant 80 : index
        %swap3A_646 = tpu.vector_load %arg9[%swap3A_643, %swap3A_644, %swap3A_645] {strides = array<i32>} : memref<4x50x128xf32, #tpu.memory_space<vmem>>, vector<1x1x16xf32>,
        %swap3A_647 = vector.shape_cast %swap3A_646 : vector<1x1x16xf32> to vector<16xf32>
        %swap3A_648 = vector.shape_cast %mul3A_641 : vector<16xf32> to vector<1x1x16xf32>
        tpu.vector_store %arg9[%swap3A_643, %swap3A_644, %swap3A_645], %swap3A_648 {strides = array<i32>} : memref<4x50x128xf32, #tpu.memory_space<vmem>>, vector<1x1x16xf32>,
        %get3A_649 = arith.constant 2 : i32
        %get3A_650 = arith.index_cast %get3A_649 : i32 to index
        %get3A_651 = arith.index_cast %add3A_298 : i32 to index
        %get3A_652 = arith.constant 96 : index
        %get3A_653 = tpu.vector_load %arg7[%get3A_650, %get3A_651, %get3A_652] {strides = array<i32>} : memref<4x50x128xf32, #tpu.memory_space<vmem>>, vector<1x1x16xf32>,
        %get3A_654 = vector.shape_cast %get3A_653 : vector<1x1x16xf32> to vector<16xf32>
        %mul3A_655 = arith.constant 11.3137083 : f32
        %mul3A_656 = vector.broadcast %mul3A_655 : f32 to vector<16xf32>
        %mul3A_657 = arith.mulf %get3A_654, %mul3A_656 : vector<16xf32>
        %swap3A_658 = arith.constant 2 : i32
        %swap3A_659 = arith.index_cast %swap3A_658 : i32 to index
        %swap3A_660 = arith.index_cast %add3A_298 : i32 to index
        %swap3A_661 = arith.constant 96 : index
        %swap3A_662 = tpu.vector_load %arg9[%swap3A_659, %swap3A_660, %swap3A_661] {strides = array<i32>} : memref<4x50x128xf32, #tpu.memory_space<vmem>>, vector<1x1x16xf32>,
        %swap3A_663 = vector.shape_cast %swap3A_662 : vector<1x1x16xf32> to vector<16xf32>
        %swap3A_664 = vector.shape_cast %mul3A_657 : vector<16xf32> to vector<1x1x16xf32>
        tpu.vector_store %arg9[%swap3A_659, %swap3A_660, %swap3A_661], %swap3A_664 {strides = array<i32>} : memref<4x50x128xf32, #tpu.memory_space<vmem>>, vector<1x1x16xf32>,
        %get3A_665 = arith.constant 2 : i32
        %get3A_666 = arith.index_cast %get3A_665 : i32 to index
        %get3A_667 = arith.index_cast %add3A_298 : i32 to index
        %get3A_668 = arith.constant 112 : index
        %get3A_669 = tpu.vector_load %arg7[%get3A_666, %get3A_667, %get3A_668] {strides = array<i32>} : memref<4x50x128xf32, #tpu.memory_space<vmem>>, vector<1x1x16xf32>,
        %get3A_670 = vector.shape_cast %get3A_669 : vector<1x1x16xf32> to vector<16xf32>
        %mul3A_671 = arith.constant 11.3137083 : f32
        %mul3A_672 = vector.broadcast %mul3A_671 : f32 to vector<16xf32>
        %mul3A_673 = arith.mulf %get3A_670, %mul3A_672 : vector<16xf32>
        %swap3A_674 = arith.constant 2 : i32
        %swap3A_675 = arith.index_cast %swap3A_674 : i32 to index
        %swap3A_676 = arith.index_cast %add3A_298 : i32 to index
        %swap3A_677 = arith.constant 112 : index
        %swap3A_678 = tpu.vector_load %arg9[%swap3A_675, %swap3A_676, %swap3A_677] {strides = array<i32>} : memref<4x50x128xf32, #tpu.memory_space<vmem>>, vector<1x1x16xf32>,
        %swap3A_679 = vector.shape_cast %swap3A_678 : vector<1x1x16xf32> to vector<16xf32>
        %swap3A_680 = vector.shape_cast %mul3A_673 : vector<16xf32> to vector<1x1x16xf32>
        tpu.vector_store %arg9[%swap3A_675, %swap3A_676, %swap3A_677], %swap3A_680 {strides = array<i32>} : memref<4x50x128xf32, #tpu.memory_space<vmem>>, vector<1x1x16xf32>,
        %get3A_681 = arith.constant 3 : i32
        %get3A_682 = arith.index_cast %get3A_681 : i32 to index
        %get3A_683 = arith.index_cast %add3A_298 : i32 to index
        %get3A_684 = arith.constant 0 : index
        %get3A_685 = tpu.vector_load %arg7[%get3A_682, %get3A_683, %get3A_684] {strides = array<i32>} : memref<4x50x128xf32, #tpu.memory_space<vmem>>, vector<1x1x16xf32>,
        %get3A_686 = vector.shape_cast %get3A_685 : vector<1x1x16xf32> to vector<16xf32>
        %mul3A_687 = arith.constant 11.3137083 : f32
        %mul3A_688 = vector.broadcast %mul3A_687 : f32 to vector<16xf32>
        %mul3A_689 = arith.mulf %get3A_686, %mul3A_688 : vector<16xf32>
        %swap3A_690 = arith.constant 3 : i32
        %swap3A_691 = arith.index_cast %swap3A_690 : i32 to index
        %swap3A_692 = arith.index_cast %add3A_298 : i32 to index
        %swap3A_693 = arith.constant 0 : index
        %swap3A_694 = tpu.vector_load %arg9[%swap3A_691, %swap3A_692, %swap3A_693] {strides = array<i32>} : memref<4x50x128xf32, #tpu.memory_space<vmem>>, vector<1x1x16xf32>,
        %swap3A_695 = vector.shape_cast %swap3A_694 : vector<1x1x16xf32> to vector<16xf32>
        %swap3A_696 = vector.shape_cast %mul3A_689 : vector<16xf32> to vector<1x1x16xf32>
        tpu.vector_store %arg9[%swap3A_691, %swap3A_692, %swap3A_693], %swap3A_696 {strides = array<i32>} : memref<4x50x128xf32, #tpu.memory_space<vmem>>, vector<1x1x16xf32>,
        %get3A_697 = arith.constant 3 : i32
        %get3A_698 = arith.index_cast %get3A_697 : i32 to index
        %get3A_699 = arith.index_cast %add3A_298 : i32 to index
        %get3A_700 = arith.constant 16 : index
        %get3A_701 = tpu.vector_load %arg7[%get3A_698, %get3A_699, %get3A_700] {strides = array<i32>} : memref<4x50x128xf32, #tpu.memory_space<vmem>>, vector<1x1x16xf32>,
        %get3A_702 = vector.shape_cast %get3A_701 : vector<1x1x16xf32> to vector<16xf32>
        %mul3A_703 = arith.constant 11.3137083 : f32
        %mul3A_704 = vector.broadcast %mul3A_703 : f32 to vector<16xf32>
        %mul3A_705 = arith.mulf %get3A_702, %mul3A_704 : vector<16xf32>
        %swap3A_706 = arith.constant 3 : i32
        %swap3A_707 = arith.index_cast %swap3A_706 : i32 to index
        %swap3A_708 = arith.index_cast %add3A_298 : i32 to index
        %swap3A_709 = arith.constant 16 : index
        %swap3A_710 = tpu.vector_load %arg9[%swap3A_707, %swap3A_708, %swap3A_709] {strides = array<i32>} : memref<4x50x128xf32, #tpu.memory_space<vmem>>, vector<1x1x16xf32>,
        %swap3A_711 = vector.shape_cast %swap3A_710 : vector<1x1x16xf32> to vector<16xf32>
        %swap3A_712 = vector.shape_cast %mul3A_705 : vector<16xf32> to vector<1x1x16xf32>
        tpu.vector_store %arg9[%swap3A_707, %swap3A_708, %swap3A_709], %swap3A_712 {strides = array<i32>} : memref<4x50x128xf32, #tpu.memory_space<vmem>>, vector<1x1x16xf32>,
        %get3A_713 = arith.constant 3 : i32
        %get3A_714 = arith.index_cast %get3A_713 : i32 to index
        %get3A_715 = arith.index_cast %add3A_298 : i32 to index
        %get3A_716 = arith.constant 32 : index
        %get3A_717 = tpu.vector_load %arg7[%get3A_714, %get3A_715, %get3A_716] {strides = array<i32>} : memref<4x50x128xf32, #tpu.memory_space<vmem>>, vector<1x1x16xf32>,
        %get3A_718 = vector.shape_cast %get3A_717 : vector<1x1x16xf32> to vector<16xf32>
        %mul3A_719 = arith.constant 11.3137083 : f32
        %mul3A_720 = vector.broadcast %mul3A_719 : f32 to vector<16xf32>
        %mul3A_721 = arith.mulf %get3A_718, %mul3A_720 : vector<16xf32>
        %swap3A_722 = arith.constant 3 : i32
        %swap3A_723 = arith.index_cast %swap3A_722 : i32 to index
        %swap3A_724 = arith.index_cast %add3A_298 : i32 to index
        %swap3A_725 = arith.constant 32 : index
        %swap3A_726 = tpu.vector_load %arg9[%swap3A_723, %swap3A_724, %swap3A_725] {strides = array<i32>} : memref<4x50x128xf32, #tpu.memory_space<vmem>>, vector<1x1x16xf32>,
        %swap3A_727 = vector.shape_cast %swap3A_726 : vector<1x1x16xf32> to vector<16xf32>
        %swap3A_728 = vector.shape_cast %mul3A_721 : vector<16xf32> to vector<1x1x16xf32>
        tpu.vector_store %arg9[%swap3A_723, %swap3A_724, %swap3A_725], %swap3A_728 {strides = array<i32>} : memref<4x50x128xf32, #tpu.memory_space<vmem>>, vector<1x1x16xf32>,
        %get3A_729 = arith.constant 3 : i32
        %get3A_730 = arith.index_cast %get3A_729 : i32 to index
        %get3A_731 = arith.index_cast %add3A_298 : i32 to index
        %get3A_732 = arith.constant 48 : index
        %get3A_733 = tpu.vector_load %arg7[%get3A_730, %get3A_731, %get3A_732] {strides = array<i32>} : memref<4x50x128xf32, #tpu.memory_space<vmem>>, vector<1x1x16xf32>,
        %get3A_734 = vector.shape_cast %get3A_733 : vector<1x1x16xf32> to vector<16xf32>
        %mul3A_735 = arith.constant 11.3137083 : f32
        %mul3A_736 = vector.broadcast %mul3A_735 : f32 to vector<16xf32>
        %mul3A_737 = arith.mulf %get3A_734, %mul3A_736 : vector<16xf32>
        %swap3A_738 = arith.constant 3 : i32
        %swap3A_739 = arith.index_cast %swap3A_738 : i32 to index
        %swap3A_740 = arith.index_cast %add3A_298 : i32 to index
        %swap3A_741 = arith.constant 48 : index
        %swap3A_742 = tpu.vector_load %arg9[%swap3A_739, %swap3A_740, %swap3A_741] {strides = array<i32>} : memref<4x50x128xf32, #tpu.memory_space<vmem>>, vector<1x1x16xf32>,
        %swap3A_743 = vector.shape_cast %swap3A_742 : vector<1x1x16xf32> to vector<16xf32>
        %swap3A_744 = vector.shape_cast %mul3A_737 : vector<16xf32> to vector<1x1x16xf32>
        tpu.vector_store %arg9[%swap3A_739, %swap3A_740, %swap3A_741], %swap3A_744 {strides = array<i32>} : memref<4x50x128xf32, #tpu.memory_space<vmem>>, vector<1x1x16xf32>,
        %get3A_745 = arith.constant 3 : i32
        %get3A_746 = arith.index_cast %get3A_745 : i32 to index
        %get3A_747 = arith.index_cast %add3A_298 : i32 to index
        %get3A_748 = arith.constant 64 : index
        %get3A_749 = tpu.vector_load %arg7[%get3A_746, %get3A_747, %get3A_748] {strides = array<i32>} : memref<4x50x128xf32, #tpu.memory_space<vmem>>, vector<1x1x16xf32>,
        %get3A_750 = vector.shape_cast %get3A_749 : vector<1x1x16xf32> to vector<16xf32>
        %mul3A_751 = arith.constant 11.3137083 : f32
        %mul3A_752 = vector.broadcast %mul3A_751 : f32 to vector<16xf32>
        %mul3A_753 = arith.mulf %get3A_750, %mul3A_752 : vector<16xf32>
        %swap3A_754 = arith.constant 3 : i32
        %swap3A_755 = arith.index_cast %swap3A_754 : i32 to index
        %swap3A_756 = arith.index_cast %add3A_298 : i32 to index
        %swap3A_757 = arith.constant 64 : index
        %swap3A_758 = tpu.vector_load %arg9[%swap3A_755, %swap3A_756, %swap3A_757] {strides = array<i32>} : memref<4x50x128xf32, #tpu.memory_space<vmem>>, vector<1x1x16xf32>,
        %swap3A_759 = vector.shape_cast %swap3A_758 : vector<1x1x16xf32> to vector<16xf32>
        %swap3A_760 = vector.shape_cast %mul3A_753 : vector<16xf32> to vector<1x1x16xf32>
        tpu.vector_store %arg9[%swap3A_755, %swap3A_756, %swap3A_757], %swap3A_760 {strides = array<i32>} : memref<4x50x128xf32, #tpu.memory_space<vmem>>, vector<1x1x16xf32>,
        %get3A_761 = arith.constant 3 : i32
        %get3A_762 = arith.index_cast %get3A_761 : i32 to index
        %get3A_763 = arith.index_cast %add3A_298 : i32 to index
        %get3A_764 = arith.constant 80 : index
        %get3A_765 = tpu.vector_load %arg7[%get3A_762, %get3A_763, %get3A_764] {strides = array<i32>} : memref<4x50x128xf32, #tpu.memory_space<vmem>>, vector<1x1x16xf32>,
        %get3A_766 = vector.shape_cast %get3A_765 : vector<1x1x16xf32> to vector<16xf32>
        %mul3A_767 = arith.constant 11.3137083 : f32
        %mul3A_768 = vector.broadcast %mul3A_767 : f32 to vector<16xf32>
        %mul3A_769 = arith.mulf %get3A_766, %mul3A_768 : vector<16xf32>
        %swap3A_770 = arith.constant 3 : i32
        %swap3A_771 = arith.index_cast %swap3A_770 : i32 to index
        %swap3A_772 = arith.index_cast %add3A_298 : i32 to index
        %swap3A_773 = arith.constant 80 : index
        %swap3A_774 = tpu.vector_load %arg9[%swap3A_771, %swap3A_772, %swap3A_773] {strides = array<i32>} : memref<4x50x128xf32, #tpu.memory_space<vmem>>, vector<1x1x16xf32>,
        %swap3A_775 = vector.shape_cast %swap3A_774 : vector<1x1x16xf32> to vector<16xf32>
        %swap3A_776 = vector.shape_cast %mul3A_769 : vector<16xf32> to vector<1x1x16xf32>
        tpu.vector_store %arg9[%swap3A_771, %swap3A_772, %swap3A_773], %swap3A_776 {strides = array<i32>} : memref<4x50x128xf32, #tpu.memory_space<vmem>>, vector<1x1x16xf32>,
        %get3A_777 = arith.constant 3 : i32
        %get3A_778 = arith.index_cast %get3A_777 : i32 to index
        %get3A_779 = arith.index_cast %add3A_298 : i32 to index
        %get3A_780 = arith.constant 96 : index
        %get3A_781 = tpu.vector_load %arg7[%get3A_778, %get3A_779, %get3A_780] {strides = array<i32>} : memref<4x50x128xf32, #tpu.memory_space<vmem>>, vector<1x1x16xf32>,
        %get3A_782 = vector.shape_cast %get3A_781 : vector<1x1x16xf32> to vector<16xf32>
        %mul3A_783 = arith.constant 11.3137083 : f32
        %mul3A_784 = vector.broadcast %mul3A_783 : f32 to vector<16xf32>
        %mul3A_785 = arith.mulf %get3A_782, %mul3A_784 : vector<16xf32>
        %swap3A_786 = arith.constant 3 : i32
        %swap3A_787 = arith.index_cast %swap3A_786 : i32 to index
        %swap3A_788 = arith.index_cast %add3A_298 : i32 to index
        %swap3A_789 = arith.constant 96 : index
        %swap3A_790 = tpu.vector_load %arg9[%swap3A_787, %swap3A_788, %swap3A_789] {strides = array<i32>} : memref<4x50x128xf32, #tpu.memory_space<vmem>>, vector<1x1x16xf32>,
        %swap3A_791 = vector.shape_cast %swap3A_790 : vector<1x1x16xf32> to vector<16xf32>
        %swap3A_792 = vector.shape_cast %mul3A_785 : vector<16xf32> to vector<1x1x16xf32>
        tpu.vector_store %arg9[%swap3A_787, %swap3A_788, %swap3A_789], %swap3A_792 {strides = array<i32>} : memref<4x50x128xf32, #tpu.memory_space<vmem>>, vector<1x1x16xf32>,
        %get3A_793 = arith.constant 3 : i32
        %get3A_794 = arith.index_cast %get3A_793 : i32 to index
        %get3A_795 = arith.index_cast %add3A_298 : i32 to index
        %get3A_796 = arith.constant 112 : index
        %get3A_797 = tpu.vector_load %arg7[%get3A_794, %get3A_795, %get3A_796] {strides = array<i32>} : memref<4x50x128xf32, #tpu.memory_space<vmem>>, vector<1x1x16xf32>,
        %get3A_798 = vector.shape_cast %get3A_797 : vector<1x1x16xf32> to vector<16xf32>
        %mul3A_799 = arith.constant 11.3137083 : f32
        %mul3A_800 = vector.broadcast %mul3A_799 : f32 to vector<16xf32>
        %mul3A_801 = arith.mulf %get3A_798, %mul3A_800 : vector<16xf32>
        %swap3A_802 = arith.constant 3 : i32
        %swap3A_803 = arith.index_cast %swap3A_802 : i32 to index
        %swap3A_804 = arith.index_cast %add3A_298 : i32 to index
        %swap3A_805 = arith.constant 112 : index
        %swap3A_806 = tpu.vector_load %arg9[%swap3A_803, %swap3A_804, %swap3A_805] {strides = array<i32>} : memref<4x50x128xf32, #tpu.memory_space<vmem>>, vector<1x1x16xf32>,
        %swap3A_807 = vector.shape_cast %swap3A_806 : vector<1x1x16xf32> to vector<16xf32>
        %swap3A_808 = vector.shape_cast %mul3A_801 : vector<16xf32> to vector<1x1x16xf32>
        tpu.vector_store %arg9[%swap3A_803, %swap3A_804, %swap3A_805], %swap3A_808 {strides = array<i32>} : memref<4x50x128xf32, #tpu.memory_space<vmem>>, vector<1x1x16xf32>,
        %scan3A_809 = arith.constant 1 : i32
        %scan3A_810 = arith.addi %scan3A_294, %scan3A_809 : i32
        %mul3A_811 = arith.constant 1 : i32
        %mul3A_812 = arith.muli %scan3A_810, %mul3A_811 : i32
        %add3A_813 = arith.constant 0 : i32
        %add3A_814 = arith.addi %add3A_813, %mul3A_812 : i32
        %get3A_815 = arith.constant 0 : i32
        %get3A_816 = arith.index_cast %get3A_815 : i32 to index
        %get3A_817 = arith.index_cast %add3A_814 : i32 to index
        %get3A_818 = arith.constant 0 : index
        %get3A_819 = tpu.vector_load %arg7[%get3A_816, %get3A_817, %get3A_818] {strides = array<i32>} : memref<4x50x128xf32, #tpu.memory_space<vmem>>, vector<1x1x16xf32>,
        %get3A_820 = vector.shape_cast %get3A_819 : vector<1x1x16xf32> to vector<16xf32>
        %mul3A_821 = arith.constant 11.3137083 : f32
        %mul3A_822 = vector.broadcast %mul3A_821 : f32 to vector<16xf32>
        %mul3A_823 = arith.mulf %get3A_820, %mul3A_822 : vector<16xf32>
        %swap3A_824 = arith.constant 0 : i32
        %swap3A_825 = arith.index_cast %swap3A_824 : i32 to index
        %swap3A_826 = arith.index_cast %add3A_814 : i32 to index
        %swap3A_827 = arith.constant 0 : index
        %swap3A_828 = tpu.vector_load %arg9[%swap3A_825, %swap3A_826, %swap3A_827] {strides = array<i32>} : memref<4x50x128xf32, #tpu.memory_space<vmem>>, vector<1x1x16xf32>,
        %swap3A_829 = vector.shape_cast %swap3A_828 : vector<1x1x16xf32> to vector<16xf32>
        %swap3A_830 = vector.shape_cast %mul3A_823 : vector<16xf32> to vector<1x1x16xf32>
        tpu.vector_store %arg9[%swap3A_825, %swap3A_826, %swap3A_827], %swap3A_830 {strides = array<i32>} : memref<4x50x128xf32, #tpu.memory_space<vmem>>, vector<1x1x16xf32>,
        %get3A_831 = arith.constant 0 : i32
        %get3A_832 = arith.index_cast %get3A_831 : i32 to index
        %get3A_833 = arith.index_cast %add3A_814 : i32 to index
        %get3A_834 = arith.constant 16 : index
        %get3A_835 = tpu.vector_load %arg7[%get3A_832, %get3A_833, %get3A_834] {strides = array<i32>} : memref<4x50x128xf32, #tpu.memory_space<vmem>>, vector<1x1x16xf32>,
        %get3A_836 = vector.shape_cast %get3A_835 : vector<1x1x16xf32> to vector<16xf32>
        %mul3A_837 = arith.constant 11.3137083 : f32
        %mul3A_838 = vector.broadcast %mul3A_837 : f32 to vector<16xf32>
        %mul3A_839 = arith.mulf %get3A_836, %mul3A_838 : vector<16xf32>
        %swap3A_840 = arith.constant 0 : i32
        %swap3A_841 = arith.index_cast %swap3A_840 : i32 to index
        %swap3A_842 = arith.index_cast %add3A_814 : i32 to index
        %swap3A_843 = arith.constant 16 : index
        %swap3A_844 = tpu.vector_load %arg9[%swap3A_841, %swap3A_842, %swap3A_843] {strides = array<i32>} : memref<4x50x128xf32, #tpu.memory_space<vmem>>, vector<1x1x16xf32>,
        %swap3A_845 = vector.shape_cast %swap3A_844 : vector<1x1x16xf32> to vector<16xf32>
        %swap3A_846 = vector.shape_cast %mul3A_839 : vector<16xf32> to vector<1x1x16xf32>
        tpu.vector_store %arg9[%swap3A_841, %swap3A_842, %swap3A_843], %swap3A_846 {strides = array<i32>} : memref<4x50x128xf32, #tpu.memory_space<vmem>>, vector<1x1x16xf32>,
        %get3A_847 = arith.constant 0 : i32
        %get3A_848 = arith.index_cast %get3A_847 : i32 to index
        %get3A_849 = arith.index_cast %add3A_814 : i32 to index
        %get3A_850 = arith.constant 32 : index
        %get3A_851 = tpu.vector_load %arg7[%get3A_848, %get3A_849, %get3A_850] {strides = array<i32>} : memref<4x50x128xf32, #tpu.memory_space<vmem>>, vector<1x1x16xf32>,
        %get3A_852 = vector.shape_cast %get3A_851 : vector<1x1x16xf32> to vector<16xf32>
        %mul3A_853 = arith.constant 11.3137083 : f32
        %mul3A_854 = vector.broadcast %mul3A_853 : f32 to vector<16xf32>
        %mul3A_855 = arith.mulf %get3A_852, %mul3A_854 : vector<16xf32>
        %swap3A_856 = arith.constant 0 : i32
        %swap3A_857 = arith.index_cast %swap3A_856 : i32 to index
        %swap3A_858 = arith.index_cast %add3A_814 : i32 to index
        %swap3A_859 = arith.constant 32 : index
        %swap3A_860 = tpu.vector_load %arg9[%swap3A_857, %swap3A_858, %swap3A_859] {strides = array<i32>} : memref<4x50x128xf32, #tpu.memory_space<vmem>>, vector<1x1x16xf32>,
        %swap3A_861 = vector.shape_cast %swap3A_860 : vector<1x1x16xf32> to vector<16xf32>
        %swap3A_862 = vector.shape_cast %mul3A_855 : vector<16xf32> to vector<1x1x16xf32>
        tpu.vector_store %arg9[%swap3A_857, %swap3A_858, %swap3A_859], %swap3A_862 {strides = array<i32>} : memref<4x50x128xf32, #tpu.memory_space<vmem>>, vector<1x1x16xf32>,
        %get3A_863 = arith.constant 0 : i32
        %get3A_864 = arith.index_cast %get3A_863 : i32 to index
        %get3A_865 = arith.index_cast %add3A_814 : i32 to index
        %get3A_866 = arith.constant 48 : index
        %get3A_867 = tpu.vector_load %arg7[%get3A_864, %get3A_865, %get3A_866] {strides = array<i32>} : memref<4x50x128xf32, #tpu.memory_space<vmem>>, vector<1x1x16xf32>,
        %get3A_868 = vector.shape_cast %get3A_867 : vector<1x1x16xf32> to vector<16xf32>
        %mul3A_869 = arith.constant 11.3137083 : f32
        %mul3A_870 = vector.broadcast %mul3A_869 : f32 to vector<16xf32>
        %mul3A_871 = arith.mulf %get3A_868, %mul3A_870 : vector<16xf32>
        %swap3A_872 = arith.constant 0 : i32
        %swap3A_873 = arith.index_cast %swap3A_872 : i32 to index
        %swap3A_874 = arith.index_cast %add3A_814 : i32 to index
        %swap3A_875 = arith.constant 48 : index
        %swap3A_876 = tpu.vector_load %arg9[%swap3A_873, %swap3A_874, %swap3A_875] {strides = array<i32>} : memref<4x50x128xf32, #tpu.memory_space<vmem>>, vector<1x1x16xf32>,
        %swap3A_877 = vector.shape_cast %swap3A_876 : vector<1x1x16xf32> to vector<16xf32>
        %swap3A_878 = vector.shape_cast %mul3A_871 : vector<16xf32> to vector<1x1x16xf32>
        tpu.vector_store %arg9[%swap3A_873, %swap3A_874, %swap3A_875], %swap3A_878 {strides = array<i32>} : memref<4x50x128xf32, #tpu.memory_space<vmem>>, vector<1x1x16xf32>,
        %get3A_879 = arith.constant 0 : i32
        %get3A_880 = arith.index_cast %get3A_879 : i32 to index
        %get3A_881 = arith.index_cast %add3A_814 : i32 to index
        %get3A_882 = arith.constant 64 : index
        %get3A_883 = tpu.vector_load %arg7[%get3A_880, %get3A_881, %get3A_882] {strides = array<i32>} : memref<4x50x128xf32, #tpu.memory_space<vmem>>, vector<1x1x16xf32>,
        %get3A_884 = vector.shape_cast %get3A_883 : vector<1x1x16xf32> to vector<16xf32>
        %mul3A_885 = arith.constant 11.3137083 : f32
        %mul3A_886 = vector.broadcast %mul3A_885 : f32 to vector<16xf32>
        %mul3A_887 = arith.mulf %get3A_884, %mul3A_886 : vector<16xf32>
        %swap3A_888 = arith.constant 0 : i32
        %swap3A_889 = arith.index_cast %swap3A_888 : i32 to index
        %swap3A_890 = arith.index_cast %add3A_814 : i32 to index
        %swap3A_891 = arith.constant 64 : index
        %swap3A_892 = tpu.vector_load %arg9[%swap3A_889, %swap3A_890, %swap3A_891] {strides = array<i32>} : memref<4x50x128xf32, #tpu.memory_space<vmem>>, vector<1x1x16xf32>,
        %swap3A_893 = vector.shape_cast %swap3A_892 : vector<1x1x16xf32> to vector<16xf32>
        %swap3A_894 = vector.shape_cast %mul3A_887 : vector<16xf32> to vector<1x1x16xf32>
        tpu.vector_store %arg9[%swap3A_889, %swap3A_890, %swap3A_891], %swap3A_894 {strides = array<i32>} : memref<4x50x128xf32, #tpu.memory_space<vmem>>, vector<1x1x16xf32>,
        %get3A_895 = arith.constant 0 : i32
        %get3A_896 = arith.index_cast %get3A_895 : i32 to index
        %get3A_897 = arith.index_cast %add3A_814 : i32 to index
        %get3A_898 = arith.constant 80 : index
        %get3A_899 = tpu.vector_load %arg7[%get3A_896, %get3A_897, %get3A_898] {strides = array<i32>} : memref<4x50x128xf32, #tpu.memory_space<vmem>>, vector<1x1x16xf32>,
        %get3A_900 = vector.shape_cast %get3A_899 : vector<1x1x16xf32> to vector<16xf32>
        %mul3A_901 = arith.constant 11.3137083 : f32
        %mul3A_902 = vector.broadcast %mul3A_901 : f32 to vector<16xf32>
        %mul3A_903 = arith.mulf %get3A_900, %mul3A_902 : vector<16xf32>
        %swap3A_904 = arith.constant 0 : i32
        %swap3A_905 = arith.index_cast %swap3A_904 : i32 to index
        %swap3A_906 = arith.index_cast %add3A_814 : i32 to index
        %swap3A_907 = arith.constant 80 : index
        %swap3A_908 = tpu.vector_load %arg9[%swap3A_905, %swap3A_906, %swap3A_907] {strides = array<i32>} : memref<4x50x128xf32, #tpu.memory_space<vmem>>, vector<1x1x16xf32>,
        %swap3A_909 = vector.shape_cast %swap3A_908 : vector<1x1x16xf32> to vector<16xf32>
        %swap3A_910 = vector.shape_cast %mul3A_903 : vector<16xf32> to vector<1x1x16xf32>
        tpu.vector_store %arg9[%swap3A_905, %swap3A_906, %swap3A_907], %swap3A_910 {strides = array<i32>} : memref<4x50x128xf32, #tpu.memory_space<vmem>>, vector<1x1x16xf32>,
        %get3A_911 = arith.constant 0 : i32
        %get3A_912 = arith.index_cast %get3A_911 : i32 to index
        %get3A_913 = arith.index_cast %add3A_814 : i32 to index
        %get3A_914 = arith.constant 96 : index
        %get3A_915 = tpu.vector_load %arg7[%get3A_912, %get3A_913, %get3A_914] {strides = array<i32>} : memref<4x50x128xf32, #tpu.memory_space<vmem>>, vector<1x1x16xf32>,
        %get3A_916 = vector.shape_cast %get3A_915 : vector<1x1x16xf32> to vector<16xf32>
        %mul3A_917 = arith.constant 11.3137083 : f32
        %mul3A_918 = vector.broadcast %mul3A_917 : f32 to vector<16xf32>
        %mul3A_919 = arith.mulf %get3A_916, %mul3A_918 : vector<16xf32>
        %swap3A_920 = arith.constant 0 : i32
        %swap3A_921 = arith.index_cast %swap3A_920 : i32 to index
        %swap3A_922 = arith.index_cast %add3A_814 : i32 to index
        %swap3A_923 = arith.constant 96 : index
        %swap3A_924 = tpu.vector_load %arg9[%swap3A_921, %swap3A_922, %swap3A_923] {strides = array<i32>} : memref<4x50x128xf32, #tpu.memory_space<vmem>>, vector<1x1x16xf32>,
        %swap3A_925 = vector.shape_cast %swap3A_924 : vector<1x1x16xf32> to vector<16xf32>
        %swap3A_926 = vector.shape_cast %mul3A_919 : vector<16xf32> to vector<1x1x16xf32>
        tpu.vector_store %arg9[%swap3A_921, %swap3A_922, %swap3A_923], %swap3A_926 {strides = array<i32>} : memref<4x50x128xf32, #tpu.memory_space<vmem>>, vector<1x1x16xf32>,
        %get3A_927 = arith.constant 0 : i32
        %get3A_928 = arith.index_cast %get3A_927 : i32 to index
        %get3A_929 = arith.index_cast %add3A_814 : i32 to index
        %get3A_930 = arith.constant 112 : index
        %get3A_931 = tpu.vector_load %arg7[%get3A_928, %get3A_929, %get3A_930] {strides = array<i32>} : memref<4x50x128xf32, #tpu.memory_space<vmem>>, vector<1x1x16xf32>,
        %get3A_932 = vector.shape_cast %get3A_931 : vector<1x1x16xf32> to vector<16xf32>
        %mul3A_933 = arith.constant 11.3137083 : f32
        %mul3A_934 = vector.broadcast %mul3A_933 : f32 to vector<16xf32>
        %mul3A_935 = arith.mulf %get3A_932, %mul3A_934 : vector<16xf32>
        %swap3A_936 = arith.constant 0 : i32
        %swap3A_937 = arith.index_cast %swap3A_936 : i32 to index
        %swap3A_938 = arith.index_cast %add3A_814 : i32 to index
        %swap3A_939 = arith.constant 112 : index
        %swap3A_940 = tpu.vector_load %arg9[%swap3A_937, %swap3A_938, %swap3A_939] {strides = array<i32>} : memref<4x50x128xf32, #tpu.memory_space<vmem>>, vector<1x1x16xf32>,
        %swap3A_941 = vector.shape_cast %swap3A_940 : vector<1x1x16xf32> to vector<16xf32>
        %swap3A_942 = vector.shape_cast %mul3A_935 : vector<16xf32> to vector<1x1x16xf32>
        tpu.vector_store %arg9[%swap3A_937, %swap3A_938, %swap3A_939], %swap3A_942 {strides = array<i32>} : memref<4x50x128xf32, #tpu.memory_space<vmem>>, vector<1x1x16xf32>,
        %get3A_943 = arith.constant 1 : i32
        %get3A_944 = arith.index_cast %get3A_943 : i32 to index
        %get3A_945 = arith.index_cast %add3A_814 : i32 to index
        %get3A_946 = arith.constant 0 : index
        %get3A_947 = tpu.vector_load %arg7[%get3A_944, %get3A_945, %get3A_946] {strides = array<i32>} : memref<4x50x128xf32, #tpu.memory_space<vmem>>, vector<1x1x16xf32>,
        %get3A_948 = vector.shape_cast %get3A_947 : vector<1x1x16xf32> to vector<16xf32>
        %mul3A_949 = arith.constant 11.3137083 : f32
        %mul3A_950 = vector.broadcast %mul3A_949 : f32 to vector<16xf32>
        %mul3A_951 = arith.mulf %get3A_948, %mul3A_950 : vector<16xf32>
        %swap3A_952 = arith.constant 1 : i32
        %swap3A_953 = arith.index_cast %swap3A_952 : i32 to index
        %swap3A_954 = arith.index_cast %add3A_814 : i32 to index
        %swap3A_955 = arith.constant 0 : index
        %swap3A_956 = tpu.vector_load %arg9[%swap3A_953, %swap3A_954, %swap3A_955] {strides = array<i32>} : memref<4x50x128xf32, #tpu.memory_space<vmem>>, vector<1x1x16xf32>,
        %swap3A_957 = vector.shape_cast %swap3A_956 : vector<1x1x16xf32> to vector<16xf32>
        %swap3A_958 = vector.shape_cast %mul3A_951 : vector<16xf32> to vector<1x1x16xf32>
        tpu.vector_store %arg9[%swap3A_953, %swap3A_954, %swap3A_955], %swap3A_958 {strides = array<i32>} : memref<4x50x128xf32, #tpu.memory_space<vmem>>, vector<1x1x16xf32>,
        %get3A_959 = arith.constant 1 : i32
        %get3A_960 = arith.index_cast %get3A_959 : i32 to index
        %get3A_961 = arith.index_cast %add3A_814 : i32 to index
        %get3A_962 = arith.constant 16 : index
        %get3A_963 = tpu.vector_load %arg7[%get3A_960, %get3A_961, %get3A_962] {strides = array<i32>} : memref<4x50x128xf32, #tpu.memory_space<vmem>>, vector<1x1x16xf32>,
        %get3A_964 = vector.shape_cast %get3A_963 : vector<1x1x16xf32> to vector<16xf32>
        %mul3A_965 = arith.constant 11.3137083 : f32
        %mul3A_966 = vector.broadcast %mul3A_965 : f32 to vector<16xf32>
        %mul3A_967 = arith.mulf %get3A_964, %mul3A_966 : vector<16xf32>
        %swap3A_968 = arith.constant 1 : i32
        %swap3A_969 = arith.index_cast %swap3A_968 : i32 to index
        %swap3A_970 = arith.index_cast %add3A_814 : i32 to index
        %swap3A_971 = arith.constant 16 : index
        %swap3A_972 = tpu.vector_load %arg9[%swap3A_969, %swap3A_970, %swap3A_971] {strides = array<i32>} : memref<4x50x128xf32, #tpu.memory_space<vmem>>, vector<1x1x16xf32>,
        %swap3A_973 = vector.shape_cast %swap3A_972 : vector<1x1x16xf32> to vector<16xf32>
        %swap3A_974 = vector.shape_cast %mul3A_967 : vector<16xf32> to vector<1x1x16xf32>
        tpu.vector_store %arg9[%swap3A_969, %swap3A_970, %swap3A_971], %swap3A_974 {strides = array<i32>} : memref<4x50x128xf32, #tpu.memory_space<vmem>>, vector<1x1x16xf32>,
        %get3A_975 = arith.constant 1 : i32
        %get3A_976 = arith.index_cast %get3A_975 : i32 to index
        %get3A_977 = arith.index_cast %add3A_814 : i32 to index
        %get3A_978 = arith.constant 32 : index
        %get3A_979 = tpu.vector_load %arg7[%get3A_976, %get3A_977, %get3A_978] {strides = array<i32>} : memref<4x50x128xf32, #tpu.memory_space<vmem>>, vector<1x1x16xf32>,
        %get3A_980 = vector.shape_cast %get3A_979 : vector<1x1x16xf32> to vector<16xf32>
        %mul3A_981 = arith.constant 11.3137083 : f32
        %mul3A_982 = vector.broadcast %mul3A_981 : f32 to vector<16xf32>
        %mul3A_983 = arith.mulf %get3A_980, %mul3A_982 : vector<16xf32>
        %swap3A_984 = arith.constant 1 : i32
        %swap3A_985 = arith.index_cast %swap3A_984 : i32 to index
        %swap3A_986 = arith.index_cast %add3A_814 : i32 to index
        %swap3A_987 = arith.constant 32 : index
        %swap3A_988 = tpu.vector_load %arg9[%swap3A_985, %swap3A_986, %swap3A_987] {strides = array<i32>} : memref<4x50x128xf32, #tpu.memory_space<vmem>>, vector<1x1x16xf32>,
        %swap3A_989 = vector.shape_cast %swap3A_988 : vector<1x1x16xf32> to vector<16xf32>
        %swap3A_990 = vector.shape_cast %mul3A_983 : vector<16xf32> to vector<1x1x16xf32>
        tpu.vector_store %arg9[%swap3A_985, %swap3A_986, %swap3A_987], %swap3A_990 {strides = array<i32>} : memref<4x50x128xf32, #tpu.memory_space<vmem>>, vector<1x1x16xf32>,
        %get3A_991 = arith.constant 1 : i32
        %get3A_992 = arith.index_cast %get3A_991 : i32 to index
        %get3A_993 = arith.index_cast %add3A_814 : i32 to index
        %get3A_994 = arith.constant 48 : index
        %get3A_995 = tpu.vector_load %arg7[%get3A_992, %get3A_993, %get3A_994] {strides = array<i32>} : memref<4x50x128xf32, #tpu.memory_space<vmem>>, vector<1x1x16xf32>,
        %get3A_996 = vector.shape_cast %get3A_995 : vector<1x1x16xf32> to vector<16xf32>
        %mul3A_997 = arith.constant 11.3137083 : f32
        %mul3A_998 = vector.broadcast %mul3A_997 : f32 to vector<16xf32>
        %mul3A_999 = arith.mulf %get3A_996, %mul3A_998 : vector<16xf32>
        %swap3A_1000 = arith.constant 1 : i32
        %swap3A_1001 = arith.index_cast %swap3A_1000 : i32 to index
        %swap3A_1002 = arith.index_cast %add3A_814 : i32 to index
        %swap3A_1003 = arith.constant 48 : index
        %swap3A_1004 = tpu.vector_load %arg9[%swap3A_1001, %swap3A_1002, %swap3A_1003] {strides = array<i32>} : memref<4x50x128xf32, #tpu.memory_space<vmem>>, vector<1x1x16xf32>,
        %swap3A_1005 = vector.shape_cast %swap3A_1004 : vector<1x1x16xf32> to vector<16xf32>
        %swap3A_1006 = vector.shape_cast %mul3A_999 : vector<16xf32> to vector<1x1x16xf32>
        tpu.vector_store %arg9[%swap3A_1001, %swap3A_1002, %swap3A_1003], %swap3A_1006 {strides = array<i32>} : memref<4x50x128xf32, #tpu.memory_space<vmem>>, vector<1x1x16xf32>,
        %get3A_1007 = arith.constant 1 : i32
        %get3A_1008 = arith.index_cast %get3A_1007 : i32 to index
        %get3A_1009 = arith.index_cast %add3A_814 : i32 to index
        %get3A_1010 = arith.constant 64 : index
        %get3A_1011 = tpu.vector_load %arg7[%get3A_1008, %get3A_1009, %get3A_1010] {strides = array<i32>} : memref<4x50x128xf32, #tpu.memory_space<vmem>>, vector<1x1x16xf32>,
        %get3A_1012 = vector.shape_cast %get3A_1011 : vector<1x1x16xf32> to vector<16xf32>
        %mul3A_1013 = arith.constant 11.3137083 : f32
        %mul3A_1014 = vector.broadcast %mul3A_1013 : f32 to vector<16xf32>
        %mul3A_1015 = arith.mulf %get3A_1012, %mul3A_1014 : vector<16xf32>
        %swap3A_1016 = arith.constant 1 : i32
        %swap3A_1017 = arith.index_cast %swap3A_1016 : i32 to index
        %swap3A_1018 = arith.index_cast %add3A_814 : i32 to index
        %swap3A_1019 = arith.constant 64 : index
        %swap3A_1020 = tpu.vector_load %arg9[%swap3A_1017, %swap3A_1018, %swap3A_1019] {strides = array<i32>} : memref<4x50x128xf32, #tpu.memory_space<vmem>>, vector<1x1x16xf32>,
        %swap3A_1021 = vector.shape_cast %swap3A_1020 : vector<1x1x16xf32> to vector<16xf32>
        %swap3A_1022 = vector.shape_cast %mul3A_1015 : vector<16xf32> to vector<1x1x16xf32>
        tpu.vector_store %arg9[%swap3A_1017, %swap3A_1018, %swap3A_1019], %swap3A_1022 {strides = array<i32>} : memref<4x50x128xf32, #tpu.memory_space<vmem>>, vector<1x1x16xf32>,
        %get3A_1023 = arith.constant 1 : i32
        %get3A_1024 = arith.index_cast %get3A_1023 : i32 to index
        %get3A_1025 = arith.index_cast %add3A_814 : i32 to index
        %get3A_1026 = arith.constant 80 : index
        %get3A_1027 = tpu.vector_load %arg7[%get3A_1024, %get3A_1025, %get3A_1026] {strides = array<i32>} : memref<4x50x128xf32, #tpu.memory_space<vmem>>, vector<1x1x16xf32>,
        %get3A_1028 = vector.shape_cast %get3A_1027 : vector<1x1x16xf32> to vector<16xf32>
        %mul3A_1029 = arith.constant 11.3137083 : f32
        %mul3A_1030 = vector.broadcast %mul3A_1029 : f32 to vector<16xf32>
        %mul3A_1031 = arith.mulf %get3A_1028, %mul3A_1030 : vector<16xf32>
        %swap3A_1032 = arith.constant 1 : i32
        %swap3A_1033 = arith.index_cast %swap3A_1032 : i32 to index
        %swap3A_1034 = arith.index_cast %add3A_814 : i32 to index
        %swap3A_1035 = arith.constant 80 : index
        %swap3A_1036 = tpu.vector_load %arg9[%swap3A_1033, %swap3A_1034, %swap3A_1035] {strides = array<i32>} : memref<4x50x128xf32, #tpu.memory_space<vmem>>, vector<1x1x16xf32>,
        %swap3A_1037 = vector.shape_cast %swap3A_1036 : vector<1x1x16xf32> to vector<16xf32>
        %swap3A_1038 = vector.shape_cast %mul3A_1031 : vector<16xf32> to vector<1x1x16xf32>
        tpu.vector_store %arg9[%swap3A_1033, %swap3A_1034, %swap3A_1035], %swap3A_1038 {strides = array<i32>} : memref<4x50x128xf32, #tpu.memory_space<vmem>>, vector<1x1x16xf32>,
        %get3A_1039 = arith.constant 1 : i32
        %get3A_1040 = arith.index_cast %get3A_1039 : i32 to index
        %get3A_1041 = arith.index_cast %add3A_814 : i32 to index
        %get3A_1042 = arith.constant 96 : index
        %get3A_1043 = tpu.vector_load %arg7[%get3A_1040, %get3A_1041, %get3A_1042] {strides = array<i32>} : memref<4x50x128xf32, #tpu.memory_space<vmem>>, vector<1x1x16xf32>,
        %get3A_1044 = vector.shape_cast %get3A_1043 : vector<1x1x16xf32> to vector<16xf32>
        %mul3A_1045 = arith.constant 11.3137083 : f32
        %mul3A_1046 = vector.broadcast %mul3A_1045 : f32 to vector<16xf32>
        %mul3A_1047 = arith.mulf %get3A_1044, %mul3A_1046 : vector<16xf32>
        %swap3A_1048 = arith.constant 1 : i32
        %swap3A_1049 = arith.index_cast %swap3A_1048 : i32 to index
        %swap3A_1050 = arith.index_cast %add3A_814 : i32 to index
        %swap3A_1051 = arith.constant 96 : index
        %swap3A_1052 = tpu.vector_load %arg9[%swap3A_1049, %swap3A_1050, %swap3A_1051] {strides = array<i32>} : memref<4x50x128xf32, #tpu.memory_space<vmem>>, vector<1x1x16xf32>,
        %swap3A_1053 = vector.shape_cast %swap3A_1052 : vector<1x1x16xf32> to vector<16xf32>
        %swap3A_1054 = vector.shape_cast %mul3A_1047 : vector<16xf32> to vector<1x1x16xf32>
        tpu.vector_store %arg9[%swap3A_1049, %swap3A_1050, %swap3A_1051], %swap3A_1054 {strides = array<i32>} : memref<4x50x128xf32, #tpu.memory_space<vmem>>, vector<1x1x16xf32>,
        %get3A_1055 = arith.constant 1 : i32
        %get3A_1056 = arith.index_cast %get3A_1055 : i32 to index
        %get3A_1057 = arith.index_cast %add3A_814 : i32 to index
        %get3A_1058 = arith.constant 112 : index
        %get3A_1059 = tpu.vector_load %arg7[%get3A_1056, %get3A_1057, %get3A_1058] {strides = array<i32>} : memref<4x50x128xf32, #tpu.memory_space<vmem>>, vector<1x1x16xf32>,
        %get3A_1060 = vector.shape_cast %get3A_1059 : vector<1x1x16xf32> to vector<16xf32>
        %mul3A_1061 = arith.constant 11.3137083 : f32
        %mul3A_1062 = vector.broadcast %mul3A_1061 : f32 to vector<16xf32>
        %mul3A_1063 = arith.mulf %get3A_1060, %mul3A_1062 : vector<16xf32>
        %swap3A_1064 = arith.constant 1 : i32
        %swap3A_1065 = arith.index_cast %swap3A_1064 : i32 to index
        %swap3A_1066 = arith.index_cast %add3A_814 : i32 to index
        %swap3A_1067 = arith.constant 112 : index
        %swap3A_1068 = tpu.vector_load %arg9[%swap3A_1065, %swap3A_1066, %swap3A_1067] {strides = array<i32>} : memref<4x50x128xf32, #tpu.memory_space<vmem>>, vector<1x1x16xf32>,
        %swap3A_1069 = vector.shape_cast %swap3A_1068 : vector<1x1x16xf32> to vector<16xf32>
        %swap3A_1070 = vector.shape_cast %mul3A_1063 : vector<16xf32> to vector<1x1x16xf32>
        tpu.vector_store %arg9[%swap3A_1065, %swap3A_1066, %swap3A_1067], %swap3A_1070 {strides = array<i32>} : memref<4x50x128xf32, #tpu.memory_space<vmem>>, vector<1x1x16xf32>,
        %get3A_1071 = arith.constant 2 : i32
        %get3A_1072 = arith.index_cast %get3A_1071 : i32 to index
        %get3A_1073 = arith.index_cast %add3A_814 : i32 to index
        %get3A_1074 = arith.constant 0 : index
        %get3A_1075 = tpu.vector_load %arg7[%get3A_1072, %get3A_1073, %get3A_1074] {strides = array<i32>} : memref<4x50x128xf32, #tpu.memory_space<vmem>>, vector<1x1x16xf32>,
        %get3A_1076 = vector.shape_cast %get3A_1075 : vector<1x1x16xf32> to vector<16xf32>
        %mul3A_1077 = arith.constant 11.3137083 : f32
        %mul3A_1078 = vector.broadcast %mul3A_1077 : f32 to vector<16xf32>
        %mul3A_1079 = arith.mulf %get3A_1076, %mul3A_1078 : vector<16xf32>
        %swap3A_1080 = arith.constant 2 : i32
        %swap3A_1081 = arith.index_cast %swap3A_1080 : i32 to index
        %swap3A_1082 = arith.index_cast %add3A_814 : i32 to index
        %swap3A_1083 = arith.constant 0 : index
        %swap3A_1084 = tpu.vector_load %arg9[%swap3A_1081, %swap3A_1082, %swap3A_1083] {strides = array<i32>} : memref<4x50x128xf32, #tpu.memory_space<vmem>>, vector<1x1x16xf32>,
        %swap3A_1085 = vector.shape_cast %swap3A_1084 : vector<1x1x16xf32> to vector<16xf32>
        %swap3A_1086 = vector.shape_cast %mul3A_1079 : vector<16xf32> to vector<1x1x16xf32>
        tpu.vector_store %arg9[%swap3A_1081, %swap3A_1082, %swap3A_1083], %swap3A_1086 {strides = array<i32>} : memref<4x50x128xf32, #tpu.memory_space<vmem>>, vector<1x1x16xf32>,
        %get3A_1087 = arith.constant 2 : i32
        %get3A_1088 = arith.index_cast %get3A_1087 : i32 to index
        %get3A_1089 = arith.index_cast %add3A_814 : i32 to index
        %get3A_1090 = arith.constant 16 : index
        %get3A_1091 = tpu.vector_load %arg7[%get3A_1088, %get3A_1089, %get3A_1090] {strides = array<i32>} : memref<4x50x128xf32, #tpu.memory_space<vmem>>, vector<1x1x16xf32>,
        %get3A_1092 = vector.shape_cast %get3A_1091 : vector<1x1x16xf32> to vector<16xf32>
        %mul3A_1093 = arith.constant 11.3137083 : f32
        %mul3A_1094 = vector.broadcast %mul3A_1093 : f32 to vector<16xf32>
        %mul3A_1095 = arith.mulf %get3A_1092, %mul3A_1094 : vector<16xf32>
        %swap3A_1096 = arith.constant 2 : i32
        %swap3A_1097 = arith.index_cast %swap3A_1096 : i32 to index
        %swap3A_1098 = arith.index_cast %add3A_814 : i32 to index
        %swap3A_1099 = arith.constant 16 : index
        %swap3A_1100 = tpu.vector_load %arg9[%swap3A_1097, %swap3A_1098, %swap3A_1099] {strides = array<i32>} : memref<4x50x128xf32, #tpu.memory_space<vmem>>, vector<1x1x16xf32>,
        %swap3A_1101 = vector.shape_cast %swap3A_1100 : vector<1x1x16xf32> to vector<16xf32>
        %swap3A_1102 = vector.shape_cast %mul3A_1095 : vector<16xf32> to vector<1x1x16xf32>
        tpu.vector_store %arg9[%swap3A_1097, %swap3A_1098, %swap3A_1099], %swap3A_1102 {strides = array<i32>} : memref<4x50x128xf32, #tpu.memory_space<vmem>>, vector<1x1x16xf32>,
        %get3A_1103 = arith.constant 2 : i32
        %get3A_1104 = arith.index_cast %get3A_1103 : i32 to index
        %get3A_1105 = arith.index_cast %add3A_814 : i32 to index
        %get3A_1106 = arith.constant 32 : index
        %get3A_1107 = tpu.vector_load %arg7[%get3A_1104, %get3A_1105, %get3A_1106] {strides = array<i32>} : memref<4x50x128xf32, #tpu.memory_space<vmem>>, vector<1x1x16xf32>,
        %get3A_1108 = vector.shape_cast %get3A_1107 : vector<1x1x16xf32> to vector<16xf32>
        %mul3A_1109 = arith.constant 11.3137083 : f32
        %mul3A_1110 = vector.broadcast %mul3A_1109 : f32 to vector<16xf32>
        %mul3A_1111 = arith.mulf %get3A_1108, %mul3A_1110 : vector<16xf32>
        %swap3A_1112 = arith.constant 2 : i32
        %swap3A_1113 = arith.index_cast %swap3A_1112 : i32 to index
        %swap3A_1114 = arith.index_cast %add3A_814 : i32 to index
        %swap3A_1115 = arith.constant 32 : index
        %swap3A_1116 = tpu.vector_load %arg9[%swap3A_1113, %swap3A_1114, %swap3A_1115] {strides = array<i32>} : memref<4x50x128xf32, #tpu.memory_space<vmem>>, vector<1x1x16xf32>,
        %swap3A_1117 = vector.shape_cast %swap3A_1116 : vector<1x1x16xf32> to vector<16xf32>
        %swap3A_1118 = vector.shape_cast %mul3A_1111 : vector<16xf32> to vector<1x1x16xf32>
        tpu.vector_store %arg9[%swap3A_1113, %swap3A_1114, %swap3A_1115], %swap3A_1118 {strides = array<i32>} : memref<4x50x128xf32, #tpu.memory_space<vmem>>, vector<1x1x16xf32>,
        %get3A_1119 = arith.constant 2 : i32
        %get3A_1120 = arith.index_cast %get3A_1119 : i32 to index
        %get3A_1121 = arith.index_cast %add3A_814 : i32 to index
        %get3A_1122 = arith.constant 48 : index
        %get3A_1123 = tpu.vector_load %arg7[%get3A_1120, %get3A_1121, %get3A_1122] {strides = array<i32>} : memref<4x50x128xf32, #tpu.memory_space<vmem>>, vector<1x1x16xf32>,
        %get3A_1124 = vector.shape_cast %get3A_1123 : vector<1x1x16xf32> to vector<16xf32>
        %mul3A_1125 = arith.constant 11.3137083 : f32
        %mul3A_1126 = vector.broadcast %mul3A_1125 : f32 to vector<16xf32>
        %mul3A_1127 = arith.mulf %get3A_1124, %mul3A_1126 : vector<16xf32>
        %swap3A_1128 = arith.constant 2 : i32
        %swap3A_1129 = arith.index_cast %swap3A_1128 : i32 to index
        %swap3A_1130 = arith.index_cast %add3A_814 : i32 to index
        %swap3A_1131 = arith.constant 48 : index
        %swap3A_1132 = tpu.vector_load %arg9[%swap3A_1129, %swap3A_1130, %swap3A_1131] {strides = array<i32>} : memref<4x50x128xf32, #tpu.memory_space<vmem>>, vector<1x1x16xf32>,
        %swap3A_1133 = vector.shape_cast %swap3A_1132 : vector<1x1x16xf32> to vector<16xf32>
        %swap3A_1134 = vector.shape_cast %mul3A_1127 : vector<16xf32> to vector<1x1x16xf32>
        tpu.vector_store %arg9[%swap3A_1129, %swap3A_1130, %swap3A_1131], %swap3A_1134 {strides = array<i32>} : memref<4x50x128xf32, #tpu.memory_space<vmem>>, vector<1x1x16xf32>,
        %get3A_1135 = arith.constant 2 : i32
        %get3A_1136 = arith.index_cast %get3A_1135 : i32 to index
        %get3A_1137 = arith.index_cast %add3A_814 : i32 to index
        %get3A_1138 = arith.constant 64 : index
        %get3A_1139 = tpu.vector_load %arg7[%get3A_1136, %get3A_1137, %get3A_1138] {strides = array<i32>} : memref<4x50x128xf32, #tpu.memory_space<vmem>>, vector<1x1x16xf32>,
        %get3A_1140 = vector.shape_cast %get3A_1139 : vector<1x1x16xf32> to vector<16xf32>
        %mul3A_1141 = arith.constant 11.3137083 : f32
        %mul3A_1142 = vector.broadcast %mul3A_1141 : f32 to vector<16xf32>
        %mul3A_1143 = arith.mulf %get3A_1140, %mul3A_1142 : vector<16xf32>
        %swap3A_1144 = arith.constant 2 : i32
        %swap3A_1145 = arith.index_cast %swap3A_1144 : i32 to index
        %swap3A_1146 = arith.index_cast %add3A_814 : i32 to index
        %swap3A_1147 = arith.constant 64 : index
        %swap3A_1148 = tpu.vector_load %arg9[%swap3A_1145, %swap3A_1146, %swap3A_1147] {strides = array<i32>} : memref<4x50x128xf32, #tpu.memory_space<vmem>>, vector<1x1x16xf32>,
        %swap3A_1149 = vector.shape_cast %swap3A_1148 : vector<1x1x16xf32> to vector<16xf32>
        %swap3A_1150 = vector.shape_cast %mul3A_1143 : vector<16xf32> to vector<1x1x16xf32>
        tpu.vector_store %arg9[%swap3A_1145, %swap3A_1146, %swap3A_1147], %swap3A_1150 {strides = array<i32>} : memref<4x50x128xf32, #tpu.memory_space<vmem>>, vector<1x1x16xf32>,
        %get3A_1151 = arith.constant 2 : i32
        %get3A_1152 = arith.index_cast %get3A_1151 : i32 to index
        %get3A_1153 = arith.index_cast %add3A_814 : i32 to index
        %get3A_1154 = arith.constant 80 : index
        %get3A_1155 = tpu.vector_load %arg7[%get3A_1152, %get3A_1153, %get3A_1154] {strides = array<i32>} : memref<4x50x128xf32, #tpu.memory_space<vmem>>, vector<1x1x16xf32>,
        %get3A_1156 = vector.shape_cast %get3A_1155 : vector<1x1x16xf32> to vector<16xf32>
        %mul3A_1157 = arith.constant 11.3137083 : f32
        %mul3A_1158 = vector.broadcast %mul3A_1157 : f32 to vector<16xf32>
        %mul3A_1159 = arith.mulf %get3A_1156, %mul3A_1158 : vector<16xf32>
        %swap3A_1160 = arith.constant 2 : i32
        %swap3A_1161 = arith.index_cast %swap3A_1160 : i32 to index
        %swap3A_1162 = arith.index_cast %add3A_814 : i32 to index
        %swap3A_1163 = arith.constant 80 : index
        %swap3A_1164 = tpu.vector_load %arg9[%swap3A_1161, %swap3A_1162, %swap3A_1163] {strides = array<i32>} : memref<4x50x128xf32, #tpu.memory_space<vmem>>, vector<1x1x16xf32>,
        %swap3A_1165 = vector.shape_cast %swap3A_1164 : vector<1x1x16xf32> to vector<16xf32>
        %swap3A_1166 = vector.shape_cast %mul3A_1159 : vector<16xf32> to vector<1x1x16xf32>
        tpu.vector_store %arg9[%swap3A_1161, %swap3A_1162, %swap3A_1163], %swap3A_1166 {strides = array<i32>} : memref<4x50x128xf32, #tpu.memory_space<vmem>>, vector<1x1x16xf32>,
        %get3A_1167 = arith.constant 2 : i32
        %get3A_1168 = arith.index_cast %get3A_1167 : i32 to index
        %get3A_1169 = arith.index_cast %add3A_814 : i32 to index
        %get3A_1170 = arith.constant 96 : index
        %get3A_1171 = tpu.vector_load %arg7[%get3A_1168, %get3A_1169, %get3A_1170] {strides = array<i32>} : memref<4x50x128xf32, #tpu.memory_space<vmem>>, vector<1x1x16xf32>,
        %get3A_1172 = vector.shape_cast %get3A_1171 : vector<1x1x16xf32> to vector<16xf32>
        %mul3A_1173 = arith.constant 11.3137083 : f32
        %mul3A_1174 = vector.broadcast %mul3A_1173 : f32 to vector<16xf32>
        %mul3A_1175 = arith.mulf %get3A_1172, %mul3A_1174 : vector<16xf32>
        %swap3A_1176 = arith.constant 2 : i32
        %swap3A_1177 = arith.index_cast %swap3A_1176 : i32 to index
        %swap3A_1178 = arith.index_cast %add3A_814 : i32 to index
        %swap3A_1179 = arith.constant 96 : index
        %swap3A_1180 = tpu.vector_load %arg9[%swap3A_1177, %swap3A_1178, %swap3A_1179] {strides = array<i32>} : memref<4x50x128xf32, #tpu.memory_space<vmem>>, vector<1x1x16xf32>,
        %swap3A_1181 = vector.shape_cast %swap3A_1180 : vector<1x1x16xf32> to vector<16xf32>
        %swap3A_1182 = vector.shape_cast %mul3A_1175 : vector<16xf32> to vector<1x1x16xf32>
        tpu.vector_store %arg9[%swap3A_1177, %swap3A_1178, %swap3A_1179], %swap3A_1182 {strides = array<i32>} : memref<4x50x128xf32, #tpu.memory_space<vmem>>, vector<1x1x16xf32>,
        %get3A_1183 = arith.constant 2 : i32
        %get3A_1184 = arith.index_cast %get3A_1183 : i32 to index
        %get3A_1185 = arith.index_cast %add3A_814 : i32 to index
        %get3A_1186 = arith.constant 112 : index
        %get3A_1187 = tpu.vector_load %arg7[%get3A_1184, %get3A_1185, %get3A_1186] {strides = array<i32>} : memref<4x50x128xf32, #tpu.memory_space<vmem>>, vector<1x1x16xf32>,
        %get3A_1188 = vector.shape_cast %get3A_1187 : vector<1x1x16xf32> to vector<16xf32>
        %mul3A_1189 = arith.constant 11.3137083 : f32
        %mul3A_1190 = vector.broadcast %mul3A_1189 : f32 to vector<16xf32>
        %mul3A_1191 = arith.mulf %get3A_1188, %mul3A_1190 : vector<16xf32>
        %swap3A_1192 = arith.constant 2 : i32
        %swap3A_1193 = arith.index_cast %swap3A_1192 : i32 to index
        %swap3A_1194 = arith.index_cast %add3A_814 : i32 to index
        %swap3A_1195 = arith.constant 112 : index
        %swap3A_1196 = tpu.vector_load %arg9[%swap3A_1193, %swap3A_1194, %swap3A_1195] {strides = array<i32>} : memref<4x50x128xf32, #tpu.memory_space<vmem>>, vector<1x1x16xf32>,
        %swap3A_1197 = vector.shape_cast %swap3A_1196 : vector<1x1x16xf32> to vector<16xf32>
        %swap3A_1198 = vector.shape_cast %mul3A_1191 : vector<16xf32> to vector<1x1x16xf32>
        tpu.vector_store %arg9[%swap3A_1193, %swap3A_1194, %swap3A_1195], %swap3A_1198 {strides = array<i32>} : memref<4x50x128xf32, #tpu.memory_space<vmem>>, vector<1x1x16xf32>,
        %get3A_1199 = arith.constant 3 : i32
        %get3A_1200 = arith.index_cast %get3A_1199 : i32 to index
        %get3A_1201 = arith.index_cast %add3A_814 : i32 to index
        %get3A_1202 = arith.constant 0 : index
        %get3A_1203 = tpu.vector_load %arg7[%get3A_1200, %get3A_1201, %get3A_1202] {strides = array<i32>} : memref<4x50x128xf32, #tpu.memory_space<vmem>>, vector<1x1x16xf32>,
        %get3A_1204 = vector.shape_cast %get3A_1203 : vector<1x1x16xf32> to vector<16xf32>
        %mul3A_1205 = arith.constant 11.3137083 : f32
        %mul3A_1206 = vector.broadcast %mul3A_1205 : f32 to vector<16xf32>
        %mul3A_1207 = arith.mulf %get3A_1204, %mul3A_1206 : vector<16xf32>
        %swap3A_1208 = arith.constant 3 : i32
        %swap3A_1209 = arith.index_cast %swap3A_1208 : i32 to index
        %swap3A_1210 = arith.index_cast %add3A_814 : i32 to index
        %swap3A_1211 = arith.constant 0 : index
        %swap3A_1212 = tpu.vector_load %arg9[%swap3A_1209, %swap3A_1210, %swap3A_1211] {strides = array<i32>} : memref<4x50x128xf32, #tpu.memory_space<vmem>>, vector<1x1x16xf32>,
        %swap3A_1213 = vector.shape_cast %swap3A_1212 : vector<1x1x16xf32> to vector<16xf32>
        %swap3A_1214 = vector.shape_cast %mul3A_1207 : vector<16xf32> to vector<1x1x16xf32>
        tpu.vector_store %arg9[%swap3A_1209, %swap3A_1210, %swap3A_1211], %swap3A_1214 {strides = array<i32>} : memref<4x50x128xf32, #tpu.memory_space<vmem>>, vector<1x1x16xf32>,
        %get3A_1215 = arith.constant 3 : i32
        %get3A_1216 = arith.index_cast %get3A_1215 : i32 to index
        %get3A_1217 = arith.index_cast %add3A_814 : i32 to index
        %get3A_1218 = arith.constant 16 : index
        %get3A_1219 = tpu.vector_load %arg7[%get3A_1216, %get3A_1217, %get3A_1218] {strides = array<i32>} : memref<4x50x128xf32, #tpu.memory_space<vmem>>, vector<1x1x16xf32>,
        %get3A_1220 = vector.shape_cast %get3A_1219 : vector<1x1x16xf32> to vector<16xf32>
        %mul3A_1221 = arith.constant 11.3137083 : f32
        %mul3A_1222 = vector.broadcast %mul3A_1221 : f32 to vector<16xf32>
        %mul3A_1223 = arith.mulf %get3A_1220, %mul3A_1222 : vector<16xf32>
        %swap3A_1224 = arith.constant 3 : i32
        %swap3A_1225 = arith.index_cast %swap3A_1224 : i32 to index
        %swap3A_1226 = arith.index_cast %add3A_814 : i32 to index
        %swap3A_1227 = arith.constant 16 : index
        %swap3A_1228 = tpu.vector_load %arg9[%swap3A_1225, %swap3A_1226, %swap3A_1227] {strides = array<i32>} : memref<4x50x128xf32, #tpu.memory_space<vmem>>, vector<1x1x16xf32>,
        %swap3A_1229 = vector.shape_cast %swap3A_1228 : vector<1x1x16xf32> to vector<16xf32>
        %swap3A_1230 = vector.shape_cast %mul3A_1223 : vector<16xf32> to vector<1x1x16xf32>
        tpu.vector_store %arg9[%swap3A_1225, %swap3A_1226, %swap3A_1227], %swap3A_1230 {strides = array<i32>} : memref<4x50x128xf32, #tpu.memory_space<vmem>>, vector<1x1x16xf32>,
        %get3A_1231 = arith.constant 3 : i32
        %get3A_1232 = arith.index_cast %get3A_1231 : i32 to index
        %get3A_1233 = arith.index_cast %add3A_814 : i32 to index
        %get3A_1234 = arith.constant 32 : index
        %get3A_1235 = tpu.vector_load %arg7[%get3A_1232, %get3A_1233, %get3A_1234] {strides = array<i32>} : memref<4x50x128xf32, #tpu.memory_space<vmem>>, vector<1x1x16xf32>,
        %get3A_1236 = vector.shape_cast %get3A_1235 : vector<1x1x16xf32> to vector<16xf32>
        %mul3A_1237 = arith.constant 11.3137083 : f32
        %mul3A_1238 = vector.broadcast %mul3A_1237 : f32 to vector<16xf32>
        %mul3A_1239 = arith.mulf %get3A_1236, %mul3A_1238 : vector<16xf32>
        %swap3A_1240 = arith.constant 3 : i32
        %swap3A_1241 = arith.index_cast %swap3A_1240 : i32 to index
        %swap3A_1242 = arith.index_cast %add3A_814 : i32 to index
        %swap3A_1243 = arith.constant 32 : index
        %swap3A_1244 = tpu.vector_load %arg9[%swap3A_1241, %swap3A_1242, %swap3A_1243] {strides = array<i32>} : memref<4x50x128xf32, #tpu.memory_space<vmem>>, vector<1x1x16xf32>,
        %swap3A_1245 = vector.shape_cast %swap3A_1244 : vector<1x1x16xf32> to vector<16xf32>
        %swap3A_1246 = vector.shape_cast %mul3A_1239 : vector<16xf32> to vector<1x1x16xf32>
        tpu.vector_store %arg9[%swap3A_1241, %swap3A_1242, %swap3A_1243], %swap3A_1246 {strides = array<i32>} : memref<4x50x128xf32, #tpu.memory_space<vmem>>, vector<1x1x16xf32>,
        %get3A_1247 = arith.constant 3 : i32
        %get3A_1248 = arith.index_cast %get3A_1247 : i32 to index
        %get3A_1249 = arith.index_cast %add3A_814 : i32 to index
        %get3A_1250 = arith.constant 48 : index
        %get3A_1251 = tpu.vector_load %arg7[%get3A_1248, %get3A_1249, %get3A_1250] {strides = array<i32>} : memref<4x50x128xf32, #tpu.memory_space<vmem>>, vector<1x1x16xf32>,
        %get3A_1252 = vector.shape_cast %get3A_1251 : vector<1x1x16xf32> to vector<16xf32>
        %mul3A_1253 = arith.constant 11.3137083 : f32
        %mul3A_1254 = vector.broadcast %mul3A_1253 : f32 to vector<16xf32>
        %mul3A_1255 = arith.mulf %get3A_1252, %mul3A_1254 : vector<16xf32>
        %swap3A_1256 = arith.constant 3 : i32
        %swap3A_1257 = arith.index_cast %swap3A_1256 : i32 to index
        %swap3A_1258 = arith.index_cast %add3A_814 : i32 to index
        %swap3A_1259 = arith.constant 48 : index
        %swap3A_1260 = tpu.vector_load %arg9[%swap3A_1257, %swap3A_1258, %swap3A_1259] {strides = array<i32>} : memref<4x50x128xf32, #tpu.memory_space<vmem>>, vector<1x1x16xf32>,
        %swap3A_1261 = vector.shape_cast %swap3A_1260 : vector<1x1x16xf32> to vector<16xf32>
        %swap3A_1262 = vector.shape_cast %mul3A_1255 : vector<16xf32> to vector<1x1x16xf32>
        tpu.vector_store %arg9[%swap3A_1257, %swap3A_1258, %swap3A_1259], %swap3A_1262 {strides = array<i32>} : memref<4x50x128xf32, #tpu.memory_space<vmem>>, vector<1x1x16xf32>,
        %get3A_1263 = arith.constant 3 : i32
        %get3A_1264 = arith.index_cast %get3A_1263 : i32 to index
        %get3A_1265 = arith.index_cast %add3A_814 : i32 to index
        %get3A_1266 = arith.constant 64 : index
        %get3A_1267 = tpu.vector_load %arg7[%get3A_1264, %get3A_1265, %get3A_1266] {strides = array<i32>} : memref<4x50x128xf32, #tpu.memory_space<vmem>>, vector<1x1x16xf32>,
        %get3A_1268 = vector.shape_cast %get3A_1267 : vector<1x1x16xf32> to vector<16xf32>
        %mul3A_1269 = arith.constant 11.3137083 : f32
        %mul3A_1270 = vector.broadcast %mul3A_1269 : f32 to vector<16xf32>
        %mul3A_1271 = arith.mulf %get3A_1268, %mul3A_1270 : vector<16xf32>
        %swap3A_1272 = arith.constant 3 : i32
        %swap3A_1273 = arith.index_cast %swap3A_1272 : i32 to index
        %swap3A_1274 = arith.index_cast %add3A_814 : i32 to index
        %swap3A_1275 = arith.constant 64 : index
        %swap3A_1276 = tpu.vector_load %arg9[%swap3A_1273, %swap3A_1274, %swap3A_1275] {strides = array<i32>} : memref<4x50x128xf32, #tpu.memory_space<vmem>>, vector<1x1x16xf32>,
        %swap3A_1277 = vector.shape_cast %swap3A_1276 : vector<1x1x16xf32> to vector<16xf32>
        %swap3A_1278 = vector.shape_cast %mul3A_1271 : vector<16xf32> to vector<1x1x16xf32>
        tpu.vector_store %arg9[%swap3A_1273, %swap3A_1274, %swap3A_1275], %swap3A_1278 {strides = array<i32>} : memref<4x50x128xf32, #tpu.memory_space<vmem>>, vector<1x1x16xf32>,
        %get3A_1279 = arith.constant 3 : i32
        %get3A_1280 = arith.index_cast %get3A_1279 : i32 to index
        %get3A_1281 = arith.index_cast %add3A_814 : i32 to index
        %get3A_1282 = arith.constant 80 : index
        %get3A_1283 = tpu.vector_load %arg7[%get3A_1280, %get3A_1281, %get3A_1282] {strides = array<i32>} : memref<4x50x128xf32, #tpu.memory_space<vmem>>, vector<1x1x16xf32>,
        %get3A_1284 = vector.shape_cast %get3A_1283 : vector<1x1x16xf32> to vector<16xf32>
        %mul3A_1285 = arith.constant 11.3137083 : f32
        %mul3A_1286 = vector.broadcast %mul3A_1285 : f32 to vector<16xf32>
        %mul3A_1287 = arith.mulf %get3A_1284, %mul3A_1286 : vector<16xf32>
        %swap3A_1288 = arith.constant 3 : i32
        %swap3A_1289 = arith.index_cast %swap3A_1288 : i32 to index
        %swap3A_1290 = arith.index_cast %add3A_814 : i32 to index
        %swap3A_1291 = arith.constant 80 : index
        %swap3A_1292 = tpu.vector_load %arg9[%swap3A_1289, %swap3A_1290, %swap3A_1291] {strides = array<i32>} : memref<4x50x128xf32, #tpu.memory_space<vmem>>, vector<1x1x16xf32>,
        %swap3A_1293 = vector.shape_cast %swap3A_1292 : vector<1x1x16xf32> to vector<16xf32>
        %swap3A_1294 = vector.shape_cast %mul3A_1287 : vector<16xf32> to vector<1x1x16xf32>
        tpu.vector_store %arg9[%swap3A_1289, %swap3A_1290, %swap3A_1291], %swap3A_1294 {strides = array<i32>} : memref<4x50x128xf32, #tpu.memory_space<vmem>>, vector<1x1x16xf32>,
        %get3A_1295 = arith.constant 3 : i32
        %get3A_1296 = arith.index_cast %get3A_1295 : i32 to index
        %get3A_1297 = arith.index_cast %add3A_814 : i32 to index
        %get3A_1298 = arith.constant 96 : index
        %get3A_1299 = tpu.vector_load %arg7[%get3A_1296, %get3A_1297, %get3A_1298] {strides = array<i32>} : memref<4x50x128xf32, #tpu.memory_space<vmem>>, vector<1x1x16xf32>,
        %get3A_1300 = vector.shape_cast %get3A_1299 : vector<1x1x16xf32> to vector<16xf32>
        %mul3A_1301 = arith.constant 11.3137083 : f32
        %mul3A_1302 = vector.broadcast %mul3A_1301 : f32 to vector<16xf32>
        %mul3A_1303 = arith.mulf %get3A_1300, %mul3A_1302 : vector<16xf32>
        %swap3A_1304 = arith.constant 3 : i32
        %swap3A_1305 = arith.index_cast %swap3A_1304 : i32 to index
        %swap3A_1306 = arith.index_cast %add3A_814 : i32 to index
        %swap3A_1307 = arith.constant 96 : index
        %swap3A_1308 = tpu.vector_load %arg9[%swap3A_1305, %swap3A_1306, %swap3A_1307] {strides = array<i32>} : memref<4x50x128xf32, #tpu.memory_space<vmem>>, vector<1x1x16xf32>,
        %swap3A_1309 = vector.shape_cast %swap3A_1308 : vector<1x1x16xf32> to vector<16xf32>
        %swap3A_1310 = vector.shape_cast %mul3A_1303 : vector<16xf32> to vector<1x1x16xf32>
        tpu.vector_store %arg9[%swap3A_1305, %swap3A_1306, %swap3A_1307], %swap3A_1310 {strides = array<i32>} : memref<4x50x128xf32, #tpu.memory_space<vmem>>, vector<1x1x16xf32>,
        %get3A_1311 = arith.constant 3 : i32
        %get3A_1312 = arith.index_cast %get3A_1311 : i32 to index
        %get3A_1313 = arith.index_cast %add3A_814 : i32 to index
        %get3A_1314 = arith.constant 112 : index
        %get3A_1315 = tpu.vector_load %arg7[%get3A_1312, %get3A_1313, %get3A_1314] {strides = array<i32>} : memref<4x50x128xf32, #tpu.memory_space<vmem>>, vector<1x1x16xf32>,
        %get3A_1316 = vector.shape_cast %get3A_1315 : vector<1x1x16xf32> to vector<16xf32>
        %mul3A_1317 = arith.constant 11.3137083 : f32
        %mul3A_1318 = vector.broadcast %mul3A_1317 : f32 to vector<16xf32>
        %mul3A_1319 = arith.mulf %get3A_1316, %mul3A_1318 : vector<16xf32>
        %swap3A_1320 = arith.constant 3 : i32
        %swap3A_1321 = arith.index_cast %swap3A_1320 : i32 to index
        %swap3A_1322 = arith.index_cast %add3A_814 : i32 to index
        %swap3A_1323 = arith.constant 112 : index
        %swap3A_1324 = tpu.vector_load %arg9[%swap3A_1321, %swap3A_1322, %swap3A_1323] {strides = array<i32>} : memref<4x50x128xf32, #tpu.memory_space<vmem>>, vector<1x1x16xf32>,
        %swap3A_1325 = vector.shape_cast %swap3A_1324 : vector<1x1x16xf32> to vector<16xf32>
        %swap3A_1326 = vector.shape_cast %mul3A_1319 : vector<16xf32> to vector<1x1x16xf32>
        tpu.vector_store %arg9[%swap3A_1321, %swap3A_1322, %swap3A_1323], %swap3A_1326 {strides = array<i32>} : memref<4x50x128xf32, #tpu.memory_space<vmem>>, vector<1x1x16xf32>,
      }
      %scan3A_277 = arith.constant 50 : i32
      %add3A_278 = arith.constant 2 : i32
      %add3A_279 = arith.addi %add3A_207, %add3A_278 : i32
      %lt3A_280 = arith.constant 32 : i32
      %lt3A_281 = arith.cmpi slt, %add3A_279, %lt3A_280 : i32
      %convert_element_type3A_282 = arith.extui %lt3A_281 : i1 to i32
      %cond3A_283 = arith.constant 0 : i32
      %cond3A_284 = arith.cmpi ne, %convert_element_type3A_282, %cond3A_283 : i32
      scf.if %cond3A_284 {
        %add3A_294 = arith.constant 2 : i32
        %add3A_295 = arith.addi %add3A_207, %add3A_294 : i32
        %mul3A_296 = arith.constant 4 : i32
        %mul3A_297 = arith.muli %add3A_295, %mul3A_296 : i32
        %add3A_298 = arith.constant 0 : i32
        %add3A_299 = arith.addi %mul3A_297, %add3A_298 : i32
        %dma_start3A_300 = arith.constant 0 : i32
        %dma_start3A_301 = arith.constant 0 : i32
        %dma_start3A_302 = arith.constant 0 : i32
        %dma_start3A_303 = tpu.memref_slice %arg7[%dma_start3A_300, %dma_start3A_301, %dma_start3A_302] : memref<4x50x128xf32, #tpu.memory_space<vmem>> -> memref<1x50x128xf32, #tpu.memory_space<vmem>>
        %dma_start3A_304 = tpu.memref_squeeze %dma_start3A_303 : memref<1x50x128xf32, #tpu.memory_space<vmem>> -> memref<50x128xf32, #tpu.memory_space<vmem>>
        %dma_start3A_305 = arith.constant 0 : i32
        %dma_start3A_306 = tpu.memref_slice %arg5[%add3A_299, %dma_start3A_305] : memref<128x50xi32, #tpu.memory_space<vmem>> -> memref<1x50xi32, #tpu.memory_space<vmem>>
        %dma_start3A_307 = tpu.memref_squeeze %dma_start3A_306 : memref<1x50xi32, #tpu.memory_space<vmem>> -> memref<50xi32, #tpu.memory_space<vmem>>
        %dma_start3A_308 = arith.constant 0 : i32
        %dma_start3A_309 = arith.constant 0 : i32
        %dma_start3A_310 = tpu.memref_slice %arg3[%dma_start3A_308, %dma_start3A_309] : memref<100000x128xf32, #tpu.memory_space<hbm>> -> memref<100000x128xf32, #tpu.memory_space<hbm>>
        tpu.enqueue_indirect_dma source(%dma_start3A_310 : memref<100000x128xf32, #tpu.memory_space<hbm>>) target(%dma_start3A_304 : memref<50x128xf32, #tpu.memory_space<vmem>>) offsets(%dma_start3A_307 : memref<50xi32, #tpu.memory_space<vmem>>) semaphore(%arg11 : memref<!tpu.dma_semaphore, #tpu.memory_space<semaphore_mem>>)
        %mul3A_311 = arith.constant 4 : i32
        %mul3A_312 = arith.muli %add3A_295, %mul3A_311 : i32
        %add3A_313 = arith.constant 1 : i32
        %add3A_314 = arith.addi %mul3A_312, %add3A_313 : i32
        %dma_start3A_315 = arith.constant 1 : i32
        %dma_start3A_316 = arith.constant 0 : i32
        %dma_start3A_317 = arith.constant 0 : i32
        %dma_start3A_318 = tpu.memref_slice %arg7[%dma_start3A_315, %dma_start3A_316, %dma_start3A_317] : memref<4x50x128xf32, #tpu.memory_space<vmem>> -> memref<1x50x128xf32, #tpu.memory_space<vmem>>
        %dma_start3A_319 = tpu.memref_squeeze %dma_start3A_318 : memref<1x50x128xf32, #tpu.memory_space<vmem>> -> memref<50x128xf32, #tpu.memory_space<vmem>>
        %dma_start3A_320 = arith.constant 0 : i32
        %dma_start3A_321 = tpu.memref_slice %arg5[%add3A_314, %dma_start3A_320] : memref<128x50xi32, #tpu.memory_space<vmem>> -> memref<1x50xi32, #tpu.memory_space<vmem>>
        %dma_start3A_322 = tpu.memref_squeeze %dma_start3A_321 : memref<1x50xi32, #tpu.memory_space<vmem>> -> memref<50xi32, #tpu.memory_space<vmem>>
        %dma_start3A_323 = arith.constant 0 : i32
        %dma_start3A_324 = arith.constant 0 : i32
        %dma_start3A_325 = tpu.memref_slice %arg3[%dma_start3A_323, %dma_start3A_324] : memref<100000x128xf32, #tpu.memory_space<hbm>> -> memref<100000x128xf32, #tpu.memory_space<hbm>>
        tpu.enqueue_indirect_dma source(%dma_start3A_325 : memref<100000x128xf32, #tpu.memory_space<hbm>>) target(%dma_start3A_319 : memref<50x128xf32, #tpu.memory_space<vmem>>) offsets(%dma_start3A_322 : memref<50xi32, #tpu.memory_space<vmem>>) semaphore(%arg11 : memref<!tpu.dma_semaphore, #tpu.memory_space<semaphore_mem>>)
        %mul3A_326 = arith.constant 4 : i32
        %mul3A_327 = arith.muli %add3A_295, %mul3A_326 : i32
        %add3A_328 = arith.constant 2 : i32
        %add3A_329 = arith.addi %mul3A_327, %add3A_328 : i32
        %dma_start3A_330 = arith.constant 2 : i32
        %dma_start3A_331 = arith.constant 0 : i32
        %dma_start3A_332 = arith.constant 0 : i32
        %dma_start3A_333 = tpu.memref_slice %arg7[%dma_start3A_330, %dma_start3A_331, %dma_start3A_332] : memref<4x50x128xf32, #tpu.memory_space<vmem>> -> memref<1x50x128xf32, #tpu.memory_space<vmem>>
        %dma_start3A_334 = tpu.memref_squeeze %dma_start3A_333 : memref<1x50x128xf32, #tpu.memory_space<vmem>> -> memref<50x128xf32, #tpu.memory_space<vmem>>
        %dma_start3A_335 = arith.constant 0 : i32
        %dma_start3A_336 = tpu.memref_slice %arg5[%add3A_329, %dma_start3A_335] : memref<128x50xi32, #tpu.memory_space<vmem>> -> memref<1x50xi32, #tpu.memory_space<vmem>>
        %dma_start3A_337 = tpu.memref_squeeze %dma_start3A_336 : memref<1x50xi32, #tpu.memory_space<vmem>> -> memref<50xi32, #tpu.memory_space<vmem>>
        %dma_start3A_338 = arith.constant 0 : i32
        %dma_start3A_339 = arith.constant 0 : i32
        %dma_start3A_340 = tpu.memref_slice %arg3[%dma_start3A_338, %dma_start3A_339] : memref<100000x128xf32, #tpu.memory_space<hbm>> -> memref<100000x128xf32, #tpu.memory_space<hbm>>
        tpu.enqueue_indirect_dma source(%dma_start3A_340 : memref<100000x128xf32, #tpu.memory_space<hbm>>) target(%dma_start3A_334 : memref<50x128xf32, #tpu.memory_space<vmem>>) offsets(%dma_start3A_337 : memref<50xi32, #tpu.memory_space<vmem>>) semaphore(%arg11 : memref<!tpu.dma_semaphore, #tpu.memory_space<semaphore_mem>>)
        %mul3A_341 = arith.constant 4 : i32
        %mul3A_342 = arith.muli %add3A_295, %mul3A_341 : i32
        %add3A_343 = arith.constant 3 : i32
        %add3A_344 = arith.addi %mul3A_342, %add3A_343 : i32
        %dma_start3A_345 = arith.constant 3 : i32
        %dma_start3A_346 = arith.constant 0 : i32
        %dma_start3A_347 = arith.constant 0 : i32
        %dma_start3A_348 = tpu.memref_slice %arg7[%dma_start3A_345, %dma_start3A_346, %dma_start3A_347] : memref<4x50x128xf32, #tpu.memory_space<vmem>> -> memref<1x50x128xf32, #tpu.memory_space<vmem>>
        %dma_start3A_349 = tpu.memref_squeeze %dma_start3A_348 : memref<1x50x128xf32, #tpu.memory_space<vmem>> -> memref<50x128xf32, #tpu.memory_space<vmem>>
        %dma_start3A_350 = arith.constant 0 : i32
        %dma_start3A_351 = tpu.memref_slice %arg5[%add3A_344, %dma_start3A_350] : memref<128x50xi32, #tpu.memory_space<vmem>> -> memref<1x50xi32, #tpu.memory_space<vmem>>
        %dma_start3A_352 = tpu.memref_squeeze %dma_start3A_351 : memref<1x50xi32, #tpu.memory_space<vmem>> -> memref<50xi32, #tpu.memory_space<vmem>>
        %dma_start3A_353 = arith.constant 0 : i32
        %dma_start3A_354 = arith.constant 0 : i32
        %dma_start3A_355 = tpu.memref_slice %arg3[%dma_start3A_353, %dma_start3A_354] : memref<100000x128xf32, #tpu.memory_space<hbm>> -> memref<100000x128xf32, #tpu.memory_space<hbm>>
        tpu.enqueue_indirect_dma source(%dma_start3A_355 : memref<100000x128xf32, #tpu.memory_space<hbm>>) target(%dma_start3A_349 : memref<50x128xf32, #tpu.memory_space<vmem>>) offsets(%dma_start3A_352 : memref<50xi32, #tpu.memory_space<vmem>>) semaphore(%arg11 : memref<!tpu.dma_semaphore, #tpu.memory_space<semaphore_mem>>)
      } else {
      }
      %mul3A_285 = arith.constant 4 : i32
      %mul3A_286 = arith.muli %add3A_207, %mul3A_285 : i32
      %add3A_287 = arith.addi %mul3A_2, %mul3A_286 : i32
      %dma_start3A_288 = arith.constant 0 : i32
      %dma_start3A_289 = arith.constant 0 : i32
      %dma_start3A_290 = tpu.memref_slice %arg4[%add3A_287, %dma_start3A_288, %dma_start3A_289] : memref<4096x50x128xf32, #tpu.memory_space<hbm>> -> memref<4x50x128xf32, #tpu.memory_space<hbm>>
      %dma_start3A_291 = arith.constant 0 : i32
      %dma_start3A_292 = arith.constant 0 : i32
      %dma_start3A_293 = tpu.memref_slice %arg4[%add3A_287, %dma_start3A_291, %dma_start3A_292] : memref<4096x50x128xf32, #tpu.memory_space<hbm>> -> memref<4x50x128xf32, #tpu.memory_space<hbm>>
      tpu.enqueue_dma source(%arg9 : memref<4x50x128xf32, #tpu.memory_space<vmem>>) target(%dma_start3A_293 : memref<4x50x128xf32, #tpu.memory_space<hbm>>) target_semaphore(%arg13 : memref<!tpu.dma_semaphore, #tpu.memory_space<semaphore_mem>>)
    }
    %scan3A_101 = arith.constant 16 : i32
    %add3A_102 = arith.constant 120 : i32
    %add3A_103 = arith.addi %mul3A_2, %add3A_102 : i32
    %dma_wait3A = arith.constant 0 : i32
    %dma_wait3A_104 = arith.constant 0 : i32
    %dma_wait3A_105 = tpu.memref_slice %arg4[%add3A_103, %dma_wait3A, %dma_wait3A_104] : memref<4096x50x128xf32, #tpu.memory_space<hbm>> -> memref<4x50x128xf32, #tpu.memory_space<hbm>>
    %dma_wait3A_106 = arith.constant 0 : i32
    %dma_wait3A_107 = arith.constant 0 : i32
    %dma_wait3A_108 = tpu.memref_slice %arg4[%add3A_103, %dma_wait3A_106, %dma_wait3A_107] : memref<4096x50x128xf32, #tpu.memory_space<hbm>> -> memref<4x50x128xf32, #tpu.memory_space<hbm>>
    tpu.wait_dma2 semaphore(%arg12 : memref<!tpu.dma_semaphore, #tpu.memory_space<semaphore_mem>>) src(%arg8 : memref<4x50x128xf32, #tpu.memory_space<vmem>>) dst(%dma_wait3A_108 : memref<4x50x128xf32, #tpu.memory_space<hbm>>)
    %add3A_109 = arith.constant 124 : i32
    %add3A_110 = arith.addi %mul3A_2, %add3A_109 : i32
    %dma_wait3A_111 = arith.constant 0 : i32
    %dma_wait3A_112 = arith.constant 0 : i32
    %dma_wait3A_113 = tpu.memref_slice %arg4[%add3A_110, %dma_wait3A_111, %dma_wait3A_112] : memref<4096x50x128xf32, #tpu.memory_space<hbm>> -> memref<4x50x128xf32, #tpu.memory_space<hbm>>
    %dma_wait3A_114 = arith.constant 0 : i32
    %dma_wait3A_115 = arith.constant 0 : i32
    %dma_wait3A_116 = tpu.memref_slice %arg4[%add3A_110, %dma_wait3A_114, %dma_wait3A_115] : memref<4096x50x128xf32, #tpu.memory_space<hbm>> -> memref<4x50x128xf32, #tpu.memory_space<hbm>>
    tpu.wait_dma2 semaphore(%arg13 : memref<!tpu.dma_semaphore, #tpu.memory_space<semaphore_mem>>) src(%arg9 : memref<4x50x128xf32, #tpu.memory_space<vmem>>) dst(%dma_wait3A_116 : memref<4x50x128xf32, #tpu.memory_space<hbm>>)
    return
  }
}

</mosaic_0001>

<sc_bundles>
// kernel: _embed.3.cloned.1.call-start
scs
__scs_entry_jumppad:
0x0: {  	(pc) =	sbr.rel $0x88, $3  }
0x1: {  	(tag) =	ssettag $0x0;
	lr =	simm.s32 $0x1  }
0x2: {  	[smem:$0x3F9F] =	sst lr;
	_ =	strace $0xD0000000  }
0x3: {  	_ = 	snop  }
0x4: {  	_ = 	snop  }
0x5: {  	_ = 	snop  }
0x6: {  	_ = 	snop  }
0x7: {  	_ = 	snop  }
__scs_overlays_trampoline_lowered:
0x8: {  	[smem:$0x3FAE] =	sst s0  }
0x9: {  	[smem:$0x3FAF] =	sst s1  }
0xa: {  	[smem:$0x3FB0] =	sst s2  }
0xb: {  	[smem:$0x3FB1] =	sst s3  }
0xc: {  	[smem:$0x3FB2] =	sst s4  }
0xd: {  	[smem:$0x3FB3] =	sst s5  }
0xe: {  	[smem:$0x3FB4] =	sst s6  }
0xf: {  	[smem:$0x3FB5] =	sst s7  }
0x10: {  	[smem:$0x3FB6] =	sst s8  }
0x11: {  	[smem:$0x3FB7] =	sst s9;
	s0 =	simm.s32 @!p0 $0x0  }
0x12: {  	s1 =	sld [smem:$0x3F9D];
	s0 =	simm.s32 @p0 $0x1  }
0x13: {  	[smem:$0x3FB8] =	sst s0;
	s0 =	simm.s32 @!p1 $0x0  }
0x14: {  	s2 =	sld [smem:$0x3F9C];
	s0 =	simm.s32 @p1 $0x1  }
0x15: {  	[smem:$0x3FB9] =	sst s0;
	s0 =	simm.s32 @!p2 $0x0  }
0x16: {  	s3 =	sld [smem:$0x3FDB];
	s0 =	simm.s32 @p2 $0x1  }
0x17: {  	s4 =	simm.s32 $0x1BF5;
	[smem:$0x3FBB] =	sst s0  }
0x18: {  	s0 =	sld [smem:$0x3F9E];
	_ =	swait.ge [sflag:s4], $0x0  }
0x19: {  	s7 =	sld [smem:$0x3F9F]  }
0x1a: {  	s8 =	sadd.s32 $0xFFFFE003, lr  }
0x1b: {  	s9 =	sadd.s32 $0xFFFFFEF7, lr;
	s5 =	simm.s32 $0xFFFFFFFF;
	p2 =	slt.u32 s8, $0xFFFFF086  }
0x1c: {  	p1 =	slt.u32 s9, $0xF7A;
	s5 =	simm.s32 @!p2 $0x0  }
0x1d: {  	s5 =	simm.s32 @p1 $0x1;
	p0 =	seq.s32 s7, s2  }
0x1e: {  	s7 =	smul.u32 @!p0 $0xF7A, s2;
	p2 =	seq.s32 @!p0 s5, $0x0  }
0x1f: {  	s9 =	smul.u32 $0xF7A, s1;
	s8 =	simm.s32 @!p0 $0x1BF5;
	p2 =	por !p2, p0  }
0x20: {  	[sflag:s8] =	ssyncset.s32 @!p0 $0xFFFFF086;
	s6 =	sadd.s32 @!p0 s3, s7;
	s7 =	simm.s32 @!p0 $0x108  }
0x21: {  	s3 =	sadd.s32 s3, s9;
	s6 =	sadd.s32 @!p0 $0x88, s6;
	s7 =	simm.s32 @p2 $0x1082  }
0x22: {  	[simem:s7], [sflag:s8] =	dma.local @!p0 [hbm:s6], $0xF7A  }
0x23: {  	s9 =	sor.u32 $0xD0000000, s2;
	s6 =	simm.s32 $0x108;
	_ =	swait.ge @!p0 [sflag:s8], $0x0  }
0x24: {  	s3 =	sadd.s32 $0x88, s3;
	s6 =	simm.s32 @!p1 $0x1082;
	[sflag:s4] =	ssyncset.s32 $0xFFFFF086  }
0x25: {  	[simem:s6], [sflag:s4] =	dma.local [hbm:s3], $0xF7A  }
0x26: {  	[smem:$0x3F9F] =	sst s1;
	(tag) =	ssettag s2;
	_ =	strace s9  }
0x27: {  	s1 =	sld [smem:$0x3FAF]  }
0x28: {  	s2 =	sld [smem:$0x3FB0]  }
0x29: {  	s4 =	sld [smem:$0x3FB2]  }
0x2a: {  	p0 =	seq.s32 s5, $0x0;
	s5 =	sld [smem:$0x3FB3]  }
0x2b: {  	s6 =	sld [smem:$0x3FB4]  }
0x2c: {  	s7 =	sld [smem:$0x3FB5]  }
0x2d: {  	s3 =	simm.s32 $0x108;
	s8 =	sld [smem:$0x3FB6]  }
0x2e: {  	s3 =	simm.s32 @!p0 $0x1082;
	s9 =	sld [smem:$0x3FB7]  }
0x2f: {  	lr =	sadd.s32 s0, s3;
	s0 =	sld [smem:$0x3FAE]  }
0x30: {  	s3 =	sld [smem:$0x3FB1]  }
0x31: {  	[smem:$0x3FBA] =	sst s10  }
0x32: {  	s10 =	sld [smem:$0x3FB8];
	_ =	sdelay $0x3  }
0x33: {  	p0 =	seq.s32 s10, $0x1;
	s10 =	sld [smem:$0x3FBA];
	_ =	sdelay $0x3  }
0x34: {  	[smem:$0x3FBA] =	sst s10  }
0x35: {  	s10 =	sld [smem:$0x3FB9];
	_ =	sdelay $0x3  }
0x36: {  	p1 =	seq.s32 s10, $0x1;
	s10 =	sld [smem:$0x3FBA];
	_ =	sdelay $0x3  }
0x37: {  	[smem:$0x3FBA] =	sst s10  }
0x38: {  	s10 =	sld [smem:$0x3FBB]  }
0x39: {  	_ = 	snop;
	(pc) =	sbr.ind lr, $3  }
0x3a: {  	_ = 	snop  }
0x3b: {  	_ = 	snop  }
0x3c: {  	p2 =	seq.s32 s10, $0x1;
	s10 =	sld [smem:$0x3FBA]  }
0x3d: {  	_ =	shalt  }
0x3e: {  	_ =	shalt  }
0x3f: {  	_ =	shalt  }
0x40: {  	_ =	shalt  }
0x41: {  	_ =	shalt  }
0x42: {  	_ =	shalt  }
0x43: {  	_ =	shalt  }
0x44: {  	_ =	shalt  }
0x45: {  	_ =	shalt  }
0x46: {  	_ =	shalt  }
0x47: {  	_ =	shalt  }
0x48: {  	_ =	shalt  }
0x49: {  	_ =	shalt  }
0x4a: {  	_ =	shalt  }
0x4b: {  	_ =	shalt  }
0x4c: {  	_ =	shalt  }
0x4d: {  	_ =	shalt  }
0x4e: {  	_ =	shalt  }
0x4f: {  	_ =	shalt  }
0x50: {  	_ =	shalt  }
0x51: {  	_ =	shalt  }
0x52: {  	_ =	shalt  }
0x53: {  	_ =	shalt  }
0x54: {  	_ =	shalt  }
0x55: {  	_ =	shalt  }
0x56: {  	_ =	shalt  }
0x57: {  	_ =	shalt  }
0x58: {  	_ =	shalt  }
0x59: {  	_ =	shalt  }
0x5a: {  	_ =	shalt  }
0x5b: {  	_ =	shalt  }
0x5c: {  	_ =	shalt  }
0x5d: {  	_ =	shalt  }
0x5e: {  	_ =	shalt  }
0x5f: {  	_ =	shalt  }
0x60: {  	_ =	shalt  }
0x61: {  	_ =	shalt  }
0x62: {  	_ =	shalt  }
0x63: {  	_ =	shalt  }
0x64: {  	_ =	shalt  }
0x65: {  	_ =	shalt  }
0x66: {  	_ =	shalt  }
0x67: {  	_ =	shalt  }
0x68: {  	_ =	shalt  }
0x69: {  	_ =	shalt  }
0x6a: {  	_ =	shalt  }
0x6b: {  	_ =	shalt  }
0x6c: {  	_ =	shalt  }
0x6d: {  	_ =	shalt  }
0x6e: {  	_ =	shalt  }
0x6f: {  	_ =	shalt  }
0x70: {  	_ =	shalt  }
0x71: {  	_ =	shalt  }
0x72: {  	_ =	shalt  }
0x73: {  	_ =	shalt  }
0x74: {  	_ =	shalt  }
0x75: {  	_ =	shalt  }
0x76: {  	_ =	shalt  }
0x77: {  	_ =	shalt  }
0x78: {  	_ =	shalt  }
0x79: {  	_ =	shalt  }
0x7a: {  	_ =	shalt  }
0x7b: {  	_ =	shalt  }
0x7c: {  	_ =	shalt  }
0x7d: {  	_ =	shalt  }
0x7e: {  	_ =	shalt  }
0x7f: {  	_ =	shalt  }
0x80: {  	_ =	shalt  }
0x81: {  	_ =	shalt  }
0x82: {  	_ =	shalt  }
0x83: {  	_ =	shalt  }
0x84: {  	_ =	shalt  }
0x85: {  	_ =	shalt  }
0x86: {  	_ =	shalt  }
0x87: {  	_ =	shalt  }
.Lfunc_end0:
.L_simem_size_0:
called_computation_lowered:
.L_overlay_start_0:
0x88: {  	s2 =	sld [smem:$0x3FD9]  }
0x89: {  	s3 =	sld [smem:$0x3FFE];
	_ =	sdelay $0x1  }
0x8a: {  	s1 =	srdreg.scid  }
0x8b: {  	s0 =	sand.u32 $0x1, s1  }
0x8c: {  	s17 =	sshll.u32 s0, $0xA;
	s2 =	sadd.s32 s3, s2  }
0x8d: {  	s2 =	sadd.s32 s2, s17  }
0x8e: {  	[smem:$0x3FC6] =	sst s2  }
0x8f: {  	_ = 	snop  }
0x90: {  	s2 =	sld [smem:$0x3FC8]  }
0x91: {  	s18 =	sld [smem:$0x3FD0];
	(tm) =	ssettm $0x1  }
0x92: {  	s4 =	sld [smem:$0x3FFB];
	_ =	sdelay $0x3  }
0x93: {  	_ =	strace s4  }
0x94: {  	s4 =	sld [smem:$0x3FFC];
	_ =	sdelay $0x3  }
0x95: {  	_ =	strace s4  }
0x96: {  	s4 =	sld [smem:$0x3FFD];
	_ =	sdelay $0x3  }
0x97: {  	_ =	strace s4  }
0x98: {  	_ =	strace $0x8FFFFFFF  }
0x99: {  	s19 =	sld [smem:$0x3FDB];
	_ =	sdelay $0x1  }
0x9a: {  	s5 =	simm.s32 $_scs_section_size  }
0x9b: {  	s6 =	simm.s32 $_size__tile_overlayer_lowered;
	s7 =	simm.s32 $_tile_overlayer_lowered  }
0x9c: {  	s22 =	simm.s32 $0x1BFF;
	s21 =	sshll.u32 s7, $0x1;
	s4 =	sadd.s32 s5, s19  }
0x9d: {  	s8 =	simm.s32 $0x0;
	s20 =	sshll.u32 s6, $0x1;
	s6 =	sadd.s32 s21, s4  }
0x9e: {  	[timem:s8], [sflag:s22] =	dma.local [hbm:s6], s20  }
0x9f: {  	_ =	swait.ge [sflag:s22], s20  }
0xa0: {  	s5 =	ssub.s32 $0x0, s20;
	[sflag:s22] =	ssyncset.done $0x0  }
0xa1: {  	[sflag:s22] =	ssyncadd.s32 s5;
	_ =	sdelay $0x1  }
0xa2: {  	s23 =	simm.s32 $0x1B8B  }
0xa3: {  	_ =	swait.ge [sflag:s23], $0x1  }
0xa4: {  	[sflag:s23] =	ssyncset.done $0x0  }
0xa5: {  	s25 =	simm.s32 $0x1B8E;
	s24 =	sld [smem:$0x3FFE];
	[sflag:s23] =	ssyncadd.s32 $0xFFFFFFFF  }
0xa6: {  	s26 =	simm.s32 $execute0_lowered;
	[smem:$0x3FD2] =	sst s25  }
0xa7: {  	s6 =	sshll.u32 s26, $0x1;
	_ =	strace $0x80000046;
	[dreg:$0x1] =	wrdreg $0xFFFFFFFF  }
0xa8: {  	s28 =	simm.s32 $_size_execute0_lowered;
	s4 =	sadd.s32 s4, s6;
	[dreg:$0x0] =	wrdreg $0x0  }
0xa9: {  	s6 =	sshll.u32 s28, $0x1;
	[dreg:$0x2] =	wrdreg s4  }
0xaa: {  	[dreg:$0x3] =	wrdreg s6  }
0xab: {  	[dreg:$0x4] =	wrdreg $0xC0  }
0xac: {  	_ =	task [dreg:s8], $0x5FFFF  }
0xad: {  	[dreg:$0x1] =	wrdreg $0xFFFFFFFF  }
0xae: {  	[dreg:$0x0] =	wrdreg $0x60  }
0xaf: {  	[dreg:$0x2] =	wrdreg s18  }
0xb0: {  	[dreg:$0x3] =	wrdreg s2  }
0xb1: {  	[dreg:$0x4] =	wrdreg s24  }
0xb2: {  	[dreg:$0x5] =	wrdreg $0x9  }
0xb3: {  	_ =	task.clear_ibuf [dreg:s8], $0x6FFFF;
	_ =	strace $0x90000046  }
0xb4: {  	s29 =	simm.s32 $0x9;
	_ =	strace $0x80000048  }
0xb5: {  	_ =	swait.ge [sflag:s29], $0x1  }
0xb6: {  	[sflag:s29] =	ssyncadd.s32 $0xFFFFFFFF  }
0xb7: {  	_ =	strace $0x90000048  }
0xb8: {  	_ =	sfence  }
0xb9: {  	s30 =	sld [smem:$0x0];
	_ =	sdelay $0x2  }
0xba: {  	s31 =	sshll.u32 s1, $0xD;
	s1 =	sshrl.u32 s1, $0x2  }
0xbb: {  	s3 =	sand.u32 $0x4000, s31;
	s1 =	sadd.s32 s1, s30  }
0xbc: {  	s0 =	sor.u32 s3, s0;
	s1 =	sshll.u32 s1, $0x11  }
0xbd: {  	s0 =	sor.u32 s1, s0  }
0xbe: {  	s0 =	sadd.s32 $0x8F2B, s0  }
0xbf: {  	[sflag:s0] =	ssyncadd.remote.s32 $0x1  }
0xc0: {  	_ =	sfence.sel $0xFFFF  }
0xc1: {  	[dreg:$0x0] =	wrdreg $0xFFFFFFFF;
	(pc) =	sbr.abs _section_cstart, $3  }
0xc2: {  	[dreg:$0x1] =	wrdreg $0xFFFFFFFF  }
0xc3: {  	_ =	task.clear_ibuf [dreg:s8], $0x2FFFF;
	_ =	strace $0x9FFFFFFF  }
0xc4: {  	(tm) =	ssettm $0x7FFFFFFF  }
0xc5: {  	_ =	shalt  }
tec
execute0_lowered:
.L_overlay_start_1:
0x0: {  	(tag) =	ssettag $0x1  }
0x1: {  	s0 =	rddreg [dreg:$0x0]  }
0x2: {  	s1 =	rddreg [dreg:$0x1]  }
0x3: {  	s2 =	rddreg [dreg:$0x2];
	s4 =	srdreg.scid  }
0x4: {  	s3 =	simm.s32 $0x0;
	s6 =	stileid.u32;
	s8 =	simm.s32 $0x5  }
0x5: {  	s9 =	simm.s32 $0x32;
	s22 =	simm.s32 $0xE800;
	s23 =	simm.s32 $0x380  }
0x6: {  	s24 =	simm.s32 $0x10400;
	s25 =	simm.s32 $0x1;
	s26 =	simm.s32 $0x12000  }
0x7: {  	s28 =	simm.s32 $0x13C00;
	s29 =	simm.s32 $0x15800;
	s30 =	simm.s32 $0x17400  }
0x8: {  	s31 =	simm.s32 $0x2;
	s10 =	simm.s32 $0x1C800;
	s11 =	simm.s32 $0x1E400  }
0x9: {  	s12 =	simm.s32 $0x3;
	s13 =	simm.s32 $0x4;
	s4 =	sand.u32 $0x1, s4  }
0xa: {  	s14 =	simm.s32 $0x0;
	s6 =	sshll.u32 s6, $0x8;
	s5 =	ssub.s32 $0x2, s4  }
0xb: {  	[smem:$0x7FF] =	sst s3;
	s4 =	sshll.u32 s4, $0x7;
	s7 =	sshrl.u32 s5, $0x1  }
0xc: {  	_ =	strace $0x80000047;
	s4 =	sor.u32 s4, s6;
	s7 =	ssub.s32 s5, s7  }
0xd: {  	s6 =	sshll.u32 s4, $0x4;
	s5 =	sadd.s32 $0x400, s2;
	s2 =	simm.s32 $0x1AC00  }
0xe: {  	s6 =	sadd.s32 s0, s6;
	s7 =	smax.u32 s7, $0x1;
	s0 =	simm.s32 $0x19000  }
.LBB2_1:
0xf: {  	[tilespmem:s3], [sflag:$0x5] =	stream.linear.gather [hbm4b:s6+s3], $0x4000, $0x38;
	v63 =	vld [tilespmem:$0x0]  }
0x10: {  	_ =	swait.ge [sflag:s8], $0x4000  }
0x11: {  	[sflag:s8] =	ssyncset.done $0x0  }
0x12: {  	s15 =	simm.s32 $0x4000;
	[sflag:s8] =	ssyncadd.s32 $0xFFFFC000  }
0x13: {  	[tilespmem:s15], [sflag:$0x1] =	stream.indirect.gather [hbm4b:s1+s9], $0x80, s3, s9, $0xb8;
	v63 =	vld [tilespmem:$0x0]  }
0x14: {  	s17 =	simm.s32 $0x80;
	s16 =	simm.s32 $0x5C00  }
0x15: {  	[tilespmem:s16], [sflag:$0x1] =	stream.indirect.gather [hbm4b:s1+s9], $0x80, s17, s9, $0xb8;
	v63 =	vld [tilespmem:$0x0]  }
0x16: {  	s18 =	simm.s32 $0x100;
	s19 =	simm.s32 $0x7800  }
0x17: {  	[tilespmem:s19], [sflag:$0x1] =	stream.indirect.gather [hbm4b:s1+s9], $0x80, s18, s9, $0xb8;
	v63 =	vld [tilespmem:$0x0]  }
0x18: {  	s20 =	simm.s32 $0x180;
	s21 =	simm.s32 $0x9400  }
0x19: {  	[tilespmem:s21], [sflag:$0x1] =	stream.indirect.gather [hbm4b:s1+s9], $0x80, s20, s9, $0xb8;
	v63 =	vld [tilespmem:$0x0]  }
0x1a: {  	s17 =	simm.s32 $0x200;
	s18 =	simm.s32 $0xB000  }
0x1b: {  	[tilespmem:s18], [sflag:$0x2] =	stream.indirect.gather [hbm4b:s1+s9], $0x80, s17, s9, $0xb8;
	v63 =	vld [tilespmem:$0x0]  }
0x1c: {  	s19 =	simm.s32 $0x280;
	s20 =	simm.s32 $0xCC00  }
0x1d: {  	[tilespmem:s20], [sflag:$0x2] =	stream.indirect.gather [hbm4b:s1+s9], $0x80, s19, s9, $0xb8;
	v63 =	vld [tilespmem:$0x0]  }
0x1e: {  	s21 =	simm.s32 $0x300  }
0x1f: {  	[tilespmem:s22], [sflag:$0x2] =	stream.indirect.gather [hbm4b:s1+s9], $0x80, s21, s9, $0xb8;
	v63 =	vld [tilespmem:$0x0]  }
0x20: {  	s15 =	simm.s32 $0x0  }
0x21: {  	[tilespmem:s24], [sflag:$0x2] =	stream.indirect.gather [hbm4b:s1+s9], $0x80, s23, s9, $0xb8;
	v63 =	vld [tilespmem:$0x0]  }
.LBB2_2:
0x22: {  	_ =	swait.ge [sflag:s25], $0x1900  }
0x23: {  	[sflag:s25] =	ssyncset.done $0x0  }
0x24: {  	[sflag:s25] =	ssyncadd.s32 $0xFFFFE700  }
0x25: {  	_ =	swait.ge [sflag:s25], $0x1900  }
0x26: {  	[sflag:s25] =	ssyncset.done $0x0  }
0x27: {  	[sflag:s25] =	ssyncadd.s32 $0xFFFFE700  }
0x28: {  	_ =	swait.ge [sflag:s25], $0x1900  }
0x29: {  	[sflag:s25] =	ssyncset.done $0x0  }
0x2a: {  	[sflag:s25] =	ssyncadd.s32 $0xFFFFE700  }
0x2b: {  	_ =	swait.ge [sflag:s25], $0x1900  }
0x2c: {  	p1 =	seq.s32 s15, $0x0;
	[sflag:s25] =	ssyncset.done $0x0  }
0x2d: {  	s16 =	simm.s32 @!p1 $0x3;
	[sflag:s25] =	ssyncadd.s32 $0xFFFFE700  }
0x2e: {  	_ =	swait.ge @!p1 [sflag:s16], $0x6400  }
0x2f: {  	[sflag:s16] =	ssyncset.done @!p1 $0x0  }
0x30: {  	s17 =	simm.s32 $0x0;
	[sflag:s16] =	ssyncadd.s32 @!p1 $0xFFFF9C00  }
0x31: {  	v0 =	vld [tilespmem:s17+$0x94F0]  }
0x32: {  	v1 =	vld [tilespmem:s17+$0x4000]  }
0x33: {  	v2 =	vld [tilespmem:s17+$0x4010]  }
0x34: {  	v3 =	vld [tilespmem:s17+$0x4020]  }
0x35: {  	v4 =	vld [tilespmem:s17+$0x4030]  }
0x36: {  	v5 =	vld [tilespmem:s17+$0x4040];
	v0 =	vmul.f32 $1.131370830e+01, v0  }
0x37: {  	v6 =	vld [tilespmem:s17+$0x4050];
	v1 =	vmul.f32 $1.131370830e+01, v1  }
0x38: {  	v7 =	vld [tilespmem:s17+$0x4060];
	[tilespmem:s17+$0x174F0] =	vst v0;
	v0 =	vmul.f32 $1.131370830e+01, v2  }
0x39: {  	[tilespmem:s17+$0x12000] =	vst v1;
	v1 =	vld [tilespmem:s17+$0x4070];
	v2 =	vmul.f32 $1.131370830e+01, v3  }
0x3a: {  	v3 =	vmul.f32 $1.131370830e+01, v4;
	[tilespmem:s17+$0x12010] =	vst v0;
	v0 =	vld [tilespmem:s17+$0x5C00]  }
0x3b: {  	v4 =	vmul.f32 $1.131370830e+01, v5;
	[tilespmem:s17+$0x12020] =	vst v2;
	v2 =	vld [tilespmem:s17+$0x5C10]  }
0x3c: {  	v5 =	vmul.f32 $1.131370830e+01, v6;
	[tilespmem:s17+$0x12030] =	vst v3;
	v3 =	vld [tilespmem:s17+$0x5C20]  }
0x3d: {  	v6 =	vmul.f32 $1.131370830e+01, v7;
	[tilespmem:s17+$0x12040] =	vst v4;
	v4 =	vld [tilespmem:s17+$0x5C30]  }
0x3e: {  	[tilespmem:s17+$0x12050] =	vst v5;
	v5 =	vld [tilespmem:s17+$0x5C40];
	v1 =	vmul.f32 $1.131370830e+01, v1  }
0x3f: {  	[tilespmem:s17+$0x12060] =	vst v6;
	v6 =	vld [tilespmem:s17+$0x5C50];
	v0 =	vmul.f32 $1.131370830e+01, v0  }
0x40: {  	[tilespmem:s17+$0x12070] =	vst v1;
	v1 =	vld [tilespmem:s17+$0x5C60];
	v2 =	vmul.f32 $1.131370830e+01, v2  }
0x41: {  	v3 =	vmul.f32 $1.131370830e+01, v3;
	[tilespmem:s17+$0x13C00] =	vst v0;
	v0 =	vld [tilespmem:s17+$0x5C70]  }
0x42: {  	v4 =	vmul.f32 $1.131370830e+01, v4;
	[tilespmem:s17+$0x13C10] =	vst v2;
	v2 =	vld [tilespmem:s17+$0x7800]  }
0x43: {  	v5 =	vmul.f32 $1.131370830e+01, v5;
	[tilespmem:s17+$0x13C20] =	vst v3;
	v3 =	vld [tilespmem:s17+$0x7810]  }
0x44: {  	v6 =	vmul.f32 $1.131370830e+01, v6;
	[tilespmem:s17+$0x13C30] =	vst v4;
	v4 =	vld [tilespmem:s17+$0x7820]  }
0x45: {  	[tilespmem:s17+$0x13C40] =	vst v5;
	v5 =	vld [tilespmem:s17+$0x7830];
	v1 =	vmul.f32 $1.131370830e+01, v1  }
0x46: {  	[tilespmem:s17+$0x13C50] =	vst v6;
	v6 =	vld [tilespmem:s17+$0x7840];
	v0 =	vmul.f32 $1.131370830e+01, v0  }
0x47: {  	[tilespmem:s17+$0x13C60] =	vst v1;
	v1 =	vld [tilespmem:s17+$0x7850];
	v2 =	vmul.f32 $1.131370830e+01, v2  }
0x48: {  	v3 =	vmul.f32 $1.131370830e+01, v3;
	[tilespmem:s17+$0x13C70] =	vst v0;
	v0 =	vld [tilespmem:s17+$0x7860]  }
0x49: {  	v4 =	vmul.f32 $1.131370830e+01, v4;
	[tilespmem:s17+$0x15800] =	vst v2;
	v2 =	vld [tilespmem:s17+$0x7870]  }
0x4a: {  	v5 =	vmul.f32 $1.131370830e+01, v5;
	[tilespmem:s17+$0x15810] =	vst v3;
	v3 =	vld [tilespmem:s17+$0x9400]  }
0x4b: {  	v6 =	vmul.f32 $1.131370830e+01, v6;
	[tilespmem:s17+$0x15820] =	vst v4;
	v4 =	vld [tilespmem:s17+$0x9410]  }
0x4c: {  	[tilespmem:s17+$0x15830] =	vst v5;
	v5 =	vld [tilespmem:s17+$0x9420];
	v1 =	vmul.f32 $1.131370830e+01, v1  }
0x4d: {  	[tilespmem:s17+$0x15840] =	vst v6;
	v6 =	vld [tilespmem:s17+$0x9430];
	v0 =	vmul.f32 $1.131370830e+01, v0  }
0x4e: {  	[tilespmem:s17+$0x15850] =	vst v1;
	v1 =	vld [tilespmem:s17+$0x9440];
	v2 =	vmul.f32 $1.131370830e+01, v2  }
0x4f: {  	v3 =	vmul.f32 $1.131370830e+01, v3;
	[tilespmem:s17+$0x15860] =	vst v0;
	v0 =	vld [tilespmem:s17+$0x9450]  }
0x50: {  	v4 =	vmul.f32 $1.131370830e+01, v4;
	[tilespmem:s17+$0x15870] =	vst v2;
	v2 =	vld [tilespmem:s17+$0x9460]  }
0x51: {  	v5 =	vmul.f32 $1.131370830e+01, v5;
	[tilespmem:s17+$0x17400] =	vst v3;
	v3 =	vld [tilespmem:s17+$0x9470]  }
0x52: {  	v6 =	vmul.f32 $1.131370830e+01, v6;
	[tilespmem:s17+$0x17410] =	vst v4;
	v4 =	vld [tilespmem:s17+$0x4080]  }
0x53: {  	[tilespmem:s17+$0x17420] =	vst v5;
	v5 =	vld [tilespmem:s17+$0x4090];
	v1 =	vmul.f32 $1.131370830e+01, v1  }
0x54: {  	[tilespmem:s17+$0x17430] =	vst v6;
	v6 =	vld [tilespmem:s17+$0x40A0];
	v0 =	vmul.f32 $1.131370830e+01, v0  }
0x55: {  	[tilespmem:s17+$0x17440] =	vst v1;
	v1 =	vld [tilespmem:s17+$0x40B0];
	v2 =	vmul.f32 $1.131370830e+01, v2  }
0x56: {  	v3 =	vmul.f32 $1.131370830e+01, v3;
	[tilespmem:s17+$0x17450] =	vst v0;
	v0 =	vld [tilespmem:s17+$0x40C0]  }
0x57: {  	v4 =	vmul.f32 $1.131370830e+01, v4;
	[tilespmem:s17+$0x17460] =	vst v2;
	v2 =	vld [tilespmem:s17+$0x40D0]  }
0x58: {  	v5 =	vmul.f32 $1.131370830e+01, v5;
	[tilespmem:s17+$0x17470] =	vst v3;
	v3 =	vld [tilespmem:s17+$0x40E0]  }
0x59: {  	v6 =	vmul.f32 $1.131370830e+01, v6;
	[tilespmem:s17+$0x12080] =	vst v4;
	v4 =	vld [tilespmem:s17+$0x40F0]  }
0x5a: {  	[tilespmem:s17+$0x12090] =	vst v5;
	v5 =	vld [tilespmem:s17+$0x5C80];
	v1 =	vmul.f32 $1.131370830e+01, v1  }
0x5b: {  	[tilespmem:s17+$0x120A0] =	vst v6;
	v6 =	vld [tilespmem:s17+$0x5C90];
	v0 =	vmul.f32 $1.131370830e+01, v0  }
0x5c: {  	[tilespmem:s17+$0x120B0] =	vst v1;
	v1 =	vld [tilespmem:s17+$0x5CA0];
	v2 =	vmul.f32 $1.131370830e+01, v2  }
0x5d: {  	v3 =	vmul.f32 $1.131370830e+01, v3;
	[tilespmem:s17+$0x120C0] =	vst v0;
	v0 =	vld [tilespmem:s17+$0x5CB0]  }
0x5e: {  	v4 =	vmul.f32 $1.131370830e+01, v4;
	[tilespmem:s17+$0x120D0] =	vst v2;
	v2 =	vld [tilespmem:s17+$0x5CC0]  }
0x5f: {  	v5 =	vmul.f32 $1.131370830e+01, v5;
	[tilespmem:s17+$0x120E0] =	vst v3;
	v3 =	vld [tilespmem:s17+$0x5CD0]  }
0x60: {  	v6 =	vmul.f32 $1.131370830e+01, v6;
	[tilespmem:s17+$0x120F0] =	vst v4;
	v4 =	vld [tilespmem:s17+$0x5CE0]  }
0x61: {  	[tilespmem:s17+$0x13C80] =	vst v5;
	v5 =	vld [tilespmem:s17+$0x5CF0];
	v1 =	vmul.f32 $1.131370830e+01, v1  }
0x62: {  	[tilespmem:s17+$0x13C90] =	vst v6;
	v6 =	vld [tilespmem:s17+$0x7880];
	v0 =	vmul.f32 $1.131370830e+01, v0  }
0x63: {  	[tilespmem:s17+$0x13CA0] =	vst v1;
	v1 =	vld [tilespmem:s17+$0x7890];
	v2 =	vmul.f32 $1.131370830e+01, v2  }
0x64: {  	v3 =	vmul.f32 $1.131370830e+01, v3;
	[tilespmem:s17+$0x13CB0] =	vst v0;
	v0 =	vld [tilespmem:s17+$0x78A0]  }
0x65: {  	v4 =	vmul.f32 $1.131370830e+01, v4;
	[tilespmem:s17+$0x13CC0] =	vst v2;
	v2 =	vld [tilespmem:s17+$0x78B0]  }
0x66: {  	v5 =	vmul.f32 $1.131370830e+01, v5;
	[tilespmem:s17+$0x13CD0] =	vst v3;
	v3 =	vld [tilespmem:s17+$0x78C0]  }
0x67: {  	v6 =	vmul.f32 $1.131370830e+01, v6;
	[tilespmem:s17+$0x13CE0] =	vst v4;
	v4 =	vld [tilespmem:s17+$0x78D0]  }
0x68: {  	[tilespmem:s17+$0x13CF0] =	vst v5;
	v5 =	vld [tilespmem:s17+$0x78E0];
	v1 =	vmul.f32 $1.131370830e+01, v1  }
0x69: {  	[tilespmem:s17+$0x15880] =	vst v6;
	v6 =	vld [tilespmem:s17+$0x78F0];
	v0 =	vmul.f32 $1.131370830e+01, v0  }
0x6a: {  	v7 =	vld [tilespmem:s17+$0x9480];
	[tilespmem:s17+$0x15890] =	vst v1;
	v1 =	vmul.f32 $1.131370830e+01, v2  }
0x6b: {  	v2 =	vld [tilespmem:s17+$0x9490];
	v3 =	vmul.f32 $1.131370830e+01, v3;
	[tilespmem:s17+$0x158A0] =	vst v0  }
0x6c: {  	v4 =	vmul.f32 $1.131370830e+01, v4;
	[tilespmem:s17+$0x158B0] =	vst v1;
	v0 =	vld [tilespmem:s17+$0x94A0]  }
0x6d: {  	v5 =	vmul.f32 $1.131370830e+01, v5;
	[tilespmem:s17+$0x158C0] =	vst v3;
	v1 =	vld [tilespmem:s17+$0x94B0]  }
0x6e: {  	v6 =	vmul.f32 $1.131370830e+01, v6;
	[tilespmem:s17+$0x158D0] =	vst v4;
	v3 =	vld [tilespmem:s17+$0x94C0]  }
0x6f: {  	s18 =	simm.s32 $0x0;
	s19 =	simm.s32 $0x400;
	s16 =	sshll.u32 s15, $0xC;
	[tilespmem:s17+$0x158E0] =	vst v5;
	v5 =	vmul.f32 $1.131370830e+01, v7;
	v4 =	vld [tilespmem:s17+$0x94D0]  }
.LBB2_3:
0x70: {  	s20 =	sshra.s32 s19, $0x2;
	s18 =	sadd.s32 $0x2, s18;
	[tilespmem:s17+$0x158F0] =	vst v6;
	v2 =	vmul.f32 $1.131370830e+01, v2;
	v6 =	vld [tilespmem:s17+$0x94E0]  }
0x71: {  	v7 =	vld [tilespmem:s20+$0x94F0];
	p0 =	slt.u32 s18, $0x30;
	[tilespmem:s17+$0x17480] =	vst v5;
	v0 =	vmul.f32 $1.131370830e+01, v0  }
0x72: {  	v5 =	vld [tilespmem:s20+$0x4000];
	[tilespmem:s17+$0x17490] =	vst v2;
	v1 =	vmul.f32 $1.131370830e+01, v1  }
0x73: {  	v2 =	vld [tilespmem:s20+$0x4010];
	[tilespmem:s17+$0x174A0] =	vst v0;
	v0 =	vmul.f32 $1.131370830e+01, v3  }
0x74: {  	v3 =	vld [tilespmem:s20+$0x4020];
	[tilespmem:s17+$0x174B0] =	vst v1;
	v1 =	vmul.f32 $1.131370830e+01, v4  }
0x75: {  	v4 =	vld [tilespmem:s20+$0x4030];
	[tilespmem:s17+$0x174C0] =	vst v0;
	v0 =	vmul.f32 $1.131370830e+01, v6  }
0x76: {  	v6 =	vld [tilespmem:s20+$0x4040];
	v7 =	vmul.f32 $1.131370830e+01, v7;
	[tilespmem:s17+$0x174D0] =	vst v1  }
0x77: {  	v1 =	vmul.f32 $1.131370830e+01, v5;
	v5 =	vld [tilespmem:s20+$0x4050];
	[tilespmem:s17+$0x174E0] =	vst v0;
	s17 =	smov.u32 s20  }
0x78: {  	v0 =	vmul.f32 $1.131370830e+01, v2;
	v2 =	vld [tilespmem:s17+$0x4060];
	[tilespmem:s17+$0x174F0] =	vst v7  }
0x79: {  	[tilespmem:s17+$0x12000] =	vst v1;
	v1 =	vmul.f32 $1.131370830e+01, v3;
	v3 =	vld [tilespmem:s17+$0x4070]  }
0x7a: {  	[tilespmem:s17+$0x12010] =	vst v0;
	v0 =	vmul.f32 $1.131370830e+01, v4;
	v4 =	vld [tilespmem:s17+$0x5C00]  }
0x7b: {  	[tilespmem:s17+$0x12020] =	vst v1;
	v1 =	vmul.f32 $1.131370830e+01, v6;
	v6 =	vld [tilespmem:s17+$0x5C10]  }
0x7c: {  	[tilespmem:s17+$0x12030] =	vst v0;
	v0 =	vmul.f32 $1.131370830e+01, v5;
	v5 =	vld [tilespmem:s17+$0x5C20]  }
0x7d: {  	[tilespmem:s17+$0x12040] =	vst v1;
	v1 =	vmul.f32 $1.131370830e+01, v2;
	v2 =	vld [tilespmem:s17+$0x5C30]  }
0x7e: {  	[tilespmem:s17+$0x12050] =	vst v0;
	v0 =	vmul.f32 $1.131370830e+01, v3;
	v3 =	vld [tilespmem:s17+$0x5C40]  }
0x7f: {  	[tilespmem:s17+$0x12060] =	vst v1;
	v1 =	vmul.f32 $1.131370830e+01, v4;
	v4 =	vld [tilespmem:s17+$0x5C50]  }
0x80: {  	[tilespmem:s17+$0x12070] =	vst v0;
	v0 =	vmul.f32 $1.131370830e+01, v6;
	v6 =	vld [tilespmem:s17+$0x5C60]  }
0x81: {  	[tilespmem:s17+$0x13C00] =	vst v1;
	v1 =	vmul.f32 $1.131370830e+01, v5;
	v5 =	vld [tilespmem:s17+$0x5C70]  }
0x82: {  	[tilespmem:s17+$0x13C10] =	vst v0;
	v0 =	vmul.f32 $1.131370830e+01, v2;
	v2 =	vld [tilespmem:s17+$0x7800]  }
0x83: {  	[tilespmem:s17+$0x13C20] =	vst v1;
	v1 =	vmul.f32 $1.131370830e+01, v3;
	v3 =	vld [tilespmem:s17+$0x7810]  }
0x84: {  	[tilespmem:s17+$0x13C30] =	vst v0;
	v0 =	vmul.f32 $1.131370830e+01, v4;
	v4 =	vld [tilespmem:s17+$0x7820]  }
0x85: {  	[tilespmem:s17+$0x13C40] =	vst v1;
	v1 =	vmul.f32 $1.131370830e+01, v6;
	v6 =	vld [tilespmem:s17+$0x7830]  }
0x86: {  	[tilespmem:s17+$0x13C50] =	vst v0;
	v0 =	vmul.f32 $1.131370830e+01, v5;
	v5 =	vld [tilespmem:s17+$0x7840]  }
0x87: {  	[tilespmem:s17+$0x13C60] =	vst v1;
	v1 =	vmul.f32 $1.131370830e+01, v2;
	v2 =	vld [tilespmem:s17+$0x7850]  }
0x88: {  	[tilespmem:s17+$0x13C70] =	vst v0;
	v0 =	vmul.f32 $1.131370830e+01, v3;
	v3 =	vld [tilespmem:s17+$0x7860]  }
0x89: {  	[tilespmem:s17+$0x15800] =	vst v1;
	v1 =	vmul.f32 $1.131370830e+01, v4;
	v4 =	vld [tilespmem:s17+$0x7870]  }
0x8a: {  	[tilespmem:s17+$0x15810] =	vst v0;
	v0 =	vmul.f32 $1.131370830e+01, v6;
	v6 =	vld [tilespmem:s17+$0x9400]  }
0x8b: {  	[tilespmem:s17+$0x15820] =	vst v1;
	v1 =	vmul.f32 $1.131370830e+01, v5;
	v5 =	vld [tilespmem:s17+$0x9410]  }
0x8c: {  	[tilespmem:s17+$0x15830] =	vst v0;
	v0 =	vmul.f32 $1.131370830e+01, v2;
	v2 =	vld [tilespmem:s17+$0x9420]  }
0x8d: {  	[tilespmem:s17+$0x15840] =	vst v1;
	v1 =	vmul.f32 $1.131370830e+01, v3;
	v3 =	vld [tilespmem:s17+$0x9430]  }
0x8e: {  	[tilespmem:s17+$0x15850] =	vst v0;
	v0 =	vmul.f32 $1.131370830e+01, v4;
	v4 =	vld [tilespmem:s17+$0x9440]  }
0x8f: {  	[tilespmem:s17+$0x15860] =	vst v1;
	v1 =	vmul.f32 $1.131370830e+01, v6;
	v6 =	vld [tilespmem:s17+$0x9450]  }
0x90: {  	[tilespmem:s17+$0x15870] =	vst v0;
	v0 =	vmul.f32 $1.131370830e+01, v5;
	v5 =	vld [tilespmem:s17+$0x9460]  }
0x91: {  	[tilespmem:s17+$0x17400] =	vst v1;
	v1 =	vmul.f32 $1.131370830e+01, v2;
	v2 =	vld [tilespmem:s17+$0x9470]  }
0x92: {  	[tilespmem:s17+$0x17410] =	vst v0;
	v0 =	vmul.f32 $1.131370830e+01, v3;
	v3 =	vld [tilespmem:s17+$0x4080]  }
0x93: {  	[tilespmem:s17+$0x17420] =	vst v1;
	v1 =	vmul.f32 $1.131370830e+01, v4;
	v4 =	vld [tilespmem:s17+$0x4090]  }
0x94: {  	[tilespmem:s17+$0x17430] =	vst v0;
	v0 =	vmul.f32 $1.131370830e+01, v6;
	v6 =	vld [tilespmem:s17+$0x40A0]  }
0x95: {  	[tilespmem:s17+$0x17440] =	vst v1;
	v1 =	vmul.f32 $1.131370830e+01, v5;
	v5 =	vld [tilespmem:s17+$0x40B0]  }
0x96: {  	[tilespmem:s17+$0x17450] =	vst v0;
	v0 =	vmul.f32 $1.131370830e+01, v2;
	v2 =	vld [tilespmem:s17+$0x40C0]  }
0x97: {  	[tilespmem:s17+$0x17460] =	vst v1;
	v1 =	vmul.f32 $1.131370830e+01, v3;
	v3 =	vld [tilespmem:s17+$0x40D0]  }
0x98: {  	[tilespmem:s17+$0x17470] =	vst v0;
	v0 =	vmul.f32 $1.131370830e+01, v4;
	v4 =	vld [tilespmem:s17+$0x40E0]  }
0x99: {  	[tilespmem:s17+$0x12080] =	vst v1;
	v1 =	vmul.f32 $1.131370830e+01, v6;
	v6 =	vld [tilespmem:s17+$0x40F0]  }
0x9a: {  	[tilespmem:s17+$0x12090] =	vst v0;
	v0 =	vmul.f32 $1.131370830e+01, v5;
	v5 =	vld [tilespmem:s17+$0x5C80]  }
0x9b: {  	[tilespmem:s17+$0x120A0] =	vst v1;
	v1 =	vmul.f32 $1.131370830e+01, v2;
	v2 =	vld [tilespmem:s17+$0x5C90]  }
0x9c: {  	[tilespmem:s17+$0x120B0] =	vst v0;
	v0 =	vmul.f32 $1.131370830e+01, v3;
	v3 =	vld [tilespmem:s17+$0x5CA0]  }
0x9d: {  	[tilespmem:s17+$0x120C0] =	vst v1;
	v1 =	vmul.f32 $1.131370830e+01, v4;
	v4 =	vld [tilespmem:s17+$0x5CB0]  }
0x9e: {  	[tilespmem:s17+$0x120D0] =	vst v0;
	v0 =	vmul.f32 $1.131370830e+01, v6;
	v6 =	vld [tilespmem:s17+$0x5CC0]  }
0x9f: {  	[tilespmem:s17+$0x120E0] =	vst v1;
	v1 =	vmul.f32 $1.131370830e+01, v5;
	v5 =	vld [tilespmem:s17+$0x5CD0]  }
0xa0: {  	[tilespmem:s17+$0x120F0] =	vst v0;
	v0 =	vmul.f32 $1.131370830e+01, v2;
	v2 =	vld [tilespmem:s17+$0x5CE0]  }
0xa1: {  	[tilespmem:s17+$0x13C80] =	vst v1;
	v1 =	vmul.f32 $1.131370830e+01, v3;
	v3 =	vld [tilespmem:s17+$0x5CF0]  }
0xa2: {  	[tilespmem:s17+$0x13C90] =	vst v0;
	v0 =	vmul.f32 $1.131370830e+01, v4;
	v4 =	vld [tilespmem:s17+$0x7880]  }
0xa3: {  	[tilespmem:s17+$0x13CA0] =	vst v1;
	v1 =	vmul.f32 $1.131370830e+01, v6;
	v6 =	vld [tilespmem:s17+$0x7890]  }
0xa4: {  	[tilespmem:s17+$0x13CB0] =	vst v0;
	v0 =	vmul.f32 $1.131370830e+01, v5;
	v5 =	vld [tilespmem:s17+$0x78A0]  }
0xa5: {  	[tilespmem:s17+$0x13CC0] =	vst v1;
	v1 =	vmul.f32 $1.131370830e+01, v2;
	v2 =	vld [tilespmem:s17+$0x78B0]  }
0xa6: {  	[tilespmem:s17+$0x13CD0] =	vst v0;
	v0 =	vmul.f32 $1.131370830e+01, v3;
	v3 =	vld [tilespmem:s17+$0x78C0]  }
0xa7: {  	[tilespmem:s17+$0x13CE0] =	vst v1;
	v1 =	vmul.f32 $1.131370830e+01, v4;
	v4 =	vld [tilespmem:s17+$0x78D0]  }
0xa8: {  	[tilespmem:s17+$0x13CF0] =	vst v0;
	v0 =	vmul.f32 $1.131370830e+01, v6;
	v6 =	vld [tilespmem:s17+$0x78E0]  }
0xa9: {  	[tilespmem:s17+$0x15880] =	vst v1;
	v1 =	vmul.f32 $1.131370830e+01, v5;
	v5 =	vld [tilespmem:s17+$0x78F0]  }
0xaa: {  	[tilespmem:s17+$0x15890] =	vst v0;
	v0 =	vmul.f32 $1.131370830e+01, v2;
	v7 =	vld [tilespmem:s17+$0x9480]  }
.Ltmp0:
0xab: {  	[tilespmem:s17+$0x158A0] =	vst v1;
	v1 =	vmul.f32 $1.131370830e+01, v3;
	v2 =	vld [tilespmem:s17+$0x9490];
	(pc) =	sbr.rel @p0 .LBB2_3-.Ltmp0, $4  }
0xac: {  	[tilespmem:s17+$0x158B0] =	vst v0;
	v3 =	vmul.f32 $1.131370830e+01, v4;
	v0 =	vld [tilespmem:s17+$0x94A0]  }
0xad: {  	[tilespmem:s17+$0x158C0] =	vst v1;
	v4 =	vmul.f32 $1.131370830e+01, v6;
	v1 =	vld [tilespmem:s17+$0x94B0]  }
0xae: {  	[tilespmem:s17+$0x158D0] =	vst v3;
	v6 =	vmul.f32 $1.131370830e+01, v5;
	v3 =	vld [tilespmem:s17+$0x94C0]  }
0xaf: {  	s19 =	sadd.s32 $0x400, s19;
	[tilespmem:s17+$0x158E0] =	vst v4;
	v5 =	vmul.f32 $1.131370830e+01, v7;
	v4 =	vld [tilespmem:s17+$0x94D0]  }
0xb0: {  	[tilespmem:s17+$0x158F0] =	vst v6;
	v2 =	vmul.f32 $1.131370830e+01, v2;
	v6 =	vld [tilespmem:s17+$0x94E0]  }
0xb1: {  	[tilespmem:s17+$0x17480] =	vst v5;
	v0 =	vmul.f32 $1.131370830e+01, v0  }
0xb2: {  	[tilespmem:s17+$0x17490] =	vst v2;
	v1 =	vmul.f32 $1.131370830e+01, v1  }
0xb3: {  	[tilespmem:s17+$0x174A0] =	vst v0;
	v0 =	vmul.f32 $1.131370830e+01, v3  }
0xb4: {  	[tilespmem:s17+$0x174B0] =	vst v1;
	v1 =	vmul.f32 $1.131370830e+01, v4  }
0xb5: {  	p0 =	seq.s32 s15, $0xF;
	[tilespmem:s17+$0x174C0] =	vst v0;
	v0 =	vmul.f32 $1.131370830e+01, v6  }
0xb6: {  	s16 =	sshrl.u32 @!p0 s16, $0x2;
	[tilespmem:s17+$0x174D0] =	vst v1  }
0xb7: {  	s18 =	simm.s32 @!p0 $0x32;
	s19 =	simm.s32 @!p0 $0x4000;
	[tilespmem:s17+$0x174E0] =	vst v0;
	s17 =	sadd.s32 @!p0 $0x400, s16  }
0xb8: {  	[tilespmem:s19], [sflag:$0x1] =	stream.indirect.gather @!p0 [hbm4b:s1+s18], $0x80, s17, s18, $0xb8;
	v63 =	vld [tilespmem:$0x0]  }
0xb9: {  	s17 =	sadd.s32 @!p0 $0x480, s16;
	s19 =	simm.s32 @!p0 $0x5C00  }
0xba: {  	[tilespmem:s19], [sflag:$0x1] =	stream.indirect.gather @!p0 [hbm4b:s1+s18], $0x80, s17, s18, $0xb8;
	v63 =	vld [tilespmem:$0x0]  }
0xbb: {  	s17 =	sadd.s32 @!p0 $0x500, s16;
	s19 =	simm.s32 @!p0 $0x7800  }
0xbc: {  	[tilespmem:s19], [sflag:$0x1] =	stream.indirect.gather @!p0 [hbm4b:s1+s18], $0x80, s17, s18, $0xb8;
	v63 =	vld [tilespmem:$0x0]  }
0xbd: {  	s17 =	sshll.u32 s15, $0x3  }
0xbe: {  	s19 =	sadd.s32 s4, s17  }
0xbf: {  	s21 =	simm.s32 @!p0 $0x9400;
	s20 =	sadd.s32 @!p0 $0x580, s16;
	s19 =	smul.u32 $0x380, s19  }
0xc0: {  	[tilespmem:s21], [sflag:$0x1] =	stream.indirect.gather @!p0 [hbm4b:s1+s18], $0x80, s20, s18, $0xb8;
	v63 =	vld [tilespmem:$0x0]  }
0xc1: {  	s20 =	sadd.s32 s5, s19  }
0xc2: {  	[hbm4b:s20+s3] =	stream.linear.scatter [tilespmem:s26], [sflag:$0x3], $0x1900, $0x38;
	v63 =	vld [tilespmem:$0x0]  }
0xc3: {  	s19 =	sadd.s32 $0x380, s20  }
0xc4: {  	[hbm4b:s19+s3] =	stream.linear.scatter [tilespmem:s28], [sflag:$0x3], $0x1900, $0x38;
	v63 =	vld [tilespmem:$0x0]  }
0xc5: {  	s21 =	sadd.s32 $0x700, s20  }
0xc6: {  	[hbm4b:s21+s3] =	stream.linear.scatter [tilespmem:s29], [sflag:$0x3], $0x1900, $0x38;
	v63 =	vld [tilespmem:$0x0]  }
0xc7: {  	s18 =	sadd.s32 $0xA80, s20  }
0xc8: {  	[hbm4b:s18+s3] =	stream.linear.scatter [tilespmem:s30], [sflag:$0x3], $0x1900, $0x38;
	v63 =	vld [tilespmem:$0x0]  }
0xc9: {  	_ =	swait.ge [sflag:s31], $0x1900  }
0xca: {  	[sflag:s31] =	ssyncset.done $0x0  }
0xcb: {  	[sflag:s31] =	ssyncadd.s32 $0xFFFFE700  }
0xcc: {  	_ =	swait.ge [sflag:s31], $0x1900  }
0xcd: {  	[sflag:s31] =	ssyncset.done $0x0  }
0xce: {  	[sflag:s31] =	ssyncadd.s32 $0xFFFFE700  }
0xcf: {  	_ =	swait.ge [sflag:s31], $0x1900  }
0xd0: {  	[sflag:s31] =	ssyncset.done $0x0  }
0xd1: {  	[sflag:s31] =	ssyncadd.s32 $0xFFFFE700  }
0xd2: {  	_ =	swait.ge [sflag:s31], $0x1900  }
0xd3: {  	[sflag:s31] =	ssyncset.done $0x0  }
0xd4: {  	s18 =	simm.s32 @!p1 $0x4;
	[sflag:s31] =	ssyncadd.s32 $0xFFFFE700  }
0xd5: {  	_ =	swait.ge @!p1 [sflag:s18], $0x6400  }
0xd6: {  	[sflag:s18] =	ssyncset.done @!p1 $0x0  }
0xd7: {  	[sflag:s18] =	ssyncadd.s32 @!p1 $0xFFFF9C00;
	s18 =	simm.s32 $0x0  }
0xd8: {  	v0 =	vld [tilespmem:s18+$0x104F0]  }
0xd9: {  	v1 =	vld [tilespmem:s18+$0xB000]  }
0xda: {  	v2 =	vld [tilespmem:s18+$0xB010]  }
0xdb: {  	v3 =	vld [tilespmem:s18+$0xB020]  }
0xdc: {  	v4 =	vld [tilespmem:s18+$0xB030]  }
0xdd: {  	v5 =	vld [tilespmem:s18+$0xB040];
	v0 =	vmul.f32 $1.131370830e+01, v0  }
0xde: {  	v6 =	vld [tilespmem:s18+$0xB050];
	v1 =	vmul.f32 $1.131370830e+01, v1  }
0xdf: {  	v7 =	vld [tilespmem:s18+$0xB060];
	[tilespmem:s18+$0x1E4F0] =	vst v0;
	v0 =	vmul.f32 $1.131370830e+01, v2  }
0xe0: {  	[tilespmem:s18+$0x19000] =	vst v1;
	v1 =	vld [tilespmem:s18+$0xB070];
	v2 =	vmul.f32 $1.131370830e+01, v3  }
0xe1: {  	v3 =	vmul.f32 $1.131370830e+01, v4;
	[tilespmem:s18+$0x19010] =	vst v0;
	v0 =	vld [tilespmem:s18+$0xCC00]  }
0xe2: {  	v4 =	vmul.f32 $1.131370830e+01, v5;
	[tilespmem:s18+$0x19020] =	vst v2;
	v2 =	vld [tilespmem:s18+$0xCC10]  }
0xe3: {  	v5 =	vmul.f32 $1.131370830e+01, v6;
	[tilespmem:s18+$0x19030] =	vst v3;
	v3 =	vld [tilespmem:s18+$0xCC20]  }
0xe4: {  	v6 =	vmul.f32 $1.131370830e+01, v7;
	[tilespmem:s18+$0x19040] =	vst v4;
	v4 =	vld [tilespmem:s18+$0xCC30]  }
0xe5: {  	[tilespmem:s18+$0x19050] =	vst v5;
	v5 =	vld [tilespmem:s18+$0xCC40];
	v1 =	vmul.f32 $1.131370830e+01, v1  }
0xe6: {  	[tilespmem:s18+$0x19060] =	vst v6;
	v6 =	vld [tilespmem:s18+$0xCC50];
	v0 =	vmul.f32 $1.131370830e+01, v0  }
0xe7: {  	[tilespmem:s18+$0x19070] =	vst v1;
	v1 =	vld [tilespmem:s18+$0xCC60];
	v2 =	vmul.f32 $1.131370830e+01, v2  }
0xe8: {  	v3 =	vmul.f32 $1.131370830e+01, v3;
	[tilespmem:s18+$0x1AC00] =	vst v0;
	v0 =	vld [tilespmem:s18+$0xCC70]  }
0xe9: {  	v4 =	vmul.f32 $1.131370830e+01, v4;
	[tilespmem:s18+$0x1AC10] =	vst v2;
	v2 =	vld [tilespmem:s18+$0xE800]  }
0xea: {  	v5 =	vmul.f32 $1.131370830e+01, v5;
	[tilespmem:s18+$0x1AC20] =	vst v3;
	v3 =	vld [tilespmem:s18+$0xE810]  }
0xeb: {  	v6 =	vmul.f32 $1.131370830e+01, v6;
	[tilespmem:s18+$0x1AC30] =	vst v4;
	v4 =	vld [tilespmem:s18+$0xE820]  }
0xec: {  	[tilespmem:s18+$0x1AC40] =	vst v5;
	v5 =	vld [tilespmem:s18+$0xE830];
	v1 =	vmul.f32 $1.131370830e+01, v1  }
0xed: {  	[tilespmem:s18+$0x1AC50] =	vst v6;
	v6 =	vld [tilespmem:s18+$0xE840];
	v0 =	vmul.f32 $1.131370830e+01, v0  }
0xee: {  	[tilespmem:s18+$0x1AC60] =	vst v1;
	v1 =	vld [tilespmem:s18+$0xE850];
	v2 =	vmul.f32 $1.131370830e+01, v2  }
0xef: {  	v3 =	vmul.f32 $1.131370830e+01, v3;
	[tilespmem:s18+$0x1AC70] =	vst v0;
	v0 =	vld [tilespmem:s18+$0xE860]  }
0xf0: {  	v4 =	vmul.f32 $1.131370830e+01, v4;
	[tilespmem:s18+$0x1C800] =	vst v2;
	v2 =	vld [tilespmem:s18+$0xE870]  }
0xf1: {  	v5 =	vmul.f32 $1.131370830e+01, v5;
	[tilespmem:s18+$0x1C810] =	vst v3;
	v3 =	vld [tilespmem:s18+$0x10400]  }
0xf2: {  	v6 =	vmul.f32 $1.131370830e+01, v6;
	[tilespmem:s18+$0x1C820] =	vst v4;
	v4 =	vld [tilespmem:s18+$0x10410]  }
0xf3: {  	[tilespmem:s18+$0x1C830] =	vst v5;
	v5 =	vld [tilespmem:s18+$0x10420];
	v1 =	vmul.f32 $1.131370830e+01, v1  }
0xf4: {  	[tilespmem:s18+$0x1C840] =	vst v6;
	v6 =	vld [tilespmem:s18+$0x10430];
	v0 =	vmul.f32 $1.131370830e+01, v0  }
0xf5: {  	[tilespmem:s18+$0x1C850] =	vst v1;
	v1 =	vld [tilespmem:s18+$0x10440];
	v2 =	vmul.f32 $1.131370830e+01, v2  }
0xf6: {  	v3 =	vmul.f32 $1.131370830e+01, v3;
	[tilespmem:s18+$0x1C860] =	vst v0;
	v0 =	vld [tilespmem:s18+$0x10450]  }
0xf7: {  	v4 =	vmul.f32 $1.131370830e+01, v4;
	[tilespmem:s18+$0x1C870] =	vst v2;
	v2 =	vld [tilespmem:s18+$0x10460]  }
0xf8: {  	v5 =	vmul.f32 $1.131370830e+01, v5;
	[tilespmem:s18+$0x1E400] =	vst v3;
	v3 =	vld [tilespmem:s18+$0x10470]  }
0xf9: {  	v6 =	vmul.f32 $1.131370830e+01, v6;
	[tilespmem:s18+$0x1E410] =	vst v4;
	v4 =	vld [tilespmem:s18+$0xB080]  }
0xfa: {  	[tilespmem:s18+$0x1E420] =	vst v5;
	v5 =	vld [tilespmem:s18+$0xB090];
	v1 =	vmul.f32 $1.131370830e+01, v1  }
0xfb: {  	[tilespmem:s18+$0x1E430] =	vst v6;
	v6 =	vld [tilespmem:s18+$0xB0A0];
	v0 =	vmul.f32 $1.131370830e+01, v0  }
0xfc: {  	[tilespmem:s18+$0x1E440] =	vst v1;
	v1 =	vld [tilespmem:s18+$0xB0B0];
	v2 =	vmul.f32 $1.131370830e+01, v2  }
0xfd: {  	v3 =	vmul.f32 $1.131370830e+01, v3;
	[tilespmem:s18+$0x1E450] =	vst v0;
	v0 =	vld [tilespmem:s18+$0xB0C0]  }
0xfe: {  	v4 =	vmul.f32 $1.131370830e+01, v4;
	[tilespmem:s18+$0x1E460] =	vst v2;
	v2 =	vld [tilespmem:s18+$0xB0D0]  }
0xff: {  	v5 =	vmul.f32 $1.131370830e+01, v5;
	[tilespmem:s18+$0x1E470] =	vst v3;
	v3 =	vld [tilespmem:s18+$0xB0E0]  }
0x100: {  	v6 =	vmul.f32 $1.131370830e+01, v6;
	[tilespmem:s18+$0x19080] =	vst v4;
	v4 =	vld [tilespmem:s18+$0xB0F0]  }
0x101: {  	[tilespmem:s18+$0x19090] =	vst v5;
	v5 =	vld [tilespmem:s18+$0xCC80];
	v1 =	vmul.f32 $1.131370830e+01, v1  }
0x102: {  	[tilespmem:s18+$0x190A0] =	vst v6;
	v6 =	vld [tilespmem:s18+$0xCC90];
	v0 =	vmul.f32 $1.131370830e+01, v0  }
0x103: {  	[tilespmem:s18+$0x190B0] =	vst v1;
	v1 =	vld [tilespmem:s18+$0xCCA0];
	v2 =	vmul.f32 $1.131370830e+01, v2  }
0x104: {  	v3 =	vmul.f32 $1.131370830e+01, v3;
	[tilespmem:s18+$0x190C0] =	vst v0;
	v0 =	vld [tilespmem:s18+$0xCCB0]  }
0x105: {  	v4 =	vmul.f32 $1.131370830e+01, v4;
	[tilespmem:s18+$0x190D0] =	vst v2;
	v2 =	vld [tilespmem:s18+$0xCCC0]  }
0x106: {  	v5 =	vmul.f32 $1.131370830e+01, v5;
	[tilespmem:s18+$0x190E0] =	vst v3;
	v3 =	vld [tilespmem:s18+$0xCCD0]  }
0x107: {  	v6 =	vmul.f32 $1.131370830e+01, v6;
	[tilespmem:s18+$0x190F0] =	vst v4;
	v4 =	vld [tilespmem:s18+$0xCCE0]  }
0x108: {  	[tilespmem:s18+$0x1AC80] =	vst v5;
	v5 =	vld [tilespmem:s18+$0xCCF0];
	v1 =	vmul.f32 $1.131370830e+01, v1  }
0x109: {  	[tilespmem:s18+$0x1AC90] =	vst v6;
	v6 =	vld [tilespmem:s18+$0xE880];
	v0 =	vmul.f32 $1.131370830e+01, v0  }
0x10a: {  	[tilespmem:s18+$0x1ACA0] =	vst v1;
	v1 =	vld [tilespmem:s18+$0xE890];
	v2 =	vmul.f32 $1.131370830e+01, v2  }
0x10b: {  	v3 =	vmul.f32 $1.131370830e+01, v3;
	[tilespmem:s18+$0x1ACB0] =	vst v0;
	v0 =	vld [tilespmem:s18+$0xE8A0]  }
0x10c: {  	v4 =	vmul.f32 $1.131370830e+01, v4;
	[tilespmem:s18+$0x1ACC0] =	vst v2;
	v2 =	vld [tilespmem:s18+$0xE8B0]  }
0x10d: {  	v5 =	vmul.f32 $1.131370830e+01, v5;
	[tilespmem:s18+$0x1ACD0] =	vst v3;
	v3 =	vld [tilespmem:s18+$0xE8C0]  }
0x10e: {  	v6 =	vmul.f32 $1.131370830e+01, v6;
	[tilespmem:s18+$0x1ACE0] =	vst v4;
	v4 =	vld [tilespmem:s18+$0xE8D0]  }
0x10f: {  	[tilespmem:s18+$0x1ACF0] =	vst v5;
	v5 =	vld [tilespmem:s18+$0xE8E0];
	v1 =	vmul.f32 $1.131370830e+01, v1  }
0x110: {  	[tilespmem:s18+$0x1C880] =	vst v6;
	v6 =	vld [tilespmem:s18+$0xE8F0];
	v0 =	vmul.f32 $1.131370830e+01, v0  }
0x111: {  	v7 =	vld [tilespmem:s18+$0x10480];
	[tilespmem:s18+$0x1C890] =	vst v1;
	v1 =	vmul.f32 $1.131370830e+01, v2  }
0x112: {  	v2 =	vld [tilespmem:s18+$0x10490];
	v3 =	vmul.f32 $1.131370830e+01, v3;
	[tilespmem:s18+$0x1C8A0] =	vst v0  }
0x113: {  	v4 =	vmul.f32 $1.131370830e+01, v4;
	[tilespmem:s18+$0x1C8B0] =	vst v1;
	v0 =	vld [tilespmem:s18+$0x104A0]  }
0x114: {  	v5 =	vmul.f32 $1.131370830e+01, v5;
	[tilespmem:s18+$0x1C8C0] =	vst v3;
	v1 =	vld [tilespmem:s18+$0x104B0]  }
0x115: {  	v6 =	vmul.f32 $1.131370830e+01, v6;
	[tilespmem:s18+$0x1C8D0] =	vst v4;
	v3 =	vld [tilespmem:s18+$0x104C0]  }
0x116: {  	s20 =	simm.s32 $0x400;
	s19 =	simm.s32 $0x0;
	[tilespmem:s18+$0x1C8E0] =	vst v5;
	v5 =	vmul.f32 $1.131370830e+01, v7;
	v4 =	vld [tilespmem:s18+$0x104D0]  }
.LBB2_5:
0x117: {  	s21 =	sshra.s32 s20, $0x2;
	s19 =	sadd.s32 $0x2, s19;
	[tilespmem:s18+$0x1C8F0] =	vst v6;
	v2 =	vmul.f32 $1.131370830e+01, v2;
	v6 =	vld [tilespmem:s18+$0x104E0]  }
0x118: {  	v7 =	vld [tilespmem:s21+$0x104F0];
	p1 =	slt.u32 s19, $0x30;
	[tilespmem:s18+$0x1E480] =	vst v5;
	v0 =	vmul.f32 $1.131370830e+01, v0  }
0x119: {  	v5 =	vld [tilespmem:s21+$0xB000];
	[tilespmem:s18+$0x1E490] =	vst v2;
	v1 =	vmul.f32 $1.131370830e+01, v1  }
0x11a: {  	v2 =	vld [tilespmem:s21+$0xB010];
	[tilespmem:s18+$0x1E4A0] =	vst v0;
	v0 =	vmul.f32 $1.131370830e+01, v3  }
0x11b: {  	v3 =	vld [tilespmem:s21+$0xB020];
	[tilespmem:s18+$0x1E4B0] =	vst v1;
	v1 =	vmul.f32 $1.131370830e+01, v4  }
0x11c: {  	v4 =	vld [tilespmem:s21+$0xB030];
	[tilespmem:s18+$0x1E4C0] =	vst v0;
	v0 =	vmul.f32 $1.131370830e+01, v6  }
0x11d: {  	v6 =	vld [tilespmem:s21+$0xB040];
	v7 =	vmul.f32 $1.131370830e+01, v7;
	[tilespmem:s18+$0x1E4D0] =	vst v1  }
0x11e: {  	v1 =	vmul.f32 $1.131370830e+01, v5;
	v5 =	vld [tilespmem:s21+$0xB050];
	[tilespmem:s18+$0x1E4E0] =	vst v0;
	s18 =	smov.u32 s21  }
0x11f: {  	v0 =	vmul.f32 $1.131370830e+01, v2;
	v2 =	vld [tilespmem:s18+$0xB060];
	[tilespmem:s18+$0x1E4F0] =	vst v7  }
0x120: {  	[tilespmem:s18+$0x19000] =	vst v1;
	v1 =	vmul.f32 $1.131370830e+01, v3;
	v3 =	vld [tilespmem:s18+$0xB070]  }
0x121: {  	[tilespmem:s18+$0x19010] =	vst v0;
	v0 =	vmul.f32 $1.131370830e+01, v4;
	v4 =	vld [tilespmem:s18+$0xCC00]  }
0x122: {  	[tilespmem:s18+$0x19020] =	vst v1;
	v1 =	vmul.f32 $1.131370830e+01, v6;
	v6 =	vld [tilespmem:s18+$0xCC10]  }
0x123: {  	[tilespmem:s18+$0x19030] =	vst v0;
	v0 =	vmul.f32 $1.131370830e+01, v5;
	v5 =	vld [tilespmem:s18+$0xCC20]  }
0x124: {  	[tilespmem:s18+$0x19040] =	vst v1;
	v1 =	vmul.f32 $1.131370830e+01, v2;
	v2 =	vld [tilespmem:s18+$0xCC30]  }
0x125: {  	[tilespmem:s18+$0x19050] =	vst v0;
	v0 =	vmul.f32 $1.131370830e+01, v3;
	v3 =	vld [tilespmem:s18+$0xCC40]  }
0x126: {  	[tilespmem:s18+$0x19060] =	vst v1;
	v1 =	vmul.f32 $1.131370830e+01, v4;
	v4 =	vld [tilespmem:s18+$0xCC50]  }
0x127: {  	[tilespmem:s18+$0x19070] =	vst v0;
	v0 =	vmul.f32 $1.131370830e+01, v6;
	v6 =	vld [tilespmem:s18+$0xCC60]  }
0x128: {  	[tilespmem:s18+$0x1AC00] =	vst v1;
	v1 =	vmul.f32 $1.131370830e+01, v5;
	v5 =	vld [tilespmem:s18+$0xCC70]  }
0x129: {  	[tilespmem:s18+$0x1AC10] =	vst v0;
	v0 =	vmul.f32 $1.131370830e+01, v2;
	v2 =	vld [tilespmem:s18+$0xE800]  }
0x12a: {  	[tilespmem:s18+$0x1AC20] =	vst v1;
	v1 =	vmul.f32 $1.131370830e+01, v3;
	v3 =	vld [tilespmem:s18+$0xE810]  }
0x12b: {  	[tilespmem:s18+$0x1AC30] =	vst v0;
	v0 =	vmul.f32 $1.131370830e+01, v4;
	v4 =	vld [tilespmem:s18+$0xE820]  }
0x12c: {  	[tilespmem:s18+$0x1AC40] =	vst v1;
	v1 =	vmul.f32 $1.131370830e+01, v6;
	v6 =	vld [tilespmem:s18+$0xE830]  }
0x12d: {  	[tilespmem:s18+$0x1AC50] =	vst v0;
	v0 =	vmul.f32 $1.131370830e+01, v5;
	v5 =	vld [tilespmem:s18+$0xE840]  }
0x12e: {  	[tilespmem:s18+$0x1AC60] =	vst v1;
	v1 =	vmul.f32 $1.131370830e+01, v2;
	v2 =	vld [tilespmem:s18+$0xE850]  }
0x12f: {  	[tilespmem:s18+$0x1AC70] =	vst v0;
	v0 =	vmul.f32 $1.131370830e+01, v3;
	v3 =	vld [tilespmem:s18+$0xE860]  }
0x130: {  	[tilespmem:s18+$0x1C800] =	vst v1;
	v1 =	vmul.f32 $1.131370830e+01, v4;
	v4 =	vld [tilespmem:s18+$0xE870]  }
0x131: {  	[tilespmem:s18+$0x1C810] =	vst v0;
	v0 =	vmul.f32 $1.131370830e+01, v6;
	v6 =	vld [tilespmem:s18+$0x10400]  }
0x132: {  	[tilespmem:s18+$0x1C820] =	vst v1;
	v1 =	vmul.f32 $1.131370830e+01, v5;
	v5 =	vld [tilespmem:s18+$0x10410]  }
0x133: {  	[tilespmem:s18+$0x1C830] =	vst v0;
	v0 =	vmul.f32 $1.131370830e+01, v2;
	v2 =	vld [tilespmem:s18+$0x10420]  }
0x134: {  	[tilespmem:s18+$0x1C840] =	vst v1;
	v1 =	vmul.f32 $1.131370830e+01, v3;
	v3 =	vld [tilespmem:s18+$0x10430]  }
0x135: {  	[tilespmem:s18+$0x1C850] =	vst v0;
	v0 =	vmul.f32 $1.131370830e+01, v4;
	v4 =	vld [tilespmem:s18+$0x10440]  }
0x136: {  	[tilespmem:s18+$0x1C860] =	vst v1;
	v1 =	vmul.f32 $1.131370830e+01, v6;
	v6 =	vld [tilespmem:s18+$0x10450]  }
0x137: {  	[tilespmem:s18+$0x1C870] =	vst v0;
	v0 =	vmul.f32 $1.131370830e+01, v5;
	v5 =	vld [tilespmem:s18+$0x10460]  }
0x138: {  	[tilespmem:s18+$0x1E400] =	vst v1;
	v1 =	vmul.f32 $1.131370830e+01, v2;
	v2 =	vld [tilespmem:s18+$0x10470]  }
0x139: {  	[tilespmem:s18+$0x1E410] =	vst v0;
	v0 =	vmul.f32 $1.131370830e+01, v3;
	v3 =	vld [tilespmem:s18+$0xB080]  }
0x13a: {  	[tilespmem:s18+$0x1E420] =	vst v1;
	v1 =	vmul.f32 $1.131370830e+01, v4;
	v4 =	vld [tilespmem:s18+$0xB090]  }
0x13b: {  	[tilespmem:s18+$0x1E430] =	vst v0;
	v0 =	vmul.f32 $1.131370830e+01, v6;
	v6 =	vld [tilespmem:s18+$0xB0A0]  }
0x13c: {  	[tilespmem:s18+$0x1E440] =	vst v1;
	v1 =	vmul.f32 $1.131370830e+01, v5;
	v5 =	vld [tilespmem:s18+$0xB0B0]  }
0x13d: {  	[tilespmem:s18+$0x1E450] =	vst v0;
	v0 =	vmul.f32 $1.131370830e+01, v2;
	v2 =	vld [tilespmem:s18+$0xB0C0]  }
0x13e: {  	[tilespmem:s18+$0x1E460] =	vst v1;
	v1 =	vmul.f32 $1.131370830e+01, v3;
	v3 =	vld [tilespmem:s18+$0xB0D0]  }
0x13f: {  	[tilespmem:s18+$0x1E470] =	vst v0;
	v0 =	vmul.f32 $1.131370830e+01, v4;
	v4 =	vld [tilespmem:s18+$0xB0E0]  }
0x140: {  	[tilespmem:s18+$0x19080] =	vst v1;
	v1 =	vmul.f32 $1.131370830e+01, v6;
	v6 =	vld [tilespmem:s18+$0xB0F0]  }
0x141: {  	[tilespmem:s18+$0x19090] =	vst v0;
	v0 =	vmul.f32 $1.131370830e+01, v5;
	v5 =	vld [tilespmem:s18+$0xCC80]  }
0x142: {  	[tilespmem:s18+$0x190A0] =	vst v1;
	v1 =	vmul.f32 $1.131370830e+01, v2;
	v2 =	vld [tilespmem:s18+$0xCC90]  }
0x143: {  	[tilespmem:s18+$0x190B0] =	vst v0;
	v0 =	vmul.f32 $1.131370830e+01, v3;
	v3 =	vld [tilespmem:s18+$0xCCA0]  }
0x144: {  	[tilespmem:s18+$0x190C0] =	vst v1;
	v1 =	vmul.f32 $1.131370830e+01, v4;
	v4 =	vld [tilespmem:s18+$0xCCB0]  }
0x145: {  	[tilespmem:s18+$0x190D0] =	vst v0;
	v0 =	vmul.f32 $1.131370830e+01, v6;
	v6 =	vld [tilespmem:s18+$0xCCC0]  }
0x146: {  	[tilespmem:s18+$0x190E0] =	vst v1;
	v1 =	vmul.f32 $1.131370830e+01, v5;
	v5 =	vld [tilespmem:s18+$0xCCD0]  }
0x147: {  	[tilespmem:s18+$0x190F0] =	vst v0;
	v0 =	vmul.f32 $1.131370830e+01, v2;
	v2 =	vld [tilespmem:s18+$0xCCE0]  }
0x148: {  	[tilespmem:s18+$0x1AC80] =	vst v1;
	v1 =	vmul.f32 $1.131370830e+01, v3;
	v3 =	vld [tilespmem:s18+$0xCCF0]  }
0x149: {  	[tilespmem:s18+$0x1AC90] =	vst v0;
	v0 =	vmul.f32 $1.131370830e+01, v4;
	v4 =	vld [tilespmem:s18+$0xE880]  }
0x14a: {  	[tilespmem:s18+$0x1ACA0] =	vst v1;
	v1 =	vmul.f32 $1.131370830e+01, v6;
	v6 =	vld [tilespmem:s18+$0xE890]  }
0x14b: {  	[tilespmem:s18+$0x1ACB0] =	vst v0;
	v0 =	vmul.f32 $1.131370830e+01, v5;
	v5 =	vld [tilespmem:s18+$0xE8A0]  }
0x14c: {  	[tilespmem:s18+$0x1ACC0] =	vst v1;
	v1 =	vmul.f32 $1.131370830e+01, v2;
	v2 =	vld [tilespmem:s18+$0xE8B0]  }
0x14d: {  	[tilespmem:s18+$0x1ACD0] =	vst v0;
	v0 =	vmul.f32 $1.131370830e+01, v3;
	v3 =	vld [tilespmem:s18+$0xE8C0]  }
0x14e: {  	[tilespmem:s18+$0x1ACE0] =	vst v1;
	v1 =	vmul.f32 $1.131370830e+01, v4;
	v4 =	vld [tilespmem:s18+$0xE8D0]  }
0x14f: {  	[tilespmem:s18+$0x1ACF0] =	vst v0;
	v0 =	vmul.f32 $1.131370830e+01, v6;
	v6 =	vld [tilespmem:s18+$0xE8E0]  }
0x150: {  	[tilespmem:s18+$0x1C880] =	vst v1;
	v1 =	vmul.f32 $1.131370830e+01, v5;
	v5 =	vld [tilespmem:s18+$0xE8F0]  }
0x151: {  	[tilespmem:s18+$0x1C890] =	vst v0;
	v0 =	vmul.f32 $1.131370830e+01, v2;
	v7 =	vld [tilespmem:s18+$0x10480]  }
.Ltmp1:
0x152: {  	[tilespmem:s18+$0x1C8A0] =	vst v1;
	v1 =	vmul.f32 $1.131370830e+01, v3;
	v2 =	vld [tilespmem:s18+$0x10490];
	(pc) =	sbr.rel @p1 .LBB2_5-.Ltmp1, $4  }
0x153: {  	[tilespmem:s18+$0x1C8B0] =	vst v0;
	v3 =	vmul.f32 $1.131370830e+01, v4;
	v0 =	vld [tilespmem:s18+$0x104A0]  }
0x154: {  	[tilespmem:s18+$0x1C8C0] =	vst v1;
	v4 =	vmul.f32 $1.131370830e+01, v6;
	v1 =	vld [tilespmem:s18+$0x104B0]  }
0x155: {  	[tilespmem:s18+$0x1C8D0] =	vst v3;
	v6 =	vmul.f32 $1.131370830e+01, v5;
	v3 =	vld [tilespmem:s18+$0x104C0]  }
0x156: {  	s20 =	sadd.s32 $0x400, s20;
	[tilespmem:s18+$0x1C8E0] =	vst v4;
	v5 =	vmul.f32 $1.131370830e+01, v7;
	v4 =	vld [tilespmem:s18+$0x104D0]  }
0x157: {  	[tilespmem:s18+$0x1C8F0] =	vst v6;
	v2 =	vmul.f32 $1.131370830e+01, v2;
	v59 =	vld [tilespmem:s18+$0x104E0]  }
0x158: {  	[tilespmem:s18+$0x1E480] =	vst v5;
	v0 =	vmul.f32 $1.131370830e+01, v0  }
0x159: {  	[tilespmem:s18+$0x1E490] =	vst v2;
	v1 =	vmul.f32 $1.131370830e+01, v1  }
0x15a: {  	[tilespmem:s18+$0x1E4A0] =	vst v0;
	v60 =	vmul.f32 $1.131370830e+01, v3  }
0x15b: {  	[tilespmem:s18+$0x1E4B0] =	vst v1;
	v61 =	vmul.f32 $1.131370830e+01, v4  }
0x15c: {  	[tilespmem:s18+$0x1E4C0] =	vst v60;
	v62 =	vmul.f32 $1.131370830e+01, v59  }
0x15d: {  	[tilespmem:s18+$0x1E4D0] =	vst v61  }
0x15e: {  	s19 =	simm.s32 @!p0 $0x32;
	s20 =	simm.s32 @!p0 $0xB000;
	[tilespmem:s18+$0x1E4E0] =	vst v62;
	s18 =	sadd.s32 @!p0 $0x600, s16  }
0x15f: {  	[tilespmem:s20], [sflag:$0x2] =	stream.indirect.gather @!p0 [hbm4b:s1+s19], $0x80, s18, s19, $0xb8;
	v63 =	vld [tilespmem:$0x0]  }
0x160: {  	s18 =	sadd.s32 @!p0 $0x680, s16;
	s20 =	simm.s32 @!p0 $0xCC00  }
0x161: {  	[tilespmem:s20], [sflag:$0x2] =	stream.indirect.gather @!p0 [hbm4b:s1+s19], $0x80, s18, s19, $0xb8;
	v63 =	vld [tilespmem:$0x0]  }
0x162: {  	s17 =	sadd.s32 s17, s4;
	s18 =	sadd.s32 @!p0 $0x700, s16;
	s20 =	simm.s32 @!p0 $0xE800  }
0x163: {  	[tilespmem:s20], [sflag:$0x2] =	stream.indirect.gather @!p0 [hbm4b:s1+s19], $0x80, s18, s19, $0xb8;
	v63 =	vld [tilespmem:$0x0]  }
0x164: {  	s17 =	smul.u32 $0x380, s17;
	s16 =	sadd.s32 @!p0 $0x780, s16;
	s18 =	simm.s32 @!p0 $0x10400  }
0x165: {  	[tilespmem:s18], [sflag:$0x2] =	stream.indirect.gather @!p0 [hbm4b:s1+s19], $0x80, s16, s19, $0xb8;
	v63 =	vld [tilespmem:$0x0]  }
0x166: {  	s19 =	sadd.s32 s5, s17  }
0x167: {  	s15 =	sadd.s32 $0x1, s15;
	s17 =	sadd.s32 $0xE00, s19  }
0x168: {  	[hbm4b:s17+s3] =	stream.linear.scatter [tilespmem:s0], [sflag:$0x4], $0x1900, $0x38;
	v63 =	vld [tilespmem:$0x0]  }
0x169: {  	p0 =	sne.s32 s15, $0x10;
	s20 =	sadd.s32 $0x1180, s19  }
0x16a: {  	[hbm4b:s20+s3] =	stream.linear.scatter [tilespmem:s2], [sflag:$0x4], $0x1900, $0x38;
	v63 =	vld [tilespmem:$0x0]  }
.Ltmp2:
0x16b: {  	_ = 	snop;
	(pc) =	sbr.rel @p0 .LBB2_2-.Ltmp2, $4  }
0x16c: {  	s21 =	sadd.s32 $0x1500, s19  }
0x16d: {  	[hbm4b:s21+s3] =	stream.linear.scatter [tilespmem:s10], [sflag:$0x4], $0x1900, $0x38;
	v63 =	vld [tilespmem:$0x0]  }
0x16e: {  	s16 =	sadd.s32 $0x1880, s19  }
0x16f: {  	[hbm4b:s16+s3] =	stream.linear.scatter [tilespmem:s11], [sflag:$0x4], $0x1900, $0x38;
	v63 =	vld [tilespmem:$0x0]  }
0x170: {  	s14 =	sadd.s32 $0x1, s14  }
0x171: {  	_ =	swait.ge [sflag:s12], $0x6400;
	p0 =	sne.s32 s14, s7  }
.Ltmp3:
0x172: {  	[sflag:s12] =	ssyncset.done $0x0;
	(pc) =	sbr.rel @p0 .LBB2_1-.Ltmp3, $4  }
0x173: {  	[sflag:s12] =	ssyncadd.s32 $0xFFFF9C00  }
0x174: {  	_ =	swait.ge [sflag:s13], $0x6400  }
0x175: {  	[sflag:s13] =	ssyncset.done $0x0  }
0x176: {  	[sflag:s13] =	ssyncadd.s32 $0xFFFF9C00  }
0x177: {  	_ =	sfence.sel $0x180000  }
0x178: {  	[bflag:$0x0] =	sbarrier.arrive $0xFFFF  }
0x179: {  	_ =	strace $0x90000047  }
0x17a: {  	s0 =	stileid.u32;
	[bflag:$0x2] =	sbarrier.arrive $0xFFFF  }
0x17b: {  	p0 =	sne.s32 s0, $0x0;
	s0 =	rddreg [dreg:$0x3]  }
0x17c: {  	s0 =	sadd.s32 @!p0 $0x100000, s0  }
0x17d: {  	[sflag:s0] =	ssyncadd.tile.s32 @!p0 $0x1;
	_ =	shalt  }
.Lfunc_end2:
_tile_overlayer_lowered:
.L_overlay_start_2:
0x17e: {  	(tag) =	ssettag $0x2  }
0x17f: {  	s0 =	rddreg [dreg:$0x0];
	s2 =	stileid.u32  }
0x180: {  	s1 =	rddreg [dreg:$0x1];
	p0 =	sne.s32 s2, $0x0  }
0x181: {  	s3 =	rddreg [dreg:$0x2];
	[bflag:$0x3] =	sbarrier.arrive $0xFFFF;
	s2 =	simm.s32 @!p0 $0x1C05  }
0x182: {  	[timem:s3], [sflag:s2] =	dma.local @!p0 [hbm:s0], s1  }
0x183: {  	s0 =	simm.s32 @!p0 $0x5  }
0x184: {  	_ =	swait.ge @!p0 [sflag:s0], s1  }
0x185: {  	s1 =	ssub.s32 @!p0 $0x0, s1;
	[sflag:s0] =	ssyncset.done @!p0 $0x0  }
0x186: {  	[sflag:s0] =	ssyncadd.s32 @!p0 s1  }
0x187: {  	[bflag:$0x3] =	sbarrier.arrive $0xFFFF  }
0x188: {  	_ =	shalt  }

</sc_bundles>
